<compile_context>
chip_gen: v7x
topology: tpu7x:2x2x1
jax: 0.10.2.dev20260603
libtpu: 0.0.44.dev20260713+nightly
codegen_flags: <defaults>
</compile_context>

<pallas_src>
import functools

import jax
import jax.numpy as jnp
from jax import lax
from jax.experimental import pallas as pl
from jax.experimental.pallas import tpu as pltpu, tpu_sc as plsc

NUM_EMB = 1000000
DIM = 32
B_TOTAL = 4096 * 50
NQ = NUM_EMB // 4

_INFO = plsc.get_sparse_core_info()
_NC, _NS = _INFO.num_cores, _INFO.num_subcores
_NW = _NC * _NS
_B_PER_W = B_TOTAL // _NW
_CHUNK = 256
_N_CHUNKS = _B_PER_W // _CHUNK
_STG_W = _CHUNK * DIM


def _gather(q_flat, sub_flat, table_lin):
    mesh = plsc.VectorSubcoreMesh(core_axis_name="c", subcore_axis_name="s")

    @functools.partial(
        pl.kernel,
        mesh=mesh,
        compiler_params=pltpu.CompilerParams(use_tc_tiling_on_sc=True),
        out_type=jax.ShapeDtypeStruct((B_TOTAL * DIM,), jnp.float32),
        scratch_types=[
            pltpu.VMEM((_B_PER_W,), jnp.int32),
            pltpu.VMEM((_B_PER_W,), jnp.int32),
            pltpu.VMEM((_CHUNK, 128), jnp.float32),
            pltpu.VMEM((_CHUNK, 128), jnp.float32),
            pltpu.VMEM((_STG_W,), jnp.float32),
            pltpu.SemaphoreType.DMA,
            pltpu.SemaphoreType.DMA,
        ],
    )
    def k(lin_hbm, q_hbm, sub_hbm, out_hbm, q_v, sub_v, buf0, buf1, stage,
          sem0, sem1):
        wid = lax.axis_index("s") * _NC + lax.axis_index("c")
        base = wid * _B_PER_W
        pltpu.sync_copy(q_hbm.at[pl.ds(base, _B_PER_W)], q_v)
        pltpu.sync_copy(sub_hbm.at[pl.ds(base, _B_PER_W)], sub_v)
        bufs = (buf0, buf1)
        sems = (sem0, sem1)
        copies = []

        def _drain(c):
            copies[c].wait()
            buf = bufs[c % 2]

            @pl.loop(0, _CHUNK)
            def _row(j):
                s = sub_v[pl.ds(c * _CHUNK + j, 1)][0]
                row = buf.at[j]
                stage[pl.ds(j * DIM, 16)] = row[pl.ds(s, 16)]
                stage[pl.ds(j * DIM + 16, 16)] = row[pl.ds(s + 16, 16)]

            pltpu.sync_copy(
                stage,
                out_hbm.at[pl.ds((base + c * _CHUNK) * DIM, _STG_W)],
            )

        for c in range(_N_CHUNKS):
            copies.append(
                pltpu.async_copy(
                    lin_hbm.at[q_v.at[pl.ds(c * _CHUNK, _CHUNK)]],
                    bufs[c % 2],
                    sems[c % 2],
                )
            )
            if c >= 1:
                _drain(c - 1)
        _drain(_N_CHUNKS - 1)

    return k(table_lin, q_flat, sub_flat)


def kernel(input_ids, attention_mask, table):
    idx = input_ids.reshape(-1).astype(jnp.int32)
    q = idx >> 2
    sub = (idx & 3) << 5
    lin = table.reshape(NQ, 128)
    out = _gather(q, sub, lin)
    return out.reshape(input_ids.shape[0], input_ids.shape[1], DIM)

# --- scband reference (transcript-rebuilt; emitter-appended) ---
"""Pipeline reference for scband-embedding-model-88115549045596 (READ-ONLY COPY).

The authoritative reference and input builder live on the scoring server;
editing this copy changes nothing except your own understanding.
"""

import jax, jax.numpy as jnp
import numpy as np

NUM_EMBEDDINGS = 1000000
EMBEDDING_DIM = 32
BATCH = 4096
HIST = 50

def setup_inputs(seed: int = 0) -> dict:
    key = jax.random.key(seed)
    k1, k2 = jax.random.split(key)
    input_ids = jax.random.randint(k1, (BATCH, HIST), 0, NUM_EMBEDDINGS, dtype=jnp.int64 if jax.config.jax_enable_x64 else jnp.int32)
    attention_mask = jnp.ones((BATCH, HIST), dtype=jnp.float32)
    table = jax.random.normal(k2, (NUM_EMBEDDINGS, EMBEDDING_DIM), dtype=jnp.float32)
    return {"input_ids": input_ids, "attention_mask": attention_mask, "table": table}

def reference(input_ids, attention_mask, table):
    # nn.Embedding forward: gather rows of the table by input_ids.
    # attention_mask is accepted but unused, matching the original module.
    return jnp.take(table, input_ids, axis=0)

if __name__ == "__main__":
    import jax
    _d = setup_inputs()
    print(jax.jit(kernel)(*tuple(_d.values())))

</pallas_src>

<mosaic_0001>
#map = affine_map<(d0, d1) -> (0, 0)>
#map1 = affine_map<(d0, d1) -> (0)>
module attributes {stable_mosaic.version = 14 : i64} {
  func.func @k(%arg0: i32, %arg1: i32, %arg2: memref<250000x128xf32, #tpu.memory_space<hbm>>, %arg3: memref<204800xi32, #tpu.memory_space<hbm>>, %arg4: memref<204800xi32, #tpu.memory_space<hbm>>, %arg5: memref<6553600xf32, #tpu.memory_space<hbm>>, %arg6: memref<6400xi32, #tpu.memory_space<vmem>>, %arg7: memref<6400xi32, #tpu.memory_space<vmem>>, %arg8: memref<256x128xf32, #tpu.memory_space<vmem>>, %arg9: memref<256x128xf32, #tpu.memory_space<vmem>>, %arg10: memref<8192xf32, #tpu.memory_space<vmem>>, %arg11: memref<!tpu.dma_semaphore, #tpu.memory_space<semaphore_mem>>, %arg12: memref<!tpu.dma_semaphore, #tpu.memory_space<semaphore_mem>>) attributes {dimension_semantics = [#tpu.dimension_semantics<core_parallel>, #tpu.dimension_semantics<subcore_parallel>], iteration_bounds = array<i64: 2, 16>, scalar_prefetch = 0 : i64, scratch_operands = 7 : i64, tpu.core_type = #tpu.core_type<sc_vector_subcore>, window_params = [{transform_indices = #map}, {transform_indices = #map1}, {transform_indices = #map1}, {transform_indices = #map1}]} {
    %mul3A = arith.constant 2 : i32
    %mul3A_0 = arith.muli %arg1, %mul3A : i32
    %add3A = arith.addi %mul3A_0, %arg0 : i32
    %mul3A_1 = arith.constant 6400 : i32
    %mul3A_2 = arith.muli %add3A, %mul3A_1 : i32
    "tpu.region"() ({
      %run_scoped3A = tpu.sem_alloc : memref<!tpu.dma_semaphore, #tpu.memory_space<semaphore_mem>>
      %dma_start3A_475 = tpu.memref_slice %arg3[%mul3A_2] : memref<204800xi32, #tpu.memory_space<hbm>> -> memref<6400xi32, #tpu.memory_space<hbm>>
      %dma_start3A_476 = tpu.memref_slice %arg3[%mul3A_2] : memref<204800xi32, #tpu.memory_space<hbm>> -> memref<6400xi32, #tpu.memory_space<hbm>>
      tpu.enqueue_dma source(%dma_start3A_476 : memref<6400xi32, #tpu.memory_space<hbm>>) target(%arg6 : memref<6400xi32, #tpu.memory_space<vmem>>) target_semaphore(%run_scoped3A : memref<!tpu.dma_semaphore, #tpu.memory_space<semaphore_mem>>)
      %dma_wait3A_477 = tpu.memref_slice %arg3[%mul3A_2] : memref<204800xi32, #tpu.memory_space<hbm>> -> memref<6400xi32, #tpu.memory_space<hbm>>
      %dma_wait3A_478 = tpu.memref_slice %arg3[%mul3A_2] : memref<204800xi32, #tpu.memory_space<hbm>> -> memref<6400xi32, #tpu.memory_space<hbm>>
      tpu.wait_dma2 semaphore(%run_scoped3A : memref<!tpu.dma_semaphore, #tpu.memory_space<semaphore_mem>>) src(%dma_wait3A_478 : memref<6400xi32, #tpu.memory_space<hbm>>) dst(%arg6 : memref<6400xi32, #tpu.memory_space<vmem>>)
      tpu.yield
    }) : () -> ()
    "tpu.region"() ({
      %run_scoped3A = tpu.sem_alloc : memref<!tpu.dma_semaphore, #tpu.memory_space<semaphore_mem>>
      %dma_start3A_475 = tpu.memref_slice %arg4[%mul3A_2] : memref<204800xi32, #tpu.memory_space<hbm>> -> memref<6400xi32, #tpu.memory_space<hbm>>
      %dma_start3A_476 = tpu.memref_slice %arg4[%mul3A_2] : memref<204800xi32, #tpu.memory_space<hbm>> -> memref<6400xi32, #tpu.memory_space<hbm>>
      tpu.enqueue_dma source(%dma_start3A_476 : memref<6400xi32, #tpu.memory_space<hbm>>) target(%arg7 : memref<6400xi32, #tpu.memory_space<vmem>>) target_semaphore(%run_scoped3A : memref<!tpu.dma_semaphore, #tpu.memory_space<semaphore_mem>>)
      %dma_wait3A_477 = tpu.memref_slice %arg4[%mul3A_2] : memref<204800xi32, #tpu.memory_space<hbm>> -> memref<6400xi32, #tpu.memory_space<hbm>>
      %dma_wait3A_478 = tpu.memref_slice %arg4[%mul3A_2] : memref<204800xi32, #tpu.memory_space<hbm>> -> memref<6400xi32, #tpu.memory_space<hbm>>
      tpu.wait_dma2 semaphore(%run_scoped3A : memref<!tpu.dma_semaphore, #tpu.memory_space<semaphore_mem>>) src(%dma_wait3A_478 : memref<6400xi32, #tpu.memory_space<hbm>>) dst(%arg7 : memref<6400xi32, #tpu.memory_space<vmem>>)
      tpu.yield
    }) : () -> ()
    %dma_start3A = arith.constant 0 : i32
    %dma_start3A_3 = tpu.memref_slice %arg6[%dma_start3A] : memref<6400xi32, #tpu.memory_space<vmem>> -> memref<256xi32, #tpu.memory_space<vmem>>
    %dma_start3A_4 = arith.constant 0 : i32
    %dma_start3A_5 = arith.constant 0 : i32
    %dma_start3A_6 = tpu.memref_slice %arg2[%dma_start3A_4, %dma_start3A_5] : memref<250000x128xf32, #tpu.memory_space<hbm>> -> memref<250000x128xf32, #tpu.memory_space<hbm>>
    tpu.enqueue_indirect_dma source(%dma_start3A_6 : memref<250000x128xf32, #tpu.memory_space<hbm>>) target(%arg8 : memref<256x128xf32, #tpu.memory_space<vmem>>) offsets(%dma_start3A_3 : memref<256xi32, #tpu.memory_space<vmem>>) semaphore(%arg11 : memref<!tpu.dma_semaphore, #tpu.memory_space<semaphore_mem>>)
    %dma_start3A_7 = arith.constant 256 : i32
    %dma_start3A_8 = tpu.memref_slice %arg6[%dma_start3A_7] : memref<6400xi32, #tpu.memory_space<vmem>> -> memref<256xi32, #tpu.memory_space<vmem>>
    %dma_start3A_9 = arith.constant 0 : i32
    %dma_start3A_10 = arith.constant 0 : i32
    %dma_start3A_11 = tpu.memref_slice %arg2[%dma_start3A_9, %dma_start3A_10] : memref<250000x128xf32, #tpu.memory_space<hbm>> -> memref<250000x128xf32, #tpu.memory_space<hbm>>
    tpu.enqueue_indirect_dma source(%dma_start3A_11 : memref<250000x128xf32, #tpu.memory_space<hbm>>) target(%arg9 : memref<256x128xf32, #tpu.memory_space<vmem>>) offsets(%dma_start3A_8 : memref<256xi32, #tpu.memory_space<vmem>>) semaphore(%arg12 : memref<!tpu.dma_semaphore, #tpu.memory_space<semaphore_mem>>)
    %dma_wait3A = arith.constant 0 : i32
    %dma_wait3A_12 = tpu.memref_slice %arg6[%dma_wait3A] : memref<6400xi32, #tpu.memory_space<vmem>> -> memref<256xi32, #tpu.memory_space<vmem>>
    %dma_wait3A_13 = arith.constant 0 : i32
    %dma_wait3A_14 = arith.constant 0 : i32
    %dma_wait3A_15 = tpu.memref_slice %arg2[%dma_wait3A_13, %dma_wait3A_14] : memref<250000x128xf32, #tpu.memory_space<hbm>> -> memref<250000x128xf32, #tpu.memory_space<hbm>>
    tpu.wait_indirect_dma semaphore(%arg11 : memref<!tpu.dma_semaphore, #tpu.memory_space<semaphore_mem>>) src(%dma_wait3A_15 : memref<250000x128xf32, #tpu.memory_space<hbm>>) dst(%arg8 : memref<256x128xf32, #tpu.memory_space<vmem>>)
    %scan3A = arith.constant 0 : i32
    %scan3A_16 = arith.constant 256 : i32
    %scan3A_17 = arith.addi %scan3A, %scan3A_16 : i32
    %scan3A_18 = arith.constant 1 : i32
    scf.for %scan3A_475 = %scan3A to %scan3A_17 step %scan3A_18  : i32 {
      %mul3A_476 = arith.constant 1 : i32
      %mul3A_477 = arith.muli %scan3A_475, %mul3A_476 : i32
      %add3A_478 = arith.constant 0 : i32
      %add3A_479 = arith.addi %add3A_478, %mul3A_477 : i32
      %add3A_480 = arith.constant 0 : i32
      %add3A_481 = arith.addi %add3A_480, %add3A_479 : i32
      %get3A = arith.index_cast %add3A_481 : i32 to index
      %get3A_482 = tpu.vector_load %arg7[%get3A] {strides = array<i32>} : memref<6400xi32, #tpu.memory_space<vmem>>, vector<1xi32>,
      %get3A_483 = vector.shape_cast %get3A_482 : vector<1xi32> to vector<1xi32>
      %squeeze3A = vector.extract %get3A_483[0] : i32 from vector<1xi32>
      %get3A_484 = arith.constant 0 : i32
      %get3A_485 = tpu.memref_slice %arg8[%add3A_479, %get3A_484] : memref<256x128xf32, #tpu.memory_space<vmem>> -> memref<1x128xf32, #tpu.memory_space<vmem>>
      %get3A_486 = tpu.memref_squeeze %get3A_485 : memref<1x128xf32, #tpu.memory_space<vmem>> -> memref<128xf32, #tpu.memory_space<vmem>>
      %get3A_487 = arith.index_cast %squeeze3A : i32 to index
      %get3A_488 = tpu.vector_load %get3A_486[%get3A_487] {strides = array<i32>} : memref<128xf32, #tpu.memory_space<vmem>>, vector<16xf32>,
      %get3A_489 = vector.shape_cast %get3A_488 : vector<16xf32> to vector<16xf32>
      %mul3A_490 = arith.constant 32 : i32
      %mul3A_491 = arith.muli %add3A_479, %mul3A_490 : i32
      %swap3A = arith.index_cast %mul3A_491 : i32 to index
      %swap3A_492 = tpu.vector_load %arg10[%swap3A] {strides = array<i32>} : memref<8192xf32, #tpu.memory_space<vmem>>, vector<16xf32>,
      %swap3A_493 = vector.shape_cast %swap3A_492 : vector<16xf32> to vector<16xf32>
      %swap3A_494 = vector.shape_cast %get3A_489 : vector<16xf32> to vector<16xf32>
      tpu.vector_store %arg10[%swap3A], %swap3A_494 {strides = array<i32>} : memref<8192xf32, #tpu.memory_space<vmem>>, vector<16xf32>,
      %add3A_495 = arith.constant 16 : i32
      %add3A_496 = arith.addi %squeeze3A, %add3A_495 : i32
      %get3A_497 = arith.constant 0 : i32
      %get3A_498 = tpu.memref_slice %arg8[%add3A_479, %get3A_497] : memref<256x128xf32, #tpu.memory_space<vmem>> -> memref<1x128xf32, #tpu.memory_space<vmem>>
      %get3A_499 = tpu.memref_squeeze %get3A_498 : memref<1x128xf32, #tpu.memory_space<vmem>> -> memref<128xf32, #tpu.memory_space<vmem>>
      %get3A_500 = arith.index_cast %add3A_496 : i32 to index
      %get3A_501 = tpu.vector_load %get3A_499[%get3A_500] {strides = array<i32>} : memref<128xf32, #tpu.memory_space<vmem>>, vector<16xf32>,
      %get3A_502 = vector.shape_cast %get3A_501 : vector<16xf32> to vector<16xf32>
      %mul3A_503 = arith.constant 32 : i32
      %mul3A_504 = arith.muli %add3A_479, %mul3A_503 : i32
      %add3A_505 = arith.constant 16 : i32
      %add3A_506 = arith.addi %mul3A_504, %add3A_505 : i32
      %swap3A_507 = arith.index_cast %add3A_506 : i32 to index
      %swap3A_508 = tpu.vector_load %arg10[%swap3A_507] {strides = array<i32>} : memref<8192xf32, #tpu.memory_space<vmem>>, vector<16xf32>,
      %swap3A_509 = vector.shape_cast %swap3A_508 : vector<16xf32> to vector<16xf32>
      %swap3A_510 = vector.shape_cast %get3A_502 : vector<16xf32> to vector<16xf32>
      tpu.vector_store %arg10[%swap3A_507], %swap3A_510 {strides = array<i32>} : memref<8192xf32, #tpu.memory_space<vmem>>, vector<16xf32>,
    }
    %scan3A_19 = arith.constant 256 : i32
    %add3A_20 = arith.constant 0 : i32
    %add3A_21 = arith.addi %mul3A_2, %add3A_20 : i32
    %mul3A_22 = arith.constant 32 : i32
    %mul3A_23 = arith.muli %add3A_21, %mul3A_22 : i32
    "tpu.region"() ({
      %run_scoped3A = tpu.sem_alloc : memref<!tpu.dma_semaphore, #tpu.memory_space<semaphore_mem>>
      %dma_start3A_475 = tpu.memref_slice %arg5[%mul3A_23] : memref<6553600xf32, #tpu.memory_space<hbm>> -> memref<8192xf32, #tpu.memory_space<hbm>>
      %dma_start3A_476 = tpu.memref_slice %arg5[%mul3A_23] : memref<6553600xf32, #tpu.memory_space<hbm>> -> memref<8192xf32, #tpu.memory_space<hbm>>
      tpu.enqueue_dma source(%arg10 : memref<8192xf32, #tpu.memory_space<vmem>>) target(%dma_start3A_476 : memref<8192xf32, #tpu.memory_space<hbm>>) target_semaphore(%run_scoped3A : memref<!tpu.dma_semaphore, #tpu.memory_space<semaphore_mem>>)
      %dma_wait3A_477 = tpu.memref_slice %arg5[%mul3A_23] : memref<6553600xf32, #tpu.memory_space<hbm>> -> memref<8192xf32, #tpu.memory_space<hbm>>
      %dma_wait3A_478 = tpu.memref_slice %arg5[%mul3A_23] : memref<6553600xf32, #tpu.memory_space<hbm>> -> memref<8192xf32, #tpu.memory_space<hbm>>
      tpu.wait_dma2 semaphore(%run_scoped3A : memref<!tpu.dma_semaphore, #tpu.memory_space<semaphore_mem>>) src(%arg10 : memref<8192xf32, #tpu.memory_space<vmem>>) dst(%dma_wait3A_478 : memref<8192xf32, #tpu.memory_space<hbm>>)
      tpu.yield
    }) : () -> ()
    %dma_start3A_24 = arith.constant 512 : i32
    %dma_start3A_25 = tpu.memref_slice %arg6[%dma_start3A_24] : memref<6400xi32, #tpu.memory_space<vmem>> -> memref<256xi32, #tpu.memory_space<vmem>>
    %dma_start3A_26 = arith.constant 0 : i32
    %dma_start3A_27 = arith.constant 0 : i32
    %dma_start3A_28 = tpu.memref_slice %arg2[%dma_start3A_26, %dma_start3A_27] : memref<250000x128xf32, #tpu.memory_space<hbm>> -> memref<250000x128xf32, #tpu.memory_space<hbm>>
    tpu.enqueue_indirect_dma source(%dma_start3A_28 : memref<250000x128xf32, #tpu.memory_space<hbm>>) target(%arg8 : memref<256x128xf32, #tpu.memory_space<vmem>>) offsets(%dma_start3A_25 : memref<256xi32, #tpu.memory_space<vmem>>) semaphore(%arg11 : memref<!tpu.dma_semaphore, #tpu.memory_space<semaphore_mem>>)
    %dma_wait3A_29 = arith.constant 256 : i32
    %dma_wait3A_30 = tpu.memref_slice %arg6[%dma_wait3A_29] : memref<6400xi32, #tpu.memory_space<vmem>> -> memref<256xi32, #tpu.memory_space<vmem>>
    %dma_wait3A_31 = arith.constant 0 : i32
    %dma_wait3A_32 = arith.constant 0 : i32
    %dma_wait3A_33 = tpu.memref_slice %arg2[%dma_wait3A_31, %dma_wait3A_32] : memref<250000x128xf32, #tpu.memory_space<hbm>> -> memref<250000x128xf32, #tpu.memory_space<hbm>>
    tpu.wait_indirect_dma semaphore(%arg12 : memref<!tpu.dma_semaphore, #tpu.memory_space<semaphore_mem>>) src(%dma_wait3A_33 : memref<250000x128xf32, #tpu.memory_space<hbm>>) dst(%arg9 : memref<256x128xf32, #tpu.memory_space<vmem>>)
    %scan3A_34 = arith.constant 0 : i32
    %scan3A_35 = arith.constant 256 : i32
    %scan3A_36 = arith.addi %scan3A_34, %scan3A_35 : i32
    %scan3A_37 = arith.constant 1 : i32
    scf.for %scan3A_475 = %scan3A_34 to %scan3A_36 step %scan3A_37  : i32 {
      %mul3A_476 = arith.constant 1 : i32
      %mul3A_477 = arith.muli %scan3A_475, %mul3A_476 : i32
      %add3A_478 = arith.constant 0 : i32
      %add3A_479 = arith.addi %add3A_478, %mul3A_477 : i32
      %add3A_480 = arith.constant 256 : i32
      %add3A_481 = arith.addi %add3A_480, %add3A_479 : i32
      %get3A = arith.index_cast %add3A_481 : i32 to index
      %get3A_482 = tpu.vector_load %arg7[%get3A] {strides = array<i32>} : memref<6400xi32, #tpu.memory_space<vmem>>, vector<1xi32>,
      %get3A_483 = vector.shape_cast %get3A_482 : vector<1xi32> to vector<1xi32>
      %squeeze3A = vector.extract %get3A_483[0] : i32 from vector<1xi32>
      %get3A_484 = arith.constant 0 : i32
      %get3A_485 = tpu.memref_slice %arg9[%add3A_479, %get3A_484] : memref<256x128xf32, #tpu.memory_space<vmem>> -> memref<1x128xf32, #tpu.memory_space<vmem>>
      %get3A_486 = tpu.memref_squeeze %get3A_485 : memref<1x128xf32, #tpu.memory_space<vmem>> -> memref<128xf32, #tpu.memory_space<vmem>>
      %get3A_487 = arith.index_cast %squeeze3A : i32 to index
      %get3A_488 = tpu.vector_load %get3A_486[%get3A_487] {strides = array<i32>} : memref<128xf32, #tpu.memory_space<vmem>>, vector<16xf32>,
      %get3A_489 = vector.shape_cast %get3A_488 : vector<16xf32> to vector<16xf32>
      %mul3A_490 = arith.constant 32 : i32
      %mul3A_491 = arith.muli %add3A_479, %mul3A_490 : i32
      %swap3A = arith.index_cast %mul3A_491 : i32 to index
      %swap3A_492 = tpu.vector_load %arg10[%swap3A] {strides = array<i32>} : memref<8192xf32, #tpu.memory_space<vmem>>, vector<16xf32>,
      %swap3A_493 = vector.shape_cast %swap3A_492 : vector<16xf32> to vector<16xf32>
      %swap3A_494 = vector.shape_cast %get3A_489 : vector<16xf32> to vector<16xf32>
      tpu.vector_store %arg10[%swap3A], %swap3A_494 {strides = array<i32>} : memref<8192xf32, #tpu.memory_space<vmem>>, vector<16xf32>,
      %add3A_495 = arith.constant 16 : i32
      %add3A_496 = arith.addi %squeeze3A, %add3A_495 : i32
      %get3A_497 = arith.constant 0 : i32
      %get3A_498 = tpu.memref_slice %arg9[%add3A_479, %get3A_497] : memref<256x128xf32, #tpu.memory_space<vmem>> -> memref<1x128xf32, #tpu.memory_space<vmem>>
      %get3A_499 = tpu.memref_squeeze %get3A_498 : memref<1x128xf32, #tpu.memory_space<vmem>> -> memref<128xf32, #tpu.memory_space<vmem>>
      %get3A_500 = arith.index_cast %add3A_496 : i32 to index
      %get3A_501 = tpu.vector_load %get3A_499[%get3A_500] {strides = array<i32>} : memref<128xf32, #tpu.memory_space<vmem>>, vector<16xf32>,
      %get3A_502 = vector.shape_cast %get3A_501 : vector<16xf32> to vector<16xf32>
      %mul3A_503 = arith.constant 32 : i32
      %mul3A_504 = arith.muli %add3A_479, %mul3A_503 : i32
      %add3A_505 = arith.constant 16 : i32
      %add3A_506 = arith.addi %mul3A_504, %add3A_505 : i32
      %swap3A_507 = arith.index_cast %add3A_506 : i32 to index
      %swap3A_508 = tpu.vector_load %arg10[%swap3A_507] {strides = array<i32>} : memref<8192xf32, #tpu.memory_space<vmem>>, vector<16xf32>,
      %swap3A_509 = vector.shape_cast %swap3A_508 : vector<16xf32> to vector<16xf32>
      %swap3A_510 = vector.shape_cast %get3A_502 : vector<16xf32> to vector<16xf32>
      tpu.vector_store %arg10[%swap3A_507], %swap3A_510 {strides = array<i32>} : memref<8192xf32, #tpu.memory_space<vmem>>, vector<16xf32>,
    }
    %scan3A_38 = arith.constant 256 : i32
    %add3A_39 = arith.constant 256 : i32
    %add3A_40 = arith.addi %mul3A_2, %add3A_39 : i32
    %mul3A_41 = arith.constant 32 : i32
    %mul3A_42 = arith.muli %add3A_40, %mul3A_41 : i32
    "tpu.region"() ({
      %run_scoped3A = tpu.sem_alloc : memref<!tpu.dma_semaphore, #tpu.memory_space<semaphore_mem>>
      %dma_start3A_475 = tpu.memref_slice %arg5[%mul3A_42] : memref<6553600xf32, #tpu.memory_space<hbm>> -> memref<8192xf32, #tpu.memory_space<hbm>>
      %dma_start3A_476 = tpu.memref_slice %arg5[%mul3A_42] : memref<6553600xf32, #tpu.memory_space<hbm>> -> memref<8192xf32, #tpu.memory_space<hbm>>
      tpu.enqueue_dma source(%arg10 : memref<8192xf32, #tpu.memory_space<vmem>>) target(%dma_start3A_476 : memref<8192xf32, #tpu.memory_space<hbm>>) target_semaphore(%run_scoped3A : memref<!tpu.dma_semaphore, #tpu.memory_space<semaphore_mem>>)
      %dma_wait3A_477 = tpu.memref_slice %arg5[%mul3A_42] : memref<6553600xf32, #tpu.memory_space<hbm>> -> memref<8192xf32, #tpu.memory_space<hbm>>
      %dma_wait3A_478 = tpu.memref_slice %arg5[%mul3A_42] : memref<6553600xf32, #tpu.memory_space<hbm>> -> memref<8192xf32, #tpu.memory_space<hbm>>
      tpu.wait_dma2 semaphore(%run_scoped3A : memref<!tpu.dma_semaphore, #tpu.memory_space<semaphore_mem>>) src(%arg10 : memref<8192xf32, #tpu.memory_space<vmem>>) dst(%dma_wait3A_478 : memref<8192xf32, #tpu.memory_space<hbm>>)
      tpu.yield
    }) : () -> ()
    %dma_start3A_43 = arith.constant 768 : i32
    %dma_start3A_44 = tpu.memref_slice %arg6[%dma_start3A_43] : memref<6400xi32, #tpu.memory_space<vmem>> -> memref<256xi32, #tpu.memory_space<vmem>>
    %dma_start3A_45 = arith.constant 0 : i32
    %dma_start3A_46 = arith.constant 0 : i32
    %dma_start3A_47 = tpu.memref_slice %arg2[%dma_start3A_45, %dma_start3A_46] : memref<250000x128xf32, #tpu.memory_space<hbm>> -> memref<250000x128xf32, #tpu.memory_space<hbm>>
    tpu.enqueue_indirect_dma source(%dma_start3A_47 : memref<250000x128xf32, #tpu.memory_space<hbm>>) target(%arg9 : memref<256x128xf32, #tpu.memory_space<vmem>>) offsets(%dma_start3A_44 : memref<256xi32, #tpu.memory_space<vmem>>) semaphore(%arg12 : memref<!tpu.dma_semaphore, #tpu.memory_space<semaphore_mem>>)
    %dma_wait3A_48 = arith.constant 512 : i32
    %dma_wait3A_49 = tpu.memref_slice %arg6[%dma_wait3A_48] : memref<6400xi32, #tpu.memory_space<vmem>> -> memref<256xi32, #tpu.memory_space<vmem>>
    %dma_wait3A_50 = arith.constant 0 : i32
    %dma_wait3A_51 = arith.constant 0 : i32
    %dma_wait3A_52 = tpu.memref_slice %arg2[%dma_wait3A_50, %dma_wait3A_51] : memref<250000x128xf32, #tpu.memory_space<hbm>> -> memref<250000x128xf32, #tpu.memory_space<hbm>>
    tpu.wait_indirect_dma semaphore(%arg11 : memref<!tpu.dma_semaphore, #tpu.memory_space<semaphore_mem>>) src(%dma_wait3A_52 : memref<250000x128xf32, #tpu.memory_space<hbm>>) dst(%arg8 : memref<256x128xf32, #tpu.memory_space<vmem>>)
    %scan3A_53 = arith.constant 0 : i32
    %scan3A_54 = arith.constant 256 : i32
    %scan3A_55 = arith.addi %scan3A_53, %scan3A_54 : i32
    %scan3A_56 = arith.constant 1 : i32
    scf.for %scan3A_475 = %scan3A_53 to %scan3A_55 step %scan3A_56  : i32 {
      %mul3A_476 = arith.constant 1 : i32
      %mul3A_477 = arith.muli %scan3A_475, %mul3A_476 : i32
      %add3A_478 = arith.constant 0 : i32
      %add3A_479 = arith.addi %add3A_478, %mul3A_477 : i32
      %add3A_480 = arith.constant 512 : i32
      %add3A_481 = arith.addi %add3A_480, %add3A_479 : i32
      %get3A = arith.index_cast %add3A_481 : i32 to index
      %get3A_482 = tpu.vector_load %arg7[%get3A] {strides = array<i32>} : memref<6400xi32, #tpu.memory_space<vmem>>, vector<1xi32>,
      %get3A_483 = vector.shape_cast %get3A_482 : vector<1xi32> to vector<1xi32>
      %squeeze3A = vector.extract %get3A_483[0] : i32 from vector<1xi32>
      %get3A_484 = arith.constant 0 : i32
      %get3A_485 = tpu.memref_slice %arg8[%add3A_479, %get3A_484] : memref<256x128xf32, #tpu.memory_space<vmem>> -> memref<1x128xf32, #tpu.memory_space<vmem>>
      %get3A_486 = tpu.memref_squeeze %get3A_485 : memref<1x128xf32, #tpu.memory_space<vmem>> -> memref<128xf32, #tpu.memory_space<vmem>>
      %get3A_487 = arith.index_cast %squeeze3A : i32 to index
      %get3A_488 = tpu.vector_load %get3A_486[%get3A_487] {strides = array<i32>} : memref<128xf32, #tpu.memory_space<vmem>>, vector<16xf32>,
      %get3A_489 = vector.shape_cast %get3A_488 : vector<16xf32> to vector<16xf32>
      %mul3A_490 = arith.constant 32 : i32
      %mul3A_491 = arith.muli %add3A_479, %mul3A_490 : i32
      %swap3A = arith.index_cast %mul3A_491 : i32 to index
      %swap3A_492 = tpu.vector_load %arg10[%swap3A] {strides = array<i32>} : memref<8192xf32, #tpu.memory_space<vmem>>, vector<16xf32>,
      %swap3A_493 = vector.shape_cast %swap3A_492 : vector<16xf32> to vector<16xf32>
      %swap3A_494 = vector.shape_cast %get3A_489 : vector<16xf32> to vector<16xf32>
      tpu.vector_store %arg10[%swap3A], %swap3A_494 {strides = array<i32>} : memref<8192xf32, #tpu.memory_space<vmem>>, vector<16xf32>,
      %add3A_495 = arith.constant 16 : i32
      %add3A_496 = arith.addi %squeeze3A, %add3A_495 : i32
      %get3A_497 = arith.constant 0 : i32
      %get3A_498 = tpu.memref_slice %arg8[%add3A_479, %get3A_497] : memref<256x128xf32, #tpu.memory_space<vmem>> -> memref<1x128xf32, #tpu.memory_space<vmem>>
      %get3A_499 = tpu.memref_squeeze %get3A_498 : memref<1x128xf32, #tpu.memory_space<vmem>> -> memref<128xf32, #tpu.memory_space<vmem>>
      %get3A_500 = arith.index_cast %add3A_496 : i32 to index
      %get3A_501 = tpu.vector_load %get3A_499[%get3A_500] {strides = array<i32>} : memref<128xf32, #tpu.memory_space<vmem>>, vector<16xf32>,
      %get3A_502 = vector.shape_cast %get3A_501 : vector<16xf32> to vector<16xf32>
      %mul3A_503 = arith.constant 32 : i32
      %mul3A_504 = arith.muli %add3A_479, %mul3A_503 : i32
      %add3A_505 = arith.constant 16 : i32
      %add3A_506 = arith.addi %mul3A_504, %add3A_505 : i32
      %swap3A_507 = arith.index_cast %add3A_506 : i32 to index
      %swap3A_508 = tpu.vector_load %arg10[%swap3A_507] {strides = array<i32>} : memref<8192xf32, #tpu.memory_space<vmem>>, vector<16xf32>,
      %swap3A_509 = vector.shape_cast %swap3A_508 : vector<16xf32> to vector<16xf32>
      %swap3A_510 = vector.shape_cast %get3A_502 : vector<16xf32> to vector<16xf32>
      tpu.vector_store %arg10[%swap3A_507], %swap3A_510 {strides = array<i32>} : memref<8192xf32, #tpu.memory_space<vmem>>, vector<16xf32>,
    }
    %scan3A_57 = arith.constant 256 : i32
    %add3A_58 = arith.constant 512 : i32
    %add3A_59 = arith.addi %mul3A_2, %add3A_58 : i32
    %mul3A_60 = arith.constant 32 : i32
    %mul3A_61 = arith.muli %add3A_59, %mul3A_60 : i32
    "tpu.region"() ({
      %run_scoped3A = tpu.sem_alloc : memref<!tpu.dma_semaphore, #tpu.memory_space<semaphore_mem>>
      %dma_start3A_475 = tpu.memref_slice %arg5[%mul3A_61] : memref<6553600xf32, #tpu.memory_space<hbm>> -> memref<8192xf32, #tpu.memory_space<hbm>>
      %dma_start3A_476 = tpu.memref_slice %arg5[%mul3A_61] : memref<6553600xf32, #tpu.memory_space<hbm>> -> memref<8192xf32, #tpu.memory_space<hbm>>
      tpu.enqueue_dma source(%arg10 : memref<8192xf32, #tpu.memory_space<vmem>>) target(%dma_start3A_476 : memref<8192xf32, #tpu.memory_space<hbm>>) target_semaphore(%run_scoped3A : memref<!tpu.dma_semaphore, #tpu.memory_space<semaphore_mem>>)
      %dma_wait3A_477 = tpu.memref_slice %arg5[%mul3A_61] : memref<6553600xf32, #tpu.memory_space<hbm>> -> memref<8192xf32, #tpu.memory_space<hbm>>
      %dma_wait3A_478 = tpu.memref_slice %arg5[%mul3A_61] : memref<6553600xf32, #tpu.memory_space<hbm>> -> memref<8192xf32, #tpu.memory_space<hbm>>
      tpu.wait_dma2 semaphore(%run_scoped3A : memref<!tpu.dma_semaphore, #tpu.memory_space<semaphore_mem>>) src(%arg10 : memref<8192xf32, #tpu.memory_space<vmem>>) dst(%dma_wait3A_478 : memref<8192xf32, #tpu.memory_space<hbm>>)
      tpu.yield
    }) : () -> ()
    %dma_start3A_62 = arith.constant 1024 : i32
    %dma_start3A_63 = tpu.memref_slice %arg6[%dma_start3A_62] : memref<6400xi32, #tpu.memory_space<vmem>> -> memref<256xi32, #tpu.memory_space<vmem>>
    %dma_start3A_64 = arith.constant 0 : i32
    %dma_start3A_65 = arith.constant 0 : i32
    %dma_start3A_66 = tpu.memref_slice %arg2[%dma_start3A_64, %dma_start3A_65] : memref<250000x128xf32, #tpu.memory_space<hbm>> -> memref<250000x128xf32, #tpu.memory_space<hbm>>
    tpu.enqueue_indirect_dma source(%dma_start3A_66 : memref<250000x128xf32, #tpu.memory_space<hbm>>) target(%arg8 : memref<256x128xf32, #tpu.memory_space<vmem>>) offsets(%dma_start3A_63 : memref<256xi32, #tpu.memory_space<vmem>>) semaphore(%arg11 : memref<!tpu.dma_semaphore, #tpu.memory_space<semaphore_mem>>)
    %dma_wait3A_67 = arith.constant 768 : i32
    %dma_wait3A_68 = tpu.memref_slice %arg6[%dma_wait3A_67] : memref<6400xi32, #tpu.memory_space<vmem>> -> memref<256xi32, #tpu.memory_space<vmem>>
    %dma_wait3A_69 = arith.constant 0 : i32
    %dma_wait3A_70 = arith.constant 0 : i32
    %dma_wait3A_71 = tpu.memref_slice %arg2[%dma_wait3A_69, %dma_wait3A_70] : memref<250000x128xf32, #tpu.memory_space<hbm>> -> memref<250000x128xf32, #tpu.memory_space<hbm>>
    tpu.wait_indirect_dma semaphore(%arg12 : memref<!tpu.dma_semaphore, #tpu.memory_space<semaphore_mem>>) src(%dma_wait3A_71 : memref<250000x128xf32, #tpu.memory_space<hbm>>) dst(%arg9 : memref<256x128xf32, #tpu.memory_space<vmem>>)
    %scan3A_72 = arith.constant 0 : i32
    %scan3A_73 = arith.constant 256 : i32
    %scan3A_74 = arith.addi %scan3A_72, %scan3A_73 : i32
    %scan3A_75 = arith.constant 1 : i32
    scf.for %scan3A_475 = %scan3A_72 to %scan3A_74 step %scan3A_75  : i32 {
      %mul3A_476 = arith.constant 1 : i32
      %mul3A_477 = arith.muli %scan3A_475, %mul3A_476 : i32
      %add3A_478 = arith.constant 0 : i32
      %add3A_479 = arith.addi %add3A_478, %mul3A_477 : i32
      %add3A_480 = arith.constant 768 : i32
      %add3A_481 = arith.addi %add3A_480, %add3A_479 : i32
      %get3A = arith.index_cast %add3A_481 : i32 to index
      %get3A_482 = tpu.vector_load %arg7[%get3A] {strides = array<i32>} : memref<6400xi32, #tpu.memory_space<vmem>>, vector<1xi32>,
      %get3A_483 = vector.shape_cast %get3A_482 : vector<1xi32> to vector<1xi32>
      %squeeze3A = vector.extract %get3A_483[0] : i32 from vector<1xi32>
      %get3A_484 = arith.constant 0 : i32
      %get3A_485 = tpu.memref_slice %arg9[%add3A_479, %get3A_484] : memref<256x128xf32, #tpu.memory_space<vmem>> -> memref<1x128xf32, #tpu.memory_space<vmem>>
      %get3A_486 = tpu.memref_squeeze %get3A_485 : memref<1x128xf32, #tpu.memory_space<vmem>> -> memref<128xf32, #tpu.memory_space<vmem>>
      %get3A_487 = arith.index_cast %squeeze3A : i32 to index
      %get3A_488 = tpu.vector_load %get3A_486[%get3A_487] {strides = array<i32>} : memref<128xf32, #tpu.memory_space<vmem>>, vector<16xf32>,
      %get3A_489 = vector.shape_cast %get3A_488 : vector<16xf32> to vector<16xf32>
      %mul3A_490 = arith.constant 32 : i32
      %mul3A_491 = arith.muli %add3A_479, %mul3A_490 : i32
      %swap3A = arith.index_cast %mul3A_491 : i32 to index
      %swap3A_492 = tpu.vector_load %arg10[%swap3A] {strides = array<i32>} : memref<8192xf32, #tpu.memory_space<vmem>>, vector<16xf32>,
      %swap3A_493 = vector.shape_cast %swap3A_492 : vector<16xf32> to vector<16xf32>
      %swap3A_494 = vector.shape_cast %get3A_489 : vector<16xf32> to vector<16xf32>
      tpu.vector_store %arg10[%swap3A], %swap3A_494 {strides = array<i32>} : memref<8192xf32, #tpu.memory_space<vmem>>, vector<16xf32>,
      %add3A_495 = arith.constant 16 : i32
      %add3A_496 = arith.addi %squeeze3A, %add3A_495 : i32
      %get3A_497 = arith.constant 0 : i32
      %get3A_498 = tpu.memref_slice %arg9[%add3A_479, %get3A_497] : memref<256x128xf32, #tpu.memory_space<vmem>> -> memref<1x128xf32, #tpu.memory_space<vmem>>
      %get3A_499 = tpu.memref_squeeze %get3A_498 : memref<1x128xf32, #tpu.memory_space<vmem>> -> memref<128xf32, #tpu.memory_space<vmem>>
      %get3A_500 = arith.index_cast %add3A_496 : i32 to index
      %get3A_501 = tpu.vector_load %get3A_499[%get3A_500] {strides = array<i32>} : memref<128xf32, #tpu.memory_space<vmem>>, vector<16xf32>,
      %get3A_502 = vector.shape_cast %get3A_501 : vector<16xf32> to vector<16xf32>
      %mul3A_503 = arith.constant 32 : i32
      %mul3A_504 = arith.muli %add3A_479, %mul3A_503 : i32
      %add3A_505 = arith.constant 16 : i32
      %add3A_506 = arith.addi %mul3A_504, %add3A_505 : i32
      %swap3A_507 = arith.index_cast %add3A_506 : i32 to index
      %swap3A_508 = tpu.vector_load %arg10[%swap3A_507] {strides = array<i32>} : memref<8192xf32, #tpu.memory_space<vmem>>, vector<16xf32>,
      %swap3A_509 = vector.shape_cast %swap3A_508 : vector<16xf32> to vector<16xf32>
      %swap3A_510 = vector.shape_cast %get3A_502 : vector<16xf32> to vector<16xf32>
      tpu.vector_store %arg10[%swap3A_507], %swap3A_510 {strides = array<i32>} : memref<8192xf32, #tpu.memory_space<vmem>>, vector<16xf32>,
    }
    %scan3A_76 = arith.constant 256 : i32
    %add3A_77 = arith.constant 768 : i32
    %add3A_78 = arith.addi %mul3A_2, %add3A_77 : i32
    %mul3A_79 = arith.constant 32 : i32
    %mul3A_80 = arith.muli %add3A_78, %mul3A_79 : i32
    "tpu.region"() ({
      %run_scoped3A = tpu.sem_alloc : memref<!tpu.dma_semaphore, #tpu.memory_space<semaphore_mem>>
      %dma_start3A_475 = tpu.memref_slice %arg5[%mul3A_80] : memref<6553600xf32, #tpu.memory_space<hbm>> -> memref<8192xf32, #tpu.memory_space<hbm>>
      %dma_start3A_476 = tpu.memref_slice %arg5[%mul3A_80] : memref<6553600xf32, #tpu.memory_space<hbm>> -> memref<8192xf32, #tpu.memory_space<hbm>>
      tpu.enqueue_dma source(%arg10 : memref<8192xf32, #tpu.memory_space<vmem>>) target(%dma_start3A_476 : memref<8192xf32, #tpu.memory_space<hbm>>) target_semaphore(%run_scoped3A : memref<!tpu.dma_semaphore, #tpu.memory_space<semaphore_mem>>)
      %dma_wait3A_477 = tpu.memref_slice %arg5[%mul3A_80] : memref<6553600xf32, #tpu.memory_space<hbm>> -> memref<8192xf32, #tpu.memory_space<hbm>>
      %dma_wait3A_478 = tpu.memref_slice %arg5[%mul3A_80] : memref<6553600xf32, #tpu.memory_space<hbm>> -> memref<8192xf32, #tpu.memory_space<hbm>>
      tpu.wait_dma2 semaphore(%run_scoped3A : memref<!tpu.dma_semaphore, #tpu.memory_space<semaphore_mem>>) src(%arg10 : memref<8192xf32, #tpu.memory_space<vmem>>) dst(%dma_wait3A_478 : memref<8192xf32, #tpu.memory_space<hbm>>)
      tpu.yield
    }) : () -> ()
    %dma_start3A_81 = arith.constant 1280 : i32
    %dma_start3A_82 = tpu.memref_slice %arg6[%dma_start3A_81] : memref<6400xi32, #tpu.memory_space<vmem>> -> memref<256xi32, #tpu.memory_space<vmem>>
    %dma_start3A_83 = arith.constant 0 : i32
    %dma_start3A_84 = arith.constant 0 : i32
    %dma_start3A_85 = tpu.memref_slice %arg2[%dma_start3A_83, %dma_start3A_84] : memref<250000x128xf32, #tpu.memory_space<hbm>> -> memref<250000x128xf32, #tpu.memory_space<hbm>>
    tpu.enqueue_indirect_dma source(%dma_start3A_85 : memref<250000x128xf32, #tpu.memory_space<hbm>>) target(%arg9 : memref<256x128xf32, #tpu.memory_space<vmem>>) offsets(%dma_start3A_82 : memref<256xi32, #tpu.memory_space<vmem>>) semaphore(%arg12 : memref<!tpu.dma_semaphore, #tpu.memory_space<semaphore_mem>>)
    %dma_wait3A_86 = arith.constant 1024 : i32
    %dma_wait3A_87 = tpu.memref_slice %arg6[%dma_wait3A_86] : memref<6400xi32, #tpu.memory_space<vmem>> -> memref<256xi32, #tpu.memory_space<vmem>>
    %dma_wait3A_88 = arith.constant 0 : i32
    %dma_wait3A_89 = arith.constant 0 : i32
    %dma_wait3A_90 = tpu.memref_slice %arg2[%dma_wait3A_88, %dma_wait3A_89] : memref<250000x128xf32, #tpu.memory_space<hbm>> -> memref<250000x128xf32, #tpu.memory_space<hbm>>
    tpu.wait_indirect_dma semaphore(%arg11 : memref<!tpu.dma_semaphore, #tpu.memory_space<semaphore_mem>>) src(%dma_wait3A_90 : memref<250000x128xf32, #tpu.memory_space<hbm>>) dst(%arg8 : memref<256x128xf32, #tpu.memory_space<vmem>>)
    %scan3A_91 = arith.constant 0 : i32
    %scan3A_92 = arith.constant 256 : i32
    %scan3A_93 = arith.addi %scan3A_91, %scan3A_92 : i32
    %scan3A_94 = arith.constant 1 : i32
    scf.for %scan3A_475 = %scan3A_91 to %scan3A_93 step %scan3A_94  : i32 {
      %mul3A_476 = arith.constant 1 : i32
      %mul3A_477 = arith.muli %scan3A_475, %mul3A_476 : i32
      %add3A_478 = arith.constant 0 : i32
      %add3A_479 = arith.addi %add3A_478, %mul3A_477 : i32
      %add3A_480 = arith.constant 1024 : i32
      %add3A_481 = arith.addi %add3A_480, %add3A_479 : i32
      %get3A = arith.index_cast %add3A_481 : i32 to index
      %get3A_482 = tpu.vector_load %arg7[%get3A] {strides = array<i32>} : memref<6400xi32, #tpu.memory_space<vmem>>, vector<1xi32>,
      %get3A_483 = vector.shape_cast %get3A_482 : vector<1xi32> to vector<1xi32>
      %squeeze3A = vector.extract %get3A_483[0] : i32 from vector<1xi32>
      %get3A_484 = arith.constant 0 : i32
      %get3A_485 = tpu.memref_slice %arg8[%add3A_479, %get3A_484] : memref<256x128xf32, #tpu.memory_space<vmem>> -> memref<1x128xf32, #tpu.memory_space<vmem>>
      %get3A_486 = tpu.memref_squeeze %get3A_485 : memref<1x128xf32, #tpu.memory_space<vmem>> -> memref<128xf32, #tpu.memory_space<vmem>>
      %get3A_487 = arith.index_cast %squeeze3A : i32 to index
      %get3A_488 = tpu.vector_load %get3A_486[%get3A_487] {strides = array<i32>} : memref<128xf32, #tpu.memory_space<vmem>>, vector<16xf32>,
      %get3A_489 = vector.shape_cast %get3A_488 : vector<16xf32> to vector<16xf32>
      %mul3A_490 = arith.constant 32 : i32
      %mul3A_491 = arith.muli %add3A_479, %mul3A_490 : i32
      %swap3A = arith.index_cast %mul3A_491 : i32 to index
      %swap3A_492 = tpu.vector_load %arg10[%swap3A] {strides = array<i32>} : memref<8192xf32, #tpu.memory_space<vmem>>, vector<16xf32>,
      %swap3A_493 = vector.shape_cast %swap3A_492 : vector<16xf32> to vector<16xf32>
      %swap3A_494 = vector.shape_cast %get3A_489 : vector<16xf32> to vector<16xf32>
      tpu.vector_store %arg10[%swap3A], %swap3A_494 {strides = array<i32>} : memref<8192xf32, #tpu.memory_space<vmem>>, vector<16xf32>,
      %add3A_495 = arith.constant 16 : i32
      %add3A_496 = arith.addi %squeeze3A, %add3A_495 : i32
      %get3A_497 = arith.constant 0 : i32
      %get3A_498 = tpu.memref_slice %arg8[%add3A_479, %get3A_497] : memref<256x128xf32, #tpu.memory_space<vmem>> -> memref<1x128xf32, #tpu.memory_space<vmem>>
      %get3A_499 = tpu.memref_squeeze %get3A_498 : memref<1x128xf32, #tpu.memory_space<vmem>> -> memref<128xf32, #tpu.memory_space<vmem>>
      %get3A_500 = arith.index_cast %add3A_496 : i32 to index
      %get3A_501 = tpu.vector_load %get3A_499[%get3A_500] {strides = array<i32>} : memref<128xf32, #tpu.memory_space<vmem>>, vector<16xf32>,
      %get3A_502 = vector.shape_cast %get3A_501 : vector<16xf32> to vector<16xf32>
      %mul3A_503 = arith.constant 32 : i32
      %mul3A_504 = arith.muli %add3A_479, %mul3A_503 : i32
      %add3A_505 = arith.constant 16 : i32
      %add3A_506 = arith.addi %mul3A_504, %add3A_505 : i32
      %swap3A_507 = arith.index_cast %add3A_506 : i32 to index
      %swap3A_508 = tpu.vector_load %arg10[%swap3A_507] {strides = array<i32>} : memref<8192xf32, #tpu.memory_space<vmem>>, vector<16xf32>,
      %swap3A_509 = vector.shape_cast %swap3A_508 : vector<16xf32> to vector<16xf32>
      %swap3A_510 = vector.shape_cast %get3A_502 : vector<16xf32> to vector<16xf32>
      tpu.vector_store %arg10[%swap3A_507], %swap3A_510 {strides = array<i32>} : memref<8192xf32, #tpu.memory_space<vmem>>, vector<16xf32>,
    }
    %scan3A_95 = arith.constant 256 : i32
    %add3A_96 = arith.constant 1024 : i32
    %add3A_97 = arith.addi %mul3A_2, %add3A_96 : i32
    %mul3A_98 = arith.constant 32 : i32
    %mul3A_99 = arith.muli %add3A_97, %mul3A_98 : i32
    "tpu.region"() ({
      %run_scoped3A = tpu.sem_alloc : memref<!tpu.dma_semaphore, #tpu.memory_space<semaphore_mem>>
      %dma_start3A_475 = tpu.memref_slice %arg5[%mul3A_99] : memref<6553600xf32, #tpu.memory_space<hbm>> -> memref<8192xf32, #tpu.memory_space<hbm>>
      %dma_start3A_476 = tpu.memref_slice %arg5[%mul3A_99] : memref<6553600xf32, #tpu.memory_space<hbm>> -> memref<8192xf32, #tpu.memory_space<hbm>>
      tpu.enqueue_dma source(%arg10 : memref<8192xf32, #tpu.memory_space<vmem>>) target(%dma_start3A_476 : memref<8192xf32, #tpu.memory_space<hbm>>) target_semaphore(%run_scoped3A : memref<!tpu.dma_semaphore, #tpu.memory_space<semaphore_mem>>)
      %dma_wait3A_477 = tpu.memref_slice %arg5[%mul3A_99] : memref<6553600xf32, #tpu.memory_space<hbm>> -> memref<8192xf32, #tpu.memory_space<hbm>>
      %dma_wait3A_478 = tpu.memref_slice %arg5[%mul3A_99] : memref<6553600xf32, #tpu.memory_space<hbm>> -> memref<8192xf32, #tpu.memory_space<hbm>>
      tpu.wait_dma2 semaphore(%run_scoped3A : memref<!tpu.dma_semaphore, #tpu.memory_space<semaphore_mem>>) src(%arg10 : memref<8192xf32, #tpu.memory_space<vmem>>) dst(%dma_wait3A_478 : memref<8192xf32, #tpu.memory_space<hbm>>)
      tpu.yield
    }) : () -> ()
    %dma_start3A_100 = arith.constant 1536 : i32
    %dma_start3A_101 = tpu.memref_slice %arg6[%dma_start3A_100] : memref<6400xi32, #tpu.memory_space<vmem>> -> memref<256xi32, #tpu.memory_space<vmem>>
    %dma_start3A_102 = arith.constant 0 : i32
    %dma_start3A_103 = arith.constant 0 : i32
    %dma_start3A_104 = tpu.memref_slice %arg2[%dma_start3A_102, %dma_start3A_103] : memref<250000x128xf32, #tpu.memory_space<hbm>> -> memref<250000x128xf32, #tpu.memory_space<hbm>>
    tpu.enqueue_indirect_dma source(%dma_start3A_104 : memref<250000x128xf32, #tpu.memory_space<hbm>>) target(%arg8 : memref<256x128xf32, #tpu.memory_space<vmem>>) offsets(%dma_start3A_101 : memref<256xi32, #tpu.memory_space<vmem>>) semaphore(%arg11 : memref<!tpu.dma_semaphore, #tpu.memory_space<semaphore_mem>>)
    %dma_wait3A_105 = arith.constant 1280 : i32
    %dma_wait3A_106 = tpu.memref_slice %arg6[%dma_wait3A_105] : memref<6400xi32, #tpu.memory_space<vmem>> -> memref<256xi32, #tpu.memory_space<vmem>>
    %dma_wait3A_107 = arith.constant 0 : i32
    %dma_wait3A_108 = arith.constant 0 : i32
    %dma_wait3A_109 = tpu.memref_slice %arg2[%dma_wait3A_107, %dma_wait3A_108] : memref<250000x128xf32, #tpu.memory_space<hbm>> -> memref<250000x128xf32, #tpu.memory_space<hbm>>
    tpu.wait_indirect_dma semaphore(%arg12 : memref<!tpu.dma_semaphore, #tpu.memory_space<semaphore_mem>>) src(%dma_wait3A_109 : memref<250000x128xf32, #tpu.memory_space<hbm>>) dst(%arg9 : memref<256x128xf32, #tpu.memory_space<vmem>>)
    %scan3A_110 = arith.constant 0 : i32
    %scan3A_111 = arith.constant 256 : i32
    %scan3A_112 = arith.addi %scan3A_110, %scan3A_111 : i32
    %scan3A_113 = arith.constant 1 : i32
    scf.for %scan3A_475 = %scan3A_110 to %scan3A_112 step %scan3A_113  : i32 {
      %mul3A_476 = arith.constant 1 : i32
      %mul3A_477 = arith.muli %scan3A_475, %mul3A_476 : i32
      %add3A_478 = arith.constant 0 : i32
      %add3A_479 = arith.addi %add3A_478, %mul3A_477 : i32
      %add3A_480 = arith.constant 1280 : i32
      %add3A_481 = arith.addi %add3A_480, %add3A_479 : i32
      %get3A = arith.index_cast %add3A_481 : i32 to index
      %get3A_482 = tpu.vector_load %arg7[%get3A] {strides = array<i32>} : memref<6400xi32, #tpu.memory_space<vmem>>, vector<1xi32>,
      %get3A_483 = vector.shape_cast %get3A_482 : vector<1xi32> to vector<1xi32>
      %squeeze3A = vector.extract %get3A_483[0] : i32 from vector<1xi32>
      %get3A_484 = arith.constant 0 : i32
      %get3A_485 = tpu.memref_slice %arg9[%add3A_479, %get3A_484] : memref<256x128xf32, #tpu.memory_space<vmem>> -> memref<1x128xf32, #tpu.memory_space<vmem>>
      %get3A_486 = tpu.memref_squeeze %get3A_485 : memref<1x128xf32, #tpu.memory_space<vmem>> -> memref<128xf32, #tpu.memory_space<vmem>>
      %get3A_487 = arith.index_cast %squeeze3A : i32 to index
      %get3A_488 = tpu.vector_load %get3A_486[%get3A_487] {strides = array<i32>} : memref<128xf32, #tpu.memory_space<vmem>>, vector<16xf32>,
      %get3A_489 = vector.shape_cast %get3A_488 : vector<16xf32> to vector<16xf32>
      %mul3A_490 = arith.constant 32 : i32
      %mul3A_491 = arith.muli %add3A_479, %mul3A_490 : i32
      %swap3A = arith.index_cast %mul3A_491 : i32 to index
      %swap3A_492 = tpu.vector_load %arg10[%swap3A] {strides = array<i32>} : memref<8192xf32, #tpu.memory_space<vmem>>, vector<16xf32>,
      %swap3A_493 = vector.shape_cast %swap3A_492 : vector<16xf32> to vector<16xf32>
      %swap3A_494 = vector.shape_cast %get3A_489 : vector<16xf32> to vector<16xf32>
      tpu.vector_store %arg10[%swap3A], %swap3A_494 {strides = array<i32>} : memref<8192xf32, #tpu.memory_space<vmem>>, vector<16xf32>,
      %add3A_495 = arith.constant 16 : i32
      %add3A_496 = arith.addi %squeeze3A, %add3A_495 : i32
      %get3A_497 = arith.constant 0 : i32
      %get3A_498 = tpu.memref_slice %arg9[%add3A_479, %get3A_497] : memref<256x128xf32, #tpu.memory_space<vmem>> -> memref<1x128xf32, #tpu.memory_space<vmem>>
      %get3A_499 = tpu.memref_squeeze %get3A_498 : memref<1x128xf32, #tpu.memory_space<vmem>> -> memref<128xf32, #tpu.memory_space<vmem>>
      %get3A_500 = arith.index_cast %add3A_496 : i32 to index
      %get3A_501 = tpu.vector_load %get3A_499[%get3A_500] {strides = array<i32>} : memref<128xf32, #tpu.memory_space<vmem>>, vector<16xf32>,
      %get3A_502 = vector.shape_cast %get3A_501 : vector<16xf32> to vector<16xf32>
      %mul3A_503 = arith.constant 32 : i32
      %mul3A_504 = arith.muli %add3A_479, %mul3A_503 : i32
      %add3A_505 = arith.constant 16 : i32
      %add3A_506 = arith.addi %mul3A_504, %add3A_505 : i32
      %swap3A_507 = arith.index_cast %add3A_506 : i32 to index
      %swap3A_508 = tpu.vector_load %arg10[%swap3A_507] {strides = array<i32>} : memref<8192xf32, #tpu.memory_space<vmem>>, vector<16xf32>,
      %swap3A_509 = vector.shape_cast %swap3A_508 : vector<16xf32> to vector<16xf32>
      %swap3A_510 = vector.shape_cast %get3A_502 : vector<16xf32> to vector<16xf32>
      tpu.vector_store %arg10[%swap3A_507], %swap3A_510 {strides = array<i32>} : memref<8192xf32, #tpu.memory_space<vmem>>, vector<16xf32>,
    }
    %scan3A_114 = arith.constant 256 : i32
    %add3A_115 = arith.constant 1280 : i32
    %add3A_116 = arith.addi %mul3A_2, %add3A_115 : i32
    %mul3A_117 = arith.constant 32 : i32
    %mul3A_118 = arith.muli %add3A_116, %mul3A_117 : i32
    "tpu.region"() ({
      %run_scoped3A = tpu.sem_alloc : memref<!tpu.dma_semaphore, #tpu.memory_space<semaphore_mem>>
      %dma_start3A_475 = tpu.memref_slice %arg5[%mul3A_118] : memref<6553600xf32, #tpu.memory_space<hbm>> -> memref<8192xf32, #tpu.memory_space<hbm>>
      %dma_start3A_476 = tpu.memref_slice %arg5[%mul3A_118] : memref<6553600xf32, #tpu.memory_space<hbm>> -> memref<8192xf32, #tpu.memory_space<hbm>>
      tpu.enqueue_dma source(%arg10 : memref<8192xf32, #tpu.memory_space<vmem>>) target(%dma_start3A_476 : memref<8192xf32, #tpu.memory_space<hbm>>) target_semaphore(%run_scoped3A : memref<!tpu.dma_semaphore, #tpu.memory_space<semaphore_mem>>)
      %dma_wait3A_477 = tpu.memref_slice %arg5[%mul3A_118] : memref<6553600xf32, #tpu.memory_space<hbm>> -> memref<8192xf32, #tpu.memory_space<hbm>>
      %dma_wait3A_478 = tpu.memref_slice %arg5[%mul3A_118] : memref<6553600xf32, #tpu.memory_space<hbm>> -> memref<8192xf32, #tpu.memory_space<hbm>>
      tpu.wait_dma2 semaphore(%run_scoped3A : memref<!tpu.dma_semaphore, #tpu.memory_space<semaphore_mem>>) src(%arg10 : memref<8192xf32, #tpu.memory_space<vmem>>) dst(%dma_wait3A_478 : memref<8192xf32, #tpu.memory_space<hbm>>)
      tpu.yield
    }) : () -> ()
    %dma_start3A_119 = arith.constant 1792 : i32
    %dma_start3A_120 = tpu.memref_slice %arg6[%dma_start3A_119] : memref<6400xi32, #tpu.memory_space<vmem>> -> memref<256xi32, #tpu.memory_space<vmem>>
    %dma_start3A_121 = arith.constant 0 : i32
    %dma_start3A_122 = arith.constant 0 : i32
    %dma_start3A_123 = tpu.memref_slice %arg2[%dma_start3A_121, %dma_start3A_122] : memref<250000x128xf32, #tpu.memory_space<hbm>> -> memref<250000x128xf32, #tpu.memory_space<hbm>>
    tpu.enqueue_indirect_dma source(%dma_start3A_123 : memref<250000x128xf32, #tpu.memory_space<hbm>>) target(%arg9 : memref<256x128xf32, #tpu.memory_space<vmem>>) offsets(%dma_start3A_120 : memref<256xi32, #tpu.memory_space<vmem>>) semaphore(%arg12 : memref<!tpu.dma_semaphore, #tpu.memory_space<semaphore_mem>>)
    %dma_wait3A_124 = arith.constant 1536 : i32
    %dma_wait3A_125 = tpu.memref_slice %arg6[%dma_wait3A_124] : memref<6400xi32, #tpu.memory_space<vmem>> -> memref<256xi32, #tpu.memory_space<vmem>>
    %dma_wait3A_126 = arith.constant 0 : i32
    %dma_wait3A_127 = arith.constant 0 : i32
    %dma_wait3A_128 = tpu.memref_slice %arg2[%dma_wait3A_126, %dma_wait3A_127] : memref<250000x128xf32, #tpu.memory_space<hbm>> -> memref<250000x128xf32, #tpu.memory_space<hbm>>
    tpu.wait_indirect_dma semaphore(%arg11 : memref<!tpu.dma_semaphore, #tpu.memory_space<semaphore_mem>>) src(%dma_wait3A_128 : memref<250000x128xf32, #tpu.memory_space<hbm>>) dst(%arg8 : memref<256x128xf32, #tpu.memory_space<vmem>>)
    %scan3A_129 = arith.constant 0 : i32
    %scan3A_130 = arith.constant 256 : i32
    %scan3A_131 = arith.addi %scan3A_129, %scan3A_130 : i32
    %scan3A_132 = arith.constant 1 : i32
    scf.for %scan3A_475 = %scan3A_129 to %scan3A_131 step %scan3A_132  : i32 {
      %mul3A_476 = arith.constant 1 : i32
      %mul3A_477 = arith.muli %scan3A_475, %mul3A_476 : i32
      %add3A_478 = arith.constant 0 : i32
      %add3A_479 = arith.addi %add3A_478, %mul3A_477 : i32
      %add3A_480 = arith.constant 1536 : i32
      %add3A_481 = arith.addi %add3A_480, %add3A_479 : i32
      %get3A = arith.index_cast %add3A_481 : i32 to index
      %get3A_482 = tpu.vector_load %arg7[%get3A] {strides = array<i32>} : memref<6400xi32, #tpu.memory_space<vmem>>, vector<1xi32>,
      %get3A_483 = vector.shape_cast %get3A_482 : vector<1xi32> to vector<1xi32>
      %squeeze3A = vector.extract %get3A_483[0] : i32 from vector<1xi32>
      %get3A_484 = arith.constant 0 : i32
      %get3A_485 = tpu.memref_slice %arg8[%add3A_479, %get3A_484] : memref<256x128xf32, #tpu.memory_space<vmem>> -> memref<1x128xf32, #tpu.memory_space<vmem>>
      %get3A_486 = tpu.memref_squeeze %get3A_485 : memref<1x128xf32, #tpu.memory_space<vmem>> -> memref<128xf32, #tpu.memory_space<vmem>>
      %get3A_487 = arith.index_cast %squeeze3A : i32 to index
      %get3A_488 = tpu.vector_load %get3A_486[%get3A_487] {strides = array<i32>} : memref<128xf32, #tpu.memory_space<vmem>>, vector<16xf32>,
      %get3A_489 = vector.shape_cast %get3A_488 : vector<16xf32> to vector<16xf32>
      %mul3A_490 = arith.constant 32 : i32
      %mul3A_491 = arith.muli %add3A_479, %mul3A_490 : i32
      %swap3A = arith.index_cast %mul3A_491 : i32 to index
      %swap3A_492 = tpu.vector_load %arg10[%swap3A] {strides = array<i32>} : memref<8192xf32, #tpu.memory_space<vmem>>, vector<16xf32>,
      %swap3A_493 = vector.shape_cast %swap3A_492 : vector<16xf32> to vector<16xf32>
      %swap3A_494 = vector.shape_cast %get3A_489 : vector<16xf32> to vector<16xf32>
      tpu.vector_store %arg10[%swap3A], %swap3A_494 {strides = array<i32>} : memref<8192xf32, #tpu.memory_space<vmem>>, vector<16xf32>,
      %add3A_495 = arith.constant 16 : i32
      %add3A_496 = arith.addi %squeeze3A, %add3A_495 : i32
      %get3A_497 = arith.constant 0 : i32
      %get3A_498 = tpu.memref_slice %arg8[%add3A_479, %get3A_497] : memref<256x128xf32, #tpu.memory_space<vmem>> -> memref<1x128xf32, #tpu.memory_space<vmem>>
      %get3A_499 = tpu.memref_squeeze %get3A_498 : memref<1x128xf32, #tpu.memory_space<vmem>> -> memref<128xf32, #tpu.memory_space<vmem>>
      %get3A_500 = arith.index_cast %add3A_496 : i32 to index
      %get3A_501 = tpu.vector_load %get3A_499[%get3A_500] {strides = array<i32>} : memref<128xf32, #tpu.memory_space<vmem>>, vector<16xf32>,
      %get3A_502 = vector.shape_cast %get3A_501 : vector<16xf32> to vector<16xf32>
      %mul3A_503 = arith.constant 32 : i32
      %mul3A_504 = arith.muli %add3A_479, %mul3A_503 : i32
      %add3A_505 = arith.constant 16 : i32
      %add3A_506 = arith.addi %mul3A_504, %add3A_505 : i32
      %swap3A_507 = arith.index_cast %add3A_506 : i32 to index
      %swap3A_508 = tpu.vector_load %arg10[%swap3A_507] {strides = array<i32>} : memref<8192xf32, #tpu.memory_space<vmem>>, vector<16xf32>,
      %swap3A_509 = vector.shape_cast %swap3A_508 : vector<16xf32> to vector<16xf32>
      %swap3A_510 = vector.shape_cast %get3A_502 : vector<16xf32> to vector<16xf32>
      tpu.vector_store %arg10[%swap3A_507], %swap3A_510 {strides = array<i32>} : memref<8192xf32, #tpu.memory_space<vmem>>, vector<16xf32>,
    }
    %scan3A_133 = arith.constant 256 : i32
    %add3A_134 = arith.constant 1536 : i32
    %add3A_135 = arith.addi %mul3A_2, %add3A_134 : i32
    %mul3A_136 = arith.constant 32 : i32
    %mul3A_137 = arith.muli %add3A_135, %mul3A_136 : i32
    "tpu.region"() ({
      %run_scoped3A = tpu.sem_alloc : memref<!tpu.dma_semaphore, #tpu.memory_space<semaphore_mem>>
      %dma_start3A_475 = tpu.memref_slice %arg5[%mul3A_137] : memref<6553600xf32, #tpu.memory_space<hbm>> -> memref<8192xf32, #tpu.memory_space<hbm>>
      %dma_start3A_476 = tpu.memref_slice %arg5[%mul3A_137] : memref<6553600xf32, #tpu.memory_space<hbm>> -> memref<8192xf32, #tpu.memory_space<hbm>>
      tpu.enqueue_dma source(%arg10 : memref<8192xf32, #tpu.memory_space<vmem>>) target(%dma_start3A_476 : memref<8192xf32, #tpu.memory_space<hbm>>) target_semaphore(%run_scoped3A : memref<!tpu.dma_semaphore, #tpu.memory_space<semaphore_mem>>)
      %dma_wait3A_477 = tpu.memref_slice %arg5[%mul3A_137] : memref<6553600xf32, #tpu.memory_space<hbm>> -> memref<8192xf32, #tpu.memory_space<hbm>>
      %dma_wait3A_478 = tpu.memref_slice %arg5[%mul3A_137] : memref<6553600xf32, #tpu.memory_space<hbm>> -> memref<8192xf32, #tpu.memory_space<hbm>>
      tpu.wait_dma2 semaphore(%run_scoped3A : memref<!tpu.dma_semaphore, #tpu.memory_space<semaphore_mem>>) src(%arg10 : memref<8192xf32, #tpu.memory_space<vmem>>) dst(%dma_wait3A_478 : memref<8192xf32, #tpu.memory_space<hbm>>)
      tpu.yield
    }) : () -> ()
    %dma_start3A_138 = arith.constant 2048 : i32
    %dma_start3A_139 = tpu.memref_slice %arg6[%dma_start3A_138] : memref<6400xi32, #tpu.memory_space<vmem>> -> memref<256xi32, #tpu.memory_space<vmem>>
    %dma_start3A_140 = arith.constant 0 : i32
    %dma_start3A_141 = arith.constant 0 : i32
    %dma_start3A_142 = tpu.memref_slice %arg2[%dma_start3A_140, %dma_start3A_141] : memref<250000x128xf32, #tpu.memory_space<hbm>> -> memref<250000x128xf32, #tpu.memory_space<hbm>>
    tpu.enqueue_indirect_dma source(%dma_start3A_142 : memref<250000x128xf32, #tpu.memory_space<hbm>>) target(%arg8 : memref<256x128xf32, #tpu.memory_space<vmem>>) offsets(%dma_start3A_139 : memref<256xi32, #tpu.memory_space<vmem>>) semaphore(%arg11 : memref<!tpu.dma_semaphore, #tpu.memory_space<semaphore_mem>>)
    %dma_wait3A_143 = arith.constant 1792 : i32
    %dma_wait3A_144 = tpu.memref_slice %arg6[%dma_wait3A_143] : memref<6400xi32, #tpu.memory_space<vmem>> -> memref<256xi32, #tpu.memory_space<vmem>>
    %dma_wait3A_145 = arith.constant 0 : i32
    %dma_wait3A_146 = arith.constant 0 : i32
    %dma_wait3A_147 = tpu.memref_slice %arg2[%dma_wait3A_145, %dma_wait3A_146] : memref<250000x128xf32, #tpu.memory_space<hbm>> -> memref<250000x128xf32, #tpu.memory_space<hbm>>
    tpu.wait_indirect_dma semaphore(%arg12 : memref<!tpu.dma_semaphore, #tpu.memory_space<semaphore_mem>>) src(%dma_wait3A_147 : memref<250000x128xf32, #tpu.memory_space<hbm>>) dst(%arg9 : memref<256x128xf32, #tpu.memory_space<vmem>>)
    %scan3A_148 = arith.constant 0 : i32
    %scan3A_149 = arith.constant 256 : i32
    %scan3A_150 = arith.addi %scan3A_148, %scan3A_149 : i32
    %scan3A_151 = arith.constant 1 : i32
    scf.for %scan3A_475 = %scan3A_148 to %scan3A_150 step %scan3A_151  : i32 {
      %mul3A_476 = arith.constant 1 : i32
      %mul3A_477 = arith.muli %scan3A_475, %mul3A_476 : i32
      %add3A_478 = arith.constant 0 : i32
      %add3A_479 = arith.addi %add3A_478, %mul3A_477 : i32
      %add3A_480 = arith.constant 1792 : i32
      %add3A_481 = arith.addi %add3A_480, %add3A_479 : i32
      %get3A = arith.index_cast %add3A_481 : i32 to index
      %get3A_482 = tpu.vector_load %arg7[%get3A] {strides = array<i32>} : memref<6400xi32, #tpu.memory_space<vmem>>, vector<1xi32>,
      %get3A_483 = vector.shape_cast %get3A_482 : vector<1xi32> to vector<1xi32>
      %squeeze3A = vector.extract %get3A_483[0] : i32 from vector<1xi32>
      %get3A_484 = arith.constant 0 : i32
      %get3A_485 = tpu.memref_slice %arg9[%add3A_479, %get3A_484] : memref<256x128xf32, #tpu.memory_space<vmem>> -> memref<1x128xf32, #tpu.memory_space<vmem>>
      %get3A_486 = tpu.memref_squeeze %get3A_485 : memref<1x128xf32, #tpu.memory_space<vmem>> -> memref<128xf32, #tpu.memory_space<vmem>>
      %get3A_487 = arith.index_cast %squeeze3A : i32 to index
      %get3A_488 = tpu.vector_load %get3A_486[%get3A_487] {strides = array<i32>} : memref<128xf32, #tpu.memory_space<vmem>>, vector<16xf32>,
      %get3A_489 = vector.shape_cast %get3A_488 : vector<16xf32> to vector<16xf32>
      %mul3A_490 = arith.constant 32 : i32
      %mul3A_491 = arith.muli %add3A_479, %mul3A_490 : i32
      %swap3A = arith.index_cast %mul3A_491 : i32 to index
      %swap3A_492 = tpu.vector_load %arg10[%swap3A] {strides = array<i32>} : memref<8192xf32, #tpu.memory_space<vmem>>, vector<16xf32>,
      %swap3A_493 = vector.shape_cast %swap3A_492 : vector<16xf32> to vector<16xf32>
      %swap3A_494 = vector.shape_cast %get3A_489 : vector<16xf32> to vector<16xf32>
      tpu.vector_store %arg10[%swap3A], %swap3A_494 {strides = array<i32>} : memref<8192xf32, #tpu.memory_space<vmem>>, vector<16xf32>,
      %add3A_495 = arith.constant 16 : i32
      %add3A_496 = arith.addi %squeeze3A, %add3A_495 : i32
      %get3A_497 = arith.constant 0 : i32
      %get3A_498 = tpu.memref_slice %arg9[%add3A_479, %get3A_497] : memref<256x128xf32, #tpu.memory_space<vmem>> -> memref<1x128xf32, #tpu.memory_space<vmem>>
      %get3A_499 = tpu.memref_squeeze %get3A_498 : memref<1x128xf32, #tpu.memory_space<vmem>> -> memref<128xf32, #tpu.memory_space<vmem>>
      %get3A_500 = arith.index_cast %add3A_496 : i32 to index
      %get3A_501 = tpu.vector_load %get3A_499[%get3A_500] {strides = array<i32>} : memref<128xf32, #tpu.memory_space<vmem>>, vector<16xf32>,
      %get3A_502 = vector.shape_cast %get3A_501 : vector<16xf32> to vector<16xf32>
      %mul3A_503 = arith.constant 32 : i32
      %mul3A_504 = arith.muli %add3A_479, %mul3A_503 : i32
      %add3A_505 = arith.constant 16 : i32
      %add3A_506 = arith.addi %mul3A_504, %add3A_505 : i32
      %swap3A_507 = arith.index_cast %add3A_506 : i32 to index
      %swap3A_508 = tpu.vector_load %arg10[%swap3A_507] {strides = array<i32>} : memref<8192xf32, #tpu.memory_space<vmem>>, vector<16xf32>,
      %swap3A_509 = vector.shape_cast %swap3A_508 : vector<16xf32> to vector<16xf32>
      %swap3A_510 = vector.shape_cast %get3A_502 : vector<16xf32> to vector<16xf32>
      tpu.vector_store %arg10[%swap3A_507], %swap3A_510 {strides = array<i32>} : memref<8192xf32, #tpu.memory_space<vmem>>, vector<16xf32>,
    }
    %scan3A_152 = arith.constant 256 : i32
    %add3A_153 = arith.constant 1792 : i32
    %add3A_154 = arith.addi %mul3A_2, %add3A_153 : i32
    %mul3A_155 = arith.constant 32 : i32
    %mul3A_156 = arith.muli %add3A_154, %mul3A_155 : i32
    "tpu.region"() ({
      %run_scoped3A = tpu.sem_alloc : memref<!tpu.dma_semaphore, #tpu.memory_space<semaphore_mem>>
      %dma_start3A_475 = tpu.memref_slice %arg5[%mul3A_156] : memref<6553600xf32, #tpu.memory_space<hbm>> -> memref<8192xf32, #tpu.memory_space<hbm>>
      %dma_start3A_476 = tpu.memref_slice %arg5[%mul3A_156] : memref<6553600xf32, #tpu.memory_space<hbm>> -> memref<8192xf32, #tpu.memory_space<hbm>>
      tpu.enqueue_dma source(%arg10 : memref<8192xf32, #tpu.memory_space<vmem>>) target(%dma_start3A_476 : memref<8192xf32, #tpu.memory_space<hbm>>) target_semaphore(%run_scoped3A : memref<!tpu.dma_semaphore, #tpu.memory_space<semaphore_mem>>)
      %dma_wait3A_477 = tpu.memref_slice %arg5[%mul3A_156] : memref<6553600xf32, #tpu.memory_space<hbm>> -> memref<8192xf32, #tpu.memory_space<hbm>>
      %dma_wait3A_478 = tpu.memref_slice %arg5[%mul3A_156] : memref<6553600xf32, #tpu.memory_space<hbm>> -> memref<8192xf32, #tpu.memory_space<hbm>>
      tpu.wait_dma2 semaphore(%run_scoped3A : memref<!tpu.dma_semaphore, #tpu.memory_space<semaphore_mem>>) src(%arg10 : memref<8192xf32, #tpu.memory_space<vmem>>) dst(%dma_wait3A_478 : memref<8192xf32, #tpu.memory_space<hbm>>)
      tpu.yield
    }) : () -> ()
    %dma_start3A_157 = arith.constant 2304 : i32
    %dma_start3A_158 = tpu.memref_slice %arg6[%dma_start3A_157] : memref<6400xi32, #tpu.memory_space<vmem>> -> memref<256xi32, #tpu.memory_space<vmem>>
    %dma_start3A_159 = arith.constant 0 : i32
    %dma_start3A_160 = arith.constant 0 : i32
    %dma_start3A_161 = tpu.memref_slice %arg2[%dma_start3A_159, %dma_start3A_160] : memref<250000x128xf32, #tpu.memory_space<hbm>> -> memref<250000x128xf32, #tpu.memory_space<hbm>>
    tpu.enqueue_indirect_dma source(%dma_start3A_161 : memref<250000x128xf32, #tpu.memory_space<hbm>>) target(%arg9 : memref<256x128xf32, #tpu.memory_space<vmem>>) offsets(%dma_start3A_158 : memref<256xi32, #tpu.memory_space<vmem>>) semaphore(%arg12 : memref<!tpu.dma_semaphore, #tpu.memory_space<semaphore_mem>>)
    %dma_wait3A_162 = arith.constant 2048 : i32
    %dma_wait3A_163 = tpu.memref_slice %arg6[%dma_wait3A_162] : memref<6400xi32, #tpu.memory_space<vmem>> -> memref<256xi32, #tpu.memory_space<vmem>>
    %dma_wait3A_164 = arith.constant 0 : i32
    %dma_wait3A_165 = arith.constant 0 : i32
    %dma_wait3A_166 = tpu.memref_slice %arg2[%dma_wait3A_164, %dma_wait3A_165] : memref<250000x128xf32, #tpu.memory_space<hbm>> -> memref<250000x128xf32, #tpu.memory_space<hbm>>
    tpu.wait_indirect_dma semaphore(%arg11 : memref<!tpu.dma_semaphore, #tpu.memory_space<semaphore_mem>>) src(%dma_wait3A_166 : memref<250000x128xf32, #tpu.memory_space<hbm>>) dst(%arg8 : memref<256x128xf32, #tpu.memory_space<vmem>>)
    %scan3A_167 = arith.constant 0 : i32
    %scan3A_168 = arith.constant 256 : i32
    %scan3A_169 = arith.addi %scan3A_167, %scan3A_168 : i32
    %scan3A_170 = arith.constant 1 : i32
    scf.for %scan3A_475 = %scan3A_167 to %scan3A_169 step %scan3A_170  : i32 {
      %mul3A_476 = arith.constant 1 : i32
      %mul3A_477 = arith.muli %scan3A_475, %mul3A_476 : i32
      %add3A_478 = arith.constant 0 : i32
      %add3A_479 = arith.addi %add3A_478, %mul3A_477 : i32
      %add3A_480 = arith.constant 2048 : i32
      %add3A_481 = arith.addi %add3A_480, %add3A_479 : i32
      %get3A = arith.index_cast %add3A_481 : i32 to index
      %get3A_482 = tpu.vector_load %arg7[%get3A] {strides = array<i32>} : memref<6400xi32, #tpu.memory_space<vmem>>, vector<1xi32>,
      %get3A_483 = vector.shape_cast %get3A_482 : vector<1xi32> to vector<1xi32>
      %squeeze3A = vector.extract %get3A_483[0] : i32 from vector<1xi32>
      %get3A_484 = arith.constant 0 : i32
      %get3A_485 = tpu.memref_slice %arg8[%add3A_479, %get3A_484] : memref<256x128xf32, #tpu.memory_space<vmem>> -> memref<1x128xf32, #tpu.memory_space<vmem>>
      %get3A_486 = tpu.memref_squeeze %get3A_485 : memref<1x128xf32, #tpu.memory_space<vmem>> -> memref<128xf32, #tpu.memory_space<vmem>>
      %get3A_487 = arith.index_cast %squeeze3A : i32 to index
      %get3A_488 = tpu.vector_load %get3A_486[%get3A_487] {strides = array<i32>} : memref<128xf32, #tpu.memory_space<vmem>>, vector<16xf32>,
      %get3A_489 = vector.shape_cast %get3A_488 : vector<16xf32> to vector<16xf32>
      %mul3A_490 = arith.constant 32 : i32
      %mul3A_491 = arith.muli %add3A_479, %mul3A_490 : i32
      %swap3A = arith.index_cast %mul3A_491 : i32 to index
      %swap3A_492 = tpu.vector_load %arg10[%swap3A] {strides = array<i32>} : memref<8192xf32, #tpu.memory_space<vmem>>, vector<16xf32>,
      %swap3A_493 = vector.shape_cast %swap3A_492 : vector<16xf32> to vector<16xf32>
      %swap3A_494 = vector.shape_cast %get3A_489 : vector<16xf32> to vector<16xf32>
      tpu.vector_store %arg10[%swap3A], %swap3A_494 {strides = array<i32>} : memref<8192xf32, #tpu.memory_space<vmem>>, vector<16xf32>,
      %add3A_495 = arith.constant 16 : i32
      %add3A_496 = arith.addi %squeeze3A, %add3A_495 : i32
      %get3A_497 = arith.constant 0 : i32
      %get3A_498 = tpu.memref_slice %arg8[%add3A_479, %get3A_497] : memref<256x128xf32, #tpu.memory_space<vmem>> -> memref<1x128xf32, #tpu.memory_space<vmem>>
      %get3A_499 = tpu.memref_squeeze %get3A_498 : memref<1x128xf32, #tpu.memory_space<vmem>> -> memref<128xf32, #tpu.memory_space<vmem>>
      %get3A_500 = arith.index_cast %add3A_496 : i32 to index
      %get3A_501 = tpu.vector_load %get3A_499[%get3A_500] {strides = array<i32>} : memref<128xf32, #tpu.memory_space<vmem>>, vector<16xf32>,
      %get3A_502 = vector.shape_cast %get3A_501 : vector<16xf32> to vector<16xf32>
      %mul3A_503 = arith.constant 32 : i32
      %mul3A_504 = arith.muli %add3A_479, %mul3A_503 : i32
      %add3A_505 = arith.constant 16 : i32
      %add3A_506 = arith.addi %mul3A_504, %add3A_505 : i32
      %swap3A_507 = arith.index_cast %add3A_506 : i32 to index
      %swap3A_508 = tpu.vector_load %arg10[%swap3A_507] {strides = array<i32>} : memref<8192xf32, #tpu.memory_space<vmem>>, vector<16xf32>,
      %swap3A_509 = vector.shape_cast %swap3A_508 : vector<16xf32> to vector<16xf32>
      %swap3A_510 = vector.shape_cast %get3A_502 : vector<16xf32> to vector<16xf32>
      tpu.vector_store %arg10[%swap3A_507], %swap3A_510 {strides = array<i32>} : memref<8192xf32, #tpu.memory_space<vmem>>, vector<16xf32>,
    }
    %scan3A_171 = arith.constant 256 : i32
    %add3A_172 = arith.constant 2048 : i32
    %add3A_173 = arith.addi %mul3A_2, %add3A_172 : i32
    %mul3A_174 = arith.constant 32 : i32
    %mul3A_175 = arith.muli %add3A_173, %mul3A_174 : i32
    "tpu.region"() ({
      %run_scoped3A = tpu.sem_alloc : memref<!tpu.dma_semaphore, #tpu.memory_space<semaphore_mem>>
      %dma_start3A_475 = tpu.memref_slice %arg5[%mul3A_175] : memref<6553600xf32, #tpu.memory_space<hbm>> -> memref<8192xf32, #tpu.memory_space<hbm>>
      %dma_start3A_476 = tpu.memref_slice %arg5[%mul3A_175] : memref<6553600xf32, #tpu.memory_space<hbm>> -> memref<8192xf32, #tpu.memory_space<hbm>>
      tpu.enqueue_dma source(%arg10 : memref<8192xf32, #tpu.memory_space<vmem>>) target(%dma_start3A_476 : memref<8192xf32, #tpu.memory_space<hbm>>) target_semaphore(%run_scoped3A : memref<!tpu.dma_semaphore, #tpu.memory_space<semaphore_mem>>)
      %dma_wait3A_477 = tpu.memref_slice %arg5[%mul3A_175] : memref<6553600xf32, #tpu.memory_space<hbm>> -> memref<8192xf32, #tpu.memory_space<hbm>>
      %dma_wait3A_478 = tpu.memref_slice %arg5[%mul3A_175] : memref<6553600xf32, #tpu.memory_space<hbm>> -> memref<8192xf32, #tpu.memory_space<hbm>>
      tpu.wait_dma2 semaphore(%run_scoped3A : memref<!tpu.dma_semaphore, #tpu.memory_space<semaphore_mem>>) src(%arg10 : memref<8192xf32, #tpu.memory_space<vmem>>) dst(%dma_wait3A_478 : memref<8192xf32, #tpu.memory_space<hbm>>)
      tpu.yield
    }) : () -> ()
    %dma_start3A_176 = arith.constant 2560 : i32
    %dma_start3A_177 = tpu.memref_slice %arg6[%dma_start3A_176] : memref<6400xi32, #tpu.memory_space<vmem>> -> memref<256xi32, #tpu.memory_space<vmem>>
    %dma_start3A_178 = arith.constant 0 : i32
    %dma_start3A_179 = arith.constant 0 : i32
    %dma_start3A_180 = tpu.memref_slice %arg2[%dma_start3A_178, %dma_start3A_179] : memref<250000x128xf32, #tpu.memory_space<hbm>> -> memref<250000x128xf32, #tpu.memory_space<hbm>>
    tpu.enqueue_indirect_dma source(%dma_start3A_180 : memref<250000x128xf32, #tpu.memory_space<hbm>>) target(%arg8 : memref<256x128xf32, #tpu.memory_space<vmem>>) offsets(%dma_start3A_177 : memref<256xi32, #tpu.memory_space<vmem>>) semaphore(%arg11 : memref<!tpu.dma_semaphore, #tpu.memory_space<semaphore_mem>>)
    %dma_wait3A_181 = arith.constant 2304 : i32
    %dma_wait3A_182 = tpu.memref_slice %arg6[%dma_wait3A_181] : memref<6400xi32, #tpu.memory_space<vmem>> -> memref<256xi32, #tpu.memory_space<vmem>>
    %dma_wait3A_183 = arith.constant 0 : i32
    %dma_wait3A_184 = arith.constant 0 : i32
    %dma_wait3A_185 = tpu.memref_slice %arg2[%dma_wait3A_183, %dma_wait3A_184] : memref<250000x128xf32, #tpu.memory_space<hbm>> -> memref<250000x128xf32, #tpu.memory_space<hbm>>
    tpu.wait_indirect_dma semaphore(%arg12 : memref<!tpu.dma_semaphore, #tpu.memory_space<semaphore_mem>>) src(%dma_wait3A_185 : memref<250000x128xf32, #tpu.memory_space<hbm>>) dst(%arg9 : memref<256x128xf32, #tpu.memory_space<vmem>>)
    %scan3A_186 = arith.constant 0 : i32
    %scan3A_187 = arith.constant 256 : i32
    %scan3A_188 = arith.addi %scan3A_186, %scan3A_187 : i32
    %scan3A_189 = arith.constant 1 : i32
    scf.for %scan3A_475 = %scan3A_186 to %scan3A_188 step %scan3A_189  : i32 {
      %mul3A_476 = arith.constant 1 : i32
      %mul3A_477 = arith.muli %scan3A_475, %mul3A_476 : i32
      %add3A_478 = arith.constant 0 : i32
      %add3A_479 = arith.addi %add3A_478, %mul3A_477 : i32
      %add3A_480 = arith.constant 2304 : i32
      %add3A_481 = arith.addi %add3A_480, %add3A_479 : i32
      %get3A = arith.index_cast %add3A_481 : i32 to index
      %get3A_482 = tpu.vector_load %arg7[%get3A] {strides = array<i32>} : memref<6400xi32, #tpu.memory_space<vmem>>, vector<1xi32>,
      %get3A_483 = vector.shape_cast %get3A_482 : vector<1xi32> to vector<1xi32>
      %squeeze3A = vector.extract %get3A_483[0] : i32 from vector<1xi32>
      %get3A_484 = arith.constant 0 : i32
      %get3A_485 = tpu.memref_slice %arg9[%add3A_479, %get3A_484] : memref<256x128xf32, #tpu.memory_space<vmem>> -> memref<1x128xf32, #tpu.memory_space<vmem>>
      %get3A_486 = tpu.memref_squeeze %get3A_485 : memref<1x128xf32, #tpu.memory_space<vmem>> -> memref<128xf32, #tpu.memory_space<vmem>>
      %get3A_487 = arith.index_cast %squeeze3A : i32 to index
      %get3A_488 = tpu.vector_load %get3A_486[%get3A_487] {strides = array<i32>} : memref<128xf32, #tpu.memory_space<vmem>>, vector<16xf32>,
      %get3A_489 = vector.shape_cast %get3A_488 : vector<16xf32> to vector<16xf32>
      %mul3A_490 = arith.constant 32 : i32
      %mul3A_491 = arith.muli %add3A_479, %mul3A_490 : i32
      %swap3A = arith.index_cast %mul3A_491 : i32 to index
      %swap3A_492 = tpu.vector_load %arg10[%swap3A] {strides = array<i32>} : memref<8192xf32, #tpu.memory_space<vmem>>, vector<16xf32>,
      %swap3A_493 = vector.shape_cast %swap3A_492 : vector<16xf32> to vector<16xf32>
      %swap3A_494 = vector.shape_cast %get3A_489 : vector<16xf32> to vector<16xf32>
      tpu.vector_store %arg10[%swap3A], %swap3A_494 {strides = array<i32>} : memref<8192xf32, #tpu.memory_space<vmem>>, vector<16xf32>,
      %add3A_495 = arith.constant 16 : i32
      %add3A_496 = arith.addi %squeeze3A, %add3A_495 : i32
      %get3A_497 = arith.constant 0 : i32
      %get3A_498 = tpu.memref_slice %arg9[%add3A_479, %get3A_497] : memref<256x128xf32, #tpu.memory_space<vmem>> -> memref<1x128xf32, #tpu.memory_space<vmem>>
      %get3A_499 = tpu.memref_squeeze %get3A_498 : memref<1x128xf32, #tpu.memory_space<vmem>> -> memref<128xf32, #tpu.memory_space<vmem>>
      %get3A_500 = arith.index_cast %add3A_496 : i32 to index
      %get3A_501 = tpu.vector_load %get3A_499[%get3A_500] {strides = array<i32>} : memref<128xf32, #tpu.memory_space<vmem>>, vector<16xf32>,
      %get3A_502 = vector.shape_cast %get3A_501 : vector<16xf32> to vector<16xf32>
      %mul3A_503 = arith.constant 32 : i32
      %mul3A_504 = arith.muli %add3A_479, %mul3A_503 : i32
      %add3A_505 = arith.constant 16 : i32
      %add3A_506 = arith.addi %mul3A_504, %add3A_505 : i32
      %swap3A_507 = arith.index_cast %add3A_506 : i32 to index
      %swap3A_508 = tpu.vector_load %arg10[%swap3A_507] {strides = array<i32>} : memref<8192xf32, #tpu.memory_space<vmem>>, vector<16xf32>,
      %swap3A_509 = vector.shape_cast %swap3A_508 : vector<16xf32> to vector<16xf32>
      %swap3A_510 = vector.shape_cast %get3A_502 : vector<16xf32> to vector<16xf32>
      tpu.vector_store %arg10[%swap3A_507], %swap3A_510 {strides = array<i32>} : memref<8192xf32, #tpu.memory_space<vmem>>, vector<16xf32>,
    }
    %scan3A_190 = arith.constant 256 : i32
    %add3A_191 = arith.constant 2304 : i32
    %add3A_192 = arith.addi %mul3A_2, %add3A_191 : i32
    %mul3A_193 = arith.constant 32 : i32
    %mul3A_194 = arith.muli %add3A_192, %mul3A_193 : i32
    "tpu.region"() ({
      %run_scoped3A = tpu.sem_alloc : memref<!tpu.dma_semaphore, #tpu.memory_space<semaphore_mem>>
      %dma_start3A_475 = tpu.memref_slice %arg5[%mul3A_194] : memref<6553600xf32, #tpu.memory_space<hbm>> -> memref<8192xf32, #tpu.memory_space<hbm>>
      %dma_start3A_476 = tpu.memref_slice %arg5[%mul3A_194] : memref<6553600xf32, #tpu.memory_space<hbm>> -> memref<8192xf32, #tpu.memory_space<hbm>>
      tpu.enqueue_dma source(%arg10 : memref<8192xf32, #tpu.memory_space<vmem>>) target(%dma_start3A_476 : memref<8192xf32, #tpu.memory_space<hbm>>) target_semaphore(%run_scoped3A : memref<!tpu.dma_semaphore, #tpu.memory_space<semaphore_mem>>)
      %dma_wait3A_477 = tpu.memref_slice %arg5[%mul3A_194] : memref<6553600xf32, #tpu.memory_space<hbm>> -> memref<8192xf32, #tpu.memory_space<hbm>>
      %dma_wait3A_478 = tpu.memref_slice %arg5[%mul3A_194] : memref<6553600xf32, #tpu.memory_space<hbm>> -> memref<8192xf32, #tpu.memory_space<hbm>>
      tpu.wait_dma2 semaphore(%run_scoped3A : memref<!tpu.dma_semaphore, #tpu.memory_space<semaphore_mem>>) src(%arg10 : memref<8192xf32, #tpu.memory_space<vmem>>) dst(%dma_wait3A_478 : memref<8192xf32, #tpu.memory_space<hbm>>)
      tpu.yield
    }) : () -> ()
    %dma_start3A_195 = arith.constant 2816 : i32
    %dma_start3A_196 = tpu.memref_slice %arg6[%dma_start3A_195] : memref<6400xi32, #tpu.memory_space<vmem>> -> memref<256xi32, #tpu.memory_space<vmem>>
    %dma_start3A_197 = arith.constant 0 : i32
    %dma_start3A_198 = arith.constant 0 : i32
    %dma_start3A_199 = tpu.memref_slice %arg2[%dma_start3A_197, %dma_start3A_198] : memref<250000x128xf32, #tpu.memory_space<hbm>> -> memref<250000x128xf32, #tpu.memory_space<hbm>>
    tpu.enqueue_indirect_dma source(%dma_start3A_199 : memref<250000x128xf32, #tpu.memory_space<hbm>>) target(%arg9 : memref<256x128xf32, #tpu.memory_space<vmem>>) offsets(%dma_start3A_196 : memref<256xi32, #tpu.memory_space<vmem>>) semaphore(%arg12 : memref<!tpu.dma_semaphore, #tpu.memory_space<semaphore_mem>>)
    %dma_wait3A_200 = arith.constant 2560 : i32
    %dma_wait3A_201 = tpu.memref_slice %arg6[%dma_wait3A_200] : memref<6400xi32, #tpu.memory_space<vmem>> -> memref<256xi32, #tpu.memory_space<vmem>>
    %dma_wait3A_202 = arith.constant 0 : i32
    %dma_wait3A_203 = arith.constant 0 : i32
    %dma_wait3A_204 = tpu.memref_slice %arg2[%dma_wait3A_202, %dma_wait3A_203] : memref<250000x128xf32, #tpu.memory_space<hbm>> -> memref<250000x128xf32, #tpu.memory_space<hbm>>
    tpu.wait_indirect_dma semaphore(%arg11 : memref<!tpu.dma_semaphore, #tpu.memory_space<semaphore_mem>>) src(%dma_wait3A_204 : memref<250000x128xf32, #tpu.memory_space<hbm>>) dst(%arg8 : memref<256x128xf32, #tpu.memory_space<vmem>>)
    %scan3A_205 = arith.constant 0 : i32
    %scan3A_206 = arith.constant 256 : i32
    %scan3A_207 = arith.addi %scan3A_205, %scan3A_206 : i32
    %scan3A_208 = arith.constant 1 : i32
    scf.for %scan3A_475 = %scan3A_205 to %scan3A_207 step %scan3A_208  : i32 {
      %mul3A_476 = arith.constant 1 : i32
      %mul3A_477 = arith.muli %scan3A_475, %mul3A_476 : i32
      %add3A_478 = arith.constant 0 : i32
      %add3A_479 = arith.addi %add3A_478, %mul3A_477 : i32
      %add3A_480 = arith.constant 2560 : i32
      %add3A_481 = arith.addi %add3A_480, %add3A_479 : i32
      %get3A = arith.index_cast %add3A_481 : i32 to index
      %get3A_482 = tpu.vector_load %arg7[%get3A] {strides = array<i32>} : memref<6400xi32, #tpu.memory_space<vmem>>, vector<1xi32>,
      %get3A_483 = vector.shape_cast %get3A_482 : vector<1xi32> to vector<1xi32>
      %squeeze3A = vector.extract %get3A_483[0] : i32 from vector<1xi32>
      %get3A_484 = arith.constant 0 : i32
      %get3A_485 = tpu.memref_slice %arg8[%add3A_479, %get3A_484] : memref<256x128xf32, #tpu.memory_space<vmem>> -> memref<1x128xf32, #tpu.memory_space<vmem>>
      %get3A_486 = tpu.memref_squeeze %get3A_485 : memref<1x128xf32, #tpu.memory_space<vmem>> -> memref<128xf32, #tpu.memory_space<vmem>>
      %get3A_487 = arith.index_cast %squeeze3A : i32 to index
      %get3A_488 = tpu.vector_load %get3A_486[%get3A_487] {strides = array<i32>} : memref<128xf32, #tpu.memory_space<vmem>>, vector<16xf32>,
      %get3A_489 = vector.shape_cast %get3A_488 : vector<16xf32> to vector<16xf32>
      %mul3A_490 = arith.constant 32 : i32
      %mul3A_491 = arith.muli %add3A_479, %mul3A_490 : i32
      %swap3A = arith.index_cast %mul3A_491 : i32 to index
      %swap3A_492 = tpu.vector_load %arg10[%swap3A] {strides = array<i32>} : memref<8192xf32, #tpu.memory_space<vmem>>, vector<16xf32>,
      %swap3A_493 = vector.shape_cast %swap3A_492 : vector<16xf32> to vector<16xf32>
      %swap3A_494 = vector.shape_cast %get3A_489 : vector<16xf32> to vector<16xf32>
      tpu.vector_store %arg10[%swap3A], %swap3A_494 {strides = array<i32>} : memref<8192xf32, #tpu.memory_space<vmem>>, vector<16xf32>,
      %add3A_495 = arith.constant 16 : i32
      %add3A_496 = arith.addi %squeeze3A, %add3A_495 : i32
      %get3A_497 = arith.constant 0 : i32
      %get3A_498 = tpu.memref_slice %arg8[%add3A_479, %get3A_497] : memref<256x128xf32, #tpu.memory_space<vmem>> -> memref<1x128xf32, #tpu.memory_space<vmem>>
      %get3A_499 = tpu.memref_squeeze %get3A_498 : memref<1x128xf32, #tpu.memory_space<vmem>> -> memref<128xf32, #tpu.memory_space<vmem>>
      %get3A_500 = arith.index_cast %add3A_496 : i32 to index
      %get3A_501 = tpu.vector_load %get3A_499[%get3A_500] {strides = array<i32>} : memref<128xf32, #tpu.memory_space<vmem>>, vector<16xf32>,
      %get3A_502 = vector.shape_cast %get3A_501 : vector<16xf32> to vector<16xf32>
      %mul3A_503 = arith.constant 32 : i32
      %mul3A_504 = arith.muli %add3A_479, %mul3A_503 : i32
      %add3A_505 = arith.constant 16 : i32
      %add3A_506 = arith.addi %mul3A_504, %add3A_505 : i32
      %swap3A_507 = arith.index_cast %add3A_506 : i32 to index
      %swap3A_508 = tpu.vector_load %arg10[%swap3A_507] {strides = array<i32>} : memref<8192xf32, #tpu.memory_space<vmem>>, vector<16xf32>,
      %swap3A_509 = vector.shape_cast %swap3A_508 : vector<16xf32> to vector<16xf32>
      %swap3A_510 = vector.shape_cast %get3A_502 : vector<16xf32> to vector<16xf32>
      tpu.vector_store %arg10[%swap3A_507], %swap3A_510 {strides = array<i32>} : memref<8192xf32, #tpu.memory_space<vmem>>, vector<16xf32>,
    }
    %scan3A_209 = arith.constant 256 : i32
    %add3A_210 = arith.constant 2560 : i32
    %add3A_211 = arith.addi %mul3A_2, %add3A_210 : i32
    %mul3A_212 = arith.constant 32 : i32
    %mul3A_213 = arith.muli %add3A_211, %mul3A_212 : i32
    "tpu.region"() ({
      %run_scoped3A = tpu.sem_alloc : memref<!tpu.dma_semaphore, #tpu.memory_space<semaphore_mem>>
      %dma_start3A_475 = tpu.memref_slice %arg5[%mul3A_213] : memref<6553600xf32, #tpu.memory_space<hbm>> -> memref<8192xf32, #tpu.memory_space<hbm>>
      %dma_start3A_476 = tpu.memref_slice %arg5[%mul3A_213] : memref<6553600xf32, #tpu.memory_space<hbm>> -> memref<8192xf32, #tpu.memory_space<hbm>>
      tpu.enqueue_dma source(%arg10 : memref<8192xf32, #tpu.memory_space<vmem>>) target(%dma_start3A_476 : memref<8192xf32, #tpu.memory_space<hbm>>) target_semaphore(%run_scoped3A : memref<!tpu.dma_semaphore, #tpu.memory_space<semaphore_mem>>)
      %dma_wait3A_477 = tpu.memref_slice %arg5[%mul3A_213] : memref<6553600xf32, #tpu.memory_space<hbm>> -> memref<8192xf32, #tpu.memory_space<hbm>>
      %dma_wait3A_478 = tpu.memref_slice %arg5[%mul3A_213] : memref<6553600xf32, #tpu.memory_space<hbm>> -> memref<8192xf32, #tpu.memory_space<hbm>>
      tpu.wait_dma2 semaphore(%run_scoped3A : memref<!tpu.dma_semaphore, #tpu.memory_space<semaphore_mem>>) src(%arg10 : memref<8192xf32, #tpu.memory_space<vmem>>) dst(%dma_wait3A_478 : memref<8192xf32, #tpu.memory_space<hbm>>)
      tpu.yield
    }) : () -> ()
    %dma_start3A_214 = arith.constant 3072 : i32
    %dma_start3A_215 = tpu.memref_slice %arg6[%dma_start3A_214] : memref<6400xi32, #tpu.memory_space<vmem>> -> memref<256xi32, #tpu.memory_space<vmem>>
    %dma_start3A_216 = arith.constant 0 : i32
    %dma_start3A_217 = arith.constant 0 : i32
    %dma_start3A_218 = tpu.memref_slice %arg2[%dma_start3A_216, %dma_start3A_217] : memref<250000x128xf32, #tpu.memory_space<hbm>> -> memref<250000x128xf32, #tpu.memory_space<hbm>>
    tpu.enqueue_indirect_dma source(%dma_start3A_218 : memref<250000x128xf32, #tpu.memory_space<hbm>>) target(%arg8 : memref<256x128xf32, #tpu.memory_space<vmem>>) offsets(%dma_start3A_215 : memref<256xi32, #tpu.memory_space<vmem>>) semaphore(%arg11 : memref<!tpu.dma_semaphore, #tpu.memory_space<semaphore_mem>>)
    %dma_wait3A_219 = arith.constant 2816 : i32
    %dma_wait3A_220 = tpu.memref_slice %arg6[%dma_wait3A_219] : memref<6400xi32, #tpu.memory_space<vmem>> -> memref<256xi32, #tpu.memory_space<vmem>>
    %dma_wait3A_221 = arith.constant 0 : i32
    %dma_wait3A_222 = arith.constant 0 : i32
    %dma_wait3A_223 = tpu.memref_slice %arg2[%dma_wait3A_221, %dma_wait3A_222] : memref<250000x128xf32, #tpu.memory_space<hbm>> -> memref<250000x128xf32, #tpu.memory_space<hbm>>
    tpu.wait_indirect_dma semaphore(%arg12 : memref<!tpu.dma_semaphore, #tpu.memory_space<semaphore_mem>>) src(%dma_wait3A_223 : memref<250000x128xf32, #tpu.memory_space<hbm>>) dst(%arg9 : memref<256x128xf32, #tpu.memory_space<vmem>>)
    %scan3A_224 = arith.constant 0 : i32
    %scan3A_225 = arith.constant 256 : i32
    %scan3A_226 = arith.addi %scan3A_224, %scan3A_225 : i32
    %scan3A_227 = arith.constant 1 : i32
    scf.for %scan3A_475 = %scan3A_224 to %scan3A_226 step %scan3A_227  : i32 {
      %mul3A_476 = arith.constant 1 : i32
      %mul3A_477 = arith.muli %scan3A_475, %mul3A_476 : i32
      %add3A_478 = arith.constant 0 : i32
      %add3A_479 = arith.addi %add3A_478, %mul3A_477 : i32
      %add3A_480 = arith.constant 2816 : i32
      %add3A_481 = arith.addi %add3A_480, %add3A_479 : i32
      %get3A = arith.index_cast %add3A_481 : i32 to index
      %get3A_482 = tpu.vector_load %arg7[%get3A] {strides = array<i32>} : memref<6400xi32, #tpu.memory_space<vmem>>, vector<1xi32>,
      %get3A_483 = vector.shape_cast %get3A_482 : vector<1xi32> to vector<1xi32>
      %squeeze3A = vector.extract %get3A_483[0] : i32 from vector<1xi32>
      %get3A_484 = arith.constant 0 : i32
      %get3A_485 = tpu.memref_slice %arg9[%add3A_479, %get3A_484] : memref<256x128xf32, #tpu.memory_space<vmem>> -> memref<1x128xf32, #tpu.memory_space<vmem>>
      %get3A_486 = tpu.memref_squeeze %get3A_485 : memref<1x128xf32, #tpu.memory_space<vmem>> -> memref<128xf32, #tpu.memory_space<vmem>>
      %get3A_487 = arith.index_cast %squeeze3A : i32 to index
      %get3A_488 = tpu.vector_load %get3A_486[%get3A_487] {strides = array<i32>} : memref<128xf32, #tpu.memory_space<vmem>>, vector<16xf32>,
      %get3A_489 = vector.shape_cast %get3A_488 : vector<16xf32> to vector<16xf32>
      %mul3A_490 = arith.constant 32 : i32
      %mul3A_491 = arith.muli %add3A_479, %mul3A_490 : i32
      %swap3A = arith.index_cast %mul3A_491 : i32 to index
      %swap3A_492 = tpu.vector_load %arg10[%swap3A] {strides = array<i32>} : memref<8192xf32, #tpu.memory_space<vmem>>, vector<16xf32>,
      %swap3A_493 = vector.shape_cast %swap3A_492 : vector<16xf32> to vector<16xf32>
      %swap3A_494 = vector.shape_cast %get3A_489 : vector<16xf32> to vector<16xf32>
      tpu.vector_store %arg10[%swap3A], %swap3A_494 {strides = array<i32>} : memref<8192xf32, #tpu.memory_space<vmem>>, vector<16xf32>,
      %add3A_495 = arith.constant 16 : i32
      %add3A_496 = arith.addi %squeeze3A, %add3A_495 : i32
      %get3A_497 = arith.constant 0 : i32
      %get3A_498 = tpu.memref_slice %arg9[%add3A_479, %get3A_497] : memref<256x128xf32, #tpu.memory_space<vmem>> -> memref<1x128xf32, #tpu.memory_space<vmem>>
      %get3A_499 = tpu.memref_squeeze %get3A_498 : memref<1x128xf32, #tpu.memory_space<vmem>> -> memref<128xf32, #tpu.memory_space<vmem>>
      %get3A_500 = arith.index_cast %add3A_496 : i32 to index
      %get3A_501 = tpu.vector_load %get3A_499[%get3A_500] {strides = array<i32>} : memref<128xf32, #tpu.memory_space<vmem>>, vector<16xf32>,
      %get3A_502 = vector.shape_cast %get3A_501 : vector<16xf32> to vector<16xf32>
      %mul3A_503 = arith.constant 32 : i32
      %mul3A_504 = arith.muli %add3A_479, %mul3A_503 : i32
      %add3A_505 = arith.constant 16 : i32
      %add3A_506 = arith.addi %mul3A_504, %add3A_505 : i32
      %swap3A_507 = arith.index_cast %add3A_506 : i32 to index
      %swap3A_508 = tpu.vector_load %arg10[%swap3A_507] {strides = array<i32>} : memref<8192xf32, #tpu.memory_space<vmem>>, vector<16xf32>,
      %swap3A_509 = vector.shape_cast %swap3A_508 : vector<16xf32> to vector<16xf32>
      %swap3A_510 = vector.shape_cast %get3A_502 : vector<16xf32> to vector<16xf32>
      tpu.vector_store %arg10[%swap3A_507], %swap3A_510 {strides = array<i32>} : memref<8192xf32, #tpu.memory_space<vmem>>, vector<16xf32>,
    }
    %scan3A_228 = arith.constant 256 : i32
    %add3A_229 = arith.constant 2816 : i32
    %add3A_230 = arith.addi %mul3A_2, %add3A_229 : i32
    %mul3A_231 = arith.constant 32 : i32
    %mul3A_232 = arith.muli %add3A_230, %mul3A_231 : i32
    "tpu.region"() ({
      %run_scoped3A = tpu.sem_alloc : memref<!tpu.dma_semaphore, #tpu.memory_space<semaphore_mem>>
      %dma_start3A_475 = tpu.memref_slice %arg5[%mul3A_232] : memref<6553600xf32, #tpu.memory_space<hbm>> -> memref<8192xf32, #tpu.memory_space<hbm>>
      %dma_start3A_476 = tpu.memref_slice %arg5[%mul3A_232] : memref<6553600xf32, #tpu.memory_space<hbm>> -> memref<8192xf32, #tpu.memory_space<hbm>>
      tpu.enqueue_dma source(%arg10 : memref<8192xf32, #tpu.memory_space<vmem>>) target(%dma_start3A_476 : memref<8192xf32, #tpu.memory_space<hbm>>) target_semaphore(%run_scoped3A : memref<!tpu.dma_semaphore, #tpu.memory_space<semaphore_mem>>)
      %dma_wait3A_477 = tpu.memref_slice %arg5[%mul3A_232] : memref<6553600xf32, #tpu.memory_space<hbm>> -> memref<8192xf32, #tpu.memory_space<hbm>>
      %dma_wait3A_478 = tpu.memref_slice %arg5[%mul3A_232] : memref<6553600xf32, #tpu.memory_space<hbm>> -> memref<8192xf32, #tpu.memory_space<hbm>>
      tpu.wait_dma2 semaphore(%run_scoped3A : memref<!tpu.dma_semaphore, #tpu.memory_space<semaphore_mem>>) src(%arg10 : memref<8192xf32, #tpu.memory_space<vmem>>) dst(%dma_wait3A_478 : memref<8192xf32, #tpu.memory_space<hbm>>)
      tpu.yield
    }) : () -> ()
    %dma_start3A_233 = arith.constant 3328 : i32
    %dma_start3A_234 = tpu.memref_slice %arg6[%dma_start3A_233] : memref<6400xi32, #tpu.memory_space<vmem>> -> memref<256xi32, #tpu.memory_space<vmem>>
    %dma_start3A_235 = arith.constant 0 : i32
    %dma_start3A_236 = arith.constant 0 : i32
    %dma_start3A_237 = tpu.memref_slice %arg2[%dma_start3A_235, %dma_start3A_236] : memref<250000x128xf32, #tpu.memory_space<hbm>> -> memref<250000x128xf32, #tpu.memory_space<hbm>>
    tpu.enqueue_indirect_dma source(%dma_start3A_237 : memref<250000x128xf32, #tpu.memory_space<hbm>>) target(%arg9 : memref<256x128xf32, #tpu.memory_space<vmem>>) offsets(%dma_start3A_234 : memref<256xi32, #tpu.memory_space<vmem>>) semaphore(%arg12 : memref<!tpu.dma_semaphore, #tpu.memory_space<semaphore_mem>>)
    %dma_wait3A_238 = arith.constant 3072 : i32
    %dma_wait3A_239 = tpu.memref_slice %arg6[%dma_wait3A_238] : memref<6400xi32, #tpu.memory_space<vmem>> -> memref<256xi32, #tpu.memory_space<vmem>>
    %dma_wait3A_240 = arith.constant 0 : i32
    %dma_wait3A_241 = arith.constant 0 : i32
    %dma_wait3A_242 = tpu.memref_slice %arg2[%dma_wait3A_240, %dma_wait3A_241] : memref<250000x128xf32, #tpu.memory_space<hbm>> -> memref<250000x128xf32, #tpu.memory_space<hbm>>
    tpu.wait_indirect_dma semaphore(%arg11 : memref<!tpu.dma_semaphore, #tpu.memory_space<semaphore_mem>>) src(%dma_wait3A_242 : memref<250000x128xf32, #tpu.memory_space<hbm>>) dst(%arg8 : memref<256x128xf32, #tpu.memory_space<vmem>>)
    %scan3A_243 = arith.constant 0 : i32
    %scan3A_244 = arith.constant 256 : i32
    %scan3A_245 = arith.addi %scan3A_243, %scan3A_244 : i32
    %scan3A_246 = arith.constant 1 : i32
    scf.for %scan3A_475 = %scan3A_243 to %scan3A_245 step %scan3A_246  : i32 {
      %mul3A_476 = arith.constant 1 : i32
      %mul3A_477 = arith.muli %scan3A_475, %mul3A_476 : i32
      %add3A_478 = arith.constant 0 : i32
      %add3A_479 = arith.addi %add3A_478, %mul3A_477 : i32
      %add3A_480 = arith.constant 3072 : i32
      %add3A_481 = arith.addi %add3A_480, %add3A_479 : i32
      %get3A = arith.index_cast %add3A_481 : i32 to index
      %get3A_482 = tpu.vector_load %arg7[%get3A] {strides = array<i32>} : memref<6400xi32, #tpu.memory_space<vmem>>, vector<1xi32>,
      %get3A_483 = vector.shape_cast %get3A_482 : vector<1xi32> to vector<1xi32>
      %squeeze3A = vector.extract %get3A_483[0] : i32 from vector<1xi32>
      %get3A_484 = arith.constant 0 : i32
      %get3A_485 = tpu.memref_slice %arg8[%add3A_479, %get3A_484] : memref<256x128xf32, #tpu.memory_space<vmem>> -> memref<1x128xf32, #tpu.memory_space<vmem>>
      %get3A_486 = tpu.memref_squeeze %get3A_485 : memref<1x128xf32, #tpu.memory_space<vmem>> -> memref<128xf32, #tpu.memory_space<vmem>>
      %get3A_487 = arith.index_cast %squeeze3A : i32 to index
      %get3A_488 = tpu.vector_load %get3A_486[%get3A_487] {strides = array<i32>} : memref<128xf32, #tpu.memory_space<vmem>>, vector<16xf32>,
      %get3A_489 = vector.shape_cast %get3A_488 : vector<16xf32> to vector<16xf32>
      %mul3A_490 = arith.constant 32 : i32
      %mul3A_491 = arith.muli %add3A_479, %mul3A_490 : i32
      %swap3A = arith.index_cast %mul3A_491 : i32 to index
      %swap3A_492 = tpu.vector_load %arg10[%swap3A] {strides = array<i32>} : memref<8192xf32, #tpu.memory_space<vmem>>, vector<16xf32>,
      %swap3A_493 = vector.shape_cast %swap3A_492 : vector<16xf32> to vector<16xf32>
      %swap3A_494 = vector.shape_cast %get3A_489 : vector<16xf32> to vector<16xf32>
      tpu.vector_store %arg10[%swap3A], %swap3A_494 {strides = array<i32>} : memref<8192xf32, #tpu.memory_space<vmem>>, vector<16xf32>,
      %add3A_495 = arith.constant 16 : i32
      %add3A_496 = arith.addi %squeeze3A, %add3A_495 : i32
      %get3A_497 = arith.constant 0 : i32
      %get3A_498 = tpu.memref_slice %arg8[%add3A_479, %get3A_497] : memref<256x128xf32, #tpu.memory_space<vmem>> -> memref<1x128xf32, #tpu.memory_space<vmem>>
      %get3A_499 = tpu.memref_squeeze %get3A_498 : memref<1x128xf32, #tpu.memory_space<vmem>> -> memref<128xf32, #tpu.memory_space<vmem>>
      %get3A_500 = arith.index_cast %add3A_496 : i32 to index
      %get3A_501 = tpu.vector_load %get3A_499[%get3A_500] {strides = array<i32>} : memref<128xf32, #tpu.memory_space<vmem>>, vector<16xf32>,
      %get3A_502 = vector.shape_cast %get3A_501 : vector<16xf32> to vector<16xf32>
      %mul3A_503 = arith.constant 32 : i32
      %mul3A_504 = arith.muli %add3A_479, %mul3A_503 : i32
      %add3A_505 = arith.constant 16 : i32
      %add3A_506 = arith.addi %mul3A_504, %add3A_505 : i32
      %swap3A_507 = arith.index_cast %add3A_506 : i32 to index
      %swap3A_508 = tpu.vector_load %arg10[%swap3A_507] {strides = array<i32>} : memref<8192xf32, #tpu.memory_space<vmem>>, vector<16xf32>,
      %swap3A_509 = vector.shape_cast %swap3A_508 : vector<16xf32> to vector<16xf32>
      %swap3A_510 = vector.shape_cast %get3A_502 : vector<16xf32> to vector<16xf32>
      tpu.vector_store %arg10[%swap3A_507], %swap3A_510 {strides = array<i32>} : memref<8192xf32, #tpu.memory_space<vmem>>, vector<16xf32>,
    }
    %scan3A_247 = arith.constant 256 : i32
    %add3A_248 = arith.constant 3072 : i32
    %add3A_249 = arith.addi %mul3A_2, %add3A_248 : i32
    %mul3A_250 = arith.constant 32 : i32
    %mul3A_251 = arith.muli %add3A_249, %mul3A_250 : i32
    "tpu.region"() ({
      %run_scoped3A = tpu.sem_alloc : memref<!tpu.dma_semaphore, #tpu.memory_space<semaphore_mem>>
      %dma_start3A_475 = tpu.memref_slice %arg5[%mul3A_251] : memref<6553600xf32, #tpu.memory_space<hbm>> -> memref<8192xf32, #tpu.memory_space<hbm>>
      %dma_start3A_476 = tpu.memref_slice %arg5[%mul3A_251] : memref<6553600xf32, #tpu.memory_space<hbm>> -> memref<8192xf32, #tpu.memory_space<hbm>>
      tpu.enqueue_dma source(%arg10 : memref<8192xf32, #tpu.memory_space<vmem>>) target(%dma_start3A_476 : memref<8192xf32, #tpu.memory_space<hbm>>) target_semaphore(%run_scoped3A : memref<!tpu.dma_semaphore, #tpu.memory_space<semaphore_mem>>)
      %dma_wait3A_477 = tpu.memref_slice %arg5[%mul3A_251] : memref<6553600xf32, #tpu.memory_space<hbm>> -> memref<8192xf32, #tpu.memory_space<hbm>>
      %dma_wait3A_478 = tpu.memref_slice %arg5[%mul3A_251] : memref<6553600xf32, #tpu.memory_space<hbm>> -> memref<8192xf32, #tpu.memory_space<hbm>>
      tpu.wait_dma2 semaphore(%run_scoped3A : memref<!tpu.dma_semaphore, #tpu.memory_space<semaphore_mem>>) src(%arg10 : memref<8192xf32, #tpu.memory_space<vmem>>) dst(%dma_wait3A_478 : memref<8192xf32, #tpu.memory_space<hbm>>)
      tpu.yield
    }) : () -> ()
    %dma_start3A_252 = arith.constant 3584 : i32
    %dma_start3A_253 = tpu.memref_slice %arg6[%dma_start3A_252] : memref<6400xi32, #tpu.memory_space<vmem>> -> memref<256xi32, #tpu.memory_space<vmem>>
    %dma_start3A_254 = arith.constant 0 : i32
    %dma_start3A_255 = arith.constant 0 : i32
    %dma_start3A_256 = tpu.memref_slice %arg2[%dma_start3A_254, %dma_start3A_255] : memref<250000x128xf32, #tpu.memory_space<hbm>> -> memref<250000x128xf32, #tpu.memory_space<hbm>>
    tpu.enqueue_indirect_dma source(%dma_start3A_256 : memref<250000x128xf32, #tpu.memory_space<hbm>>) target(%arg8 : memref<256x128xf32, #tpu.memory_space<vmem>>) offsets(%dma_start3A_253 : memref<256xi32, #tpu.memory_space<vmem>>) semaphore(%arg11 : memref<!tpu.dma_semaphore, #tpu.memory_space<semaphore_mem>>)
    %dma_wait3A_257 = arith.constant 3328 : i32
    %dma_wait3A_258 = tpu.memref_slice %arg6[%dma_wait3A_257] : memref<6400xi32, #tpu.memory_space<vmem>> -> memref<256xi32, #tpu.memory_space<vmem>>
    %dma_wait3A_259 = arith.constant 0 : i32
    %dma_wait3A_260 = arith.constant 0 : i32
    %dma_wait3A_261 = tpu.memref_slice %arg2[%dma_wait3A_259, %dma_wait3A_260] : memref<250000x128xf32, #tpu.memory_space<hbm>> -> memref<250000x128xf32, #tpu.memory_space<hbm>>
    tpu.wait_indirect_dma semaphore(%arg12 : memref<!tpu.dma_semaphore, #tpu.memory_space<semaphore_mem>>) src(%dma_wait3A_261 : memref<250000x128xf32, #tpu.memory_space<hbm>>) dst(%arg9 : memref<256x128xf32, #tpu.memory_space<vmem>>)
    %scan3A_262 = arith.constant 0 : i32
    %scan3A_263 = arith.constant 256 : i32
    %scan3A_264 = arith.addi %scan3A_262, %scan3A_263 : i32
    %scan3A_265 = arith.constant 1 : i32
    scf.for %scan3A_475 = %scan3A_262 to %scan3A_264 step %scan3A_265  : i32 {
      %mul3A_476 = arith.constant 1 : i32
      %mul3A_477 = arith.muli %scan3A_475, %mul3A_476 : i32
      %add3A_478 = arith.constant 0 : i32
      %add3A_479 = arith.addi %add3A_478, %mul3A_477 : i32
      %add3A_480 = arith.constant 3328 : i32
      %add3A_481 = arith.addi %add3A_480, %add3A_479 : i32
      %get3A = arith.index_cast %add3A_481 : i32 to index
      %get3A_482 = tpu.vector_load %arg7[%get3A] {strides = array<i32>} : memref<6400xi32, #tpu.memory_space<vmem>>, vector<1xi32>,
      %get3A_483 = vector.shape_cast %get3A_482 : vector<1xi32> to vector<1xi32>
      %squeeze3A = vector.extract %get3A_483[0] : i32 from vector<1xi32>
      %get3A_484 = arith.constant 0 : i32
      %get3A_485 = tpu.memref_slice %arg9[%add3A_479, %get3A_484] : memref<256x128xf32, #tpu.memory_space<vmem>> -> memref<1x128xf32, #tpu.memory_space<vmem>>
      %get3A_486 = tpu.memref_squeeze %get3A_485 : memref<1x128xf32, #tpu.memory_space<vmem>> -> memref<128xf32, #tpu.memory_space<vmem>>
      %get3A_487 = arith.index_cast %squeeze3A : i32 to index
      %get3A_488 = tpu.vector_load %get3A_486[%get3A_487] {strides = array<i32>} : memref<128xf32, #tpu.memory_space<vmem>>, vector<16xf32>,
      %get3A_489 = vector.shape_cast %get3A_488 : vector<16xf32> to vector<16xf32>
      %mul3A_490 = arith.constant 32 : i32
      %mul3A_491 = arith.muli %add3A_479, %mul3A_490 : i32
      %swap3A = arith.index_cast %mul3A_491 : i32 to index
      %swap3A_492 = tpu.vector_load %arg10[%swap3A] {strides = array<i32>} : memref<8192xf32, #tpu.memory_space<vmem>>, vector<16xf32>,
      %swap3A_493 = vector.shape_cast %swap3A_492 : vector<16xf32> to vector<16xf32>
      %swap3A_494 = vector.shape_cast %get3A_489 : vector<16xf32> to vector<16xf32>
      tpu.vector_store %arg10[%swap3A], %swap3A_494 {strides = array<i32>} : memref<8192xf32, #tpu.memory_space<vmem>>, vector<16xf32>,
      %add3A_495 = arith.constant 16 : i32
      %add3A_496 = arith.addi %squeeze3A, %add3A_495 : i32
      %get3A_497 = arith.constant 0 : i32
      %get3A_498 = tpu.memref_slice %arg9[%add3A_479, %get3A_497] : memref<256x128xf32, #tpu.memory_space<vmem>> -> memref<1x128xf32, #tpu.memory_space<vmem>>
      %get3A_499 = tpu.memref_squeeze %get3A_498 : memref<1x128xf32, #tpu.memory_space<vmem>> -> memref<128xf32, #tpu.memory_space<vmem>>
      %get3A_500 = arith.index_cast %add3A_496 : i32 to index
      %get3A_501 = tpu.vector_load %get3A_499[%get3A_500] {strides = array<i32>} : memref<128xf32, #tpu.memory_space<vmem>>, vector<16xf32>,
      %get3A_502 = vector.shape_cast %get3A_501 : vector<16xf32> to vector<16xf32>
      %mul3A_503 = arith.constant 32 : i32
      %mul3A_504 = arith.muli %add3A_479, %mul3A_503 : i32
      %add3A_505 = arith.constant 16 : i32
      %add3A_506 = arith.addi %mul3A_504, %add3A_505 : i32
      %swap3A_507 = arith.index_cast %add3A_506 : i32 to index
      %swap3A_508 = tpu.vector_load %arg10[%swap3A_507] {strides = array<i32>} : memref<8192xf32, #tpu.memory_space<vmem>>, vector<16xf32>,
      %swap3A_509 = vector.shape_cast %swap3A_508 : vector<16xf32> to vector<16xf32>
      %swap3A_510 = vector.shape_cast %get3A_502 : vector<16xf32> to vector<16xf32>
      tpu.vector_store %arg10[%swap3A_507], %swap3A_510 {strides = array<i32>} : memref<8192xf32, #tpu.memory_space<vmem>>, vector<16xf32>,
    }
    %scan3A_266 = arith.constant 256 : i32
    %add3A_267 = arith.constant 3328 : i32
    %add3A_268 = arith.addi %mul3A_2, %add3A_267 : i32
    %mul3A_269 = arith.constant 32 : i32
    %mul3A_270 = arith.muli %add3A_268, %mul3A_269 : i32
    "tpu.region"() ({
      %run_scoped3A = tpu.sem_alloc : memref<!tpu.dma_semaphore, #tpu.memory_space<semaphore_mem>>
      %dma_start3A_475 = tpu.memref_slice %arg5[%mul3A_270] : memref<6553600xf32, #tpu.memory_space<hbm>> -> memref<8192xf32, #tpu.memory_space<hbm>>
      %dma_start3A_476 = tpu.memref_slice %arg5[%mul3A_270] : memref<6553600xf32, #tpu.memory_space<hbm>> -> memref<8192xf32, #tpu.memory_space<hbm>>
      tpu.enqueue_dma source(%arg10 : memref<8192xf32, #tpu.memory_space<vmem>>) target(%dma_start3A_476 : memref<8192xf32, #tpu.memory_space<hbm>>) target_semaphore(%run_scoped3A : memref<!tpu.dma_semaphore, #tpu.memory_space<semaphore_mem>>)
      %dma_wait3A_477 = tpu.memref_slice %arg5[%mul3A_270] : memref<6553600xf32, #tpu.memory_space<hbm>> -> memref<8192xf32, #tpu.memory_space<hbm>>
      %dma_wait3A_478 = tpu.memref_slice %arg5[%mul3A_270] : memref<6553600xf32, #tpu.memory_space<hbm>> -> memref<8192xf32, #tpu.memory_space<hbm>>
      tpu.wait_dma2 semaphore(%run_scoped3A : memref<!tpu.dma_semaphore, #tpu.memory_space<semaphore_mem>>) src(%arg10 : memref<8192xf32, #tpu.memory_space<vmem>>) dst(%dma_wait3A_478 : memref<8192xf32, #tpu.memory_space<hbm>>)
      tpu.yield
    }) : () -> ()
    %dma_start3A_271 = arith.constant 3840 : i32
    %dma_start3A_272 = tpu.memref_slice %arg6[%dma_start3A_271] : memref<6400xi32, #tpu.memory_space<vmem>> -> memref<256xi32, #tpu.memory_space<vmem>>
    %dma_start3A_273 = arith.constant 0 : i32
    %dma_start3A_274 = arith.constant 0 : i32
    %dma_start3A_275 = tpu.memref_slice %arg2[%dma_start3A_273, %dma_start3A_274] : memref<250000x128xf32, #tpu.memory_space<hbm>> -> memref<250000x128xf32, #tpu.memory_space<hbm>>
    tpu.enqueue_indirect_dma source(%dma_start3A_275 : memref<250000x128xf32, #tpu.memory_space<hbm>>) target(%arg9 : memref<256x128xf32, #tpu.memory_space<vmem>>) offsets(%dma_start3A_272 : memref<256xi32, #tpu.memory_space<vmem>>) semaphore(%arg12 : memref<!tpu.dma_semaphore, #tpu.memory_space<semaphore_mem>>)
    %dma_wait3A_276 = arith.constant 3584 : i32
    %dma_wait3A_277 = tpu.memref_slice %arg6[%dma_wait3A_276] : memref<6400xi32, #tpu.memory_space<vmem>> -> memref<256xi32, #tpu.memory_space<vmem>>
    %dma_wait3A_278 = arith.constant 0 : i32
    %dma_wait3A_279 = arith.constant 0 : i32
    %dma_wait3A_280 = tpu.memref_slice %arg2[%dma_wait3A_278, %dma_wait3A_279] : memref<250000x128xf32, #tpu.memory_space<hbm>> -> memref<250000x128xf32, #tpu.memory_space<hbm>>
    tpu.wait_indirect_dma semaphore(%arg11 : memref<!tpu.dma_semaphore, #tpu.memory_space<semaphore_mem>>) src(%dma_wait3A_280 : memref<250000x128xf32, #tpu.memory_space<hbm>>) dst(%arg8 : memref<256x128xf32, #tpu.memory_space<vmem>>)
    %scan3A_281 = arith.constant 0 : i32
    %scan3A_282 = arith.constant 256 : i32
    %scan3A_283 = arith.addi %scan3A_281, %scan3A_282 : i32
    %scan3A_284 = arith.constant 1 : i32
    scf.for %scan3A_475 = %scan3A_281 to %scan3A_283 step %scan3A_284  : i32 {
      %mul3A_476 = arith.constant 1 : i32
      %mul3A_477 = arith.muli %scan3A_475, %mul3A_476 : i32
      %add3A_478 = arith.constant 0 : i32
      %add3A_479 = arith.addi %add3A_478, %mul3A_477 : i32
      %add3A_480 = arith.constant 3584 : i32
      %add3A_481 = arith.addi %add3A_480, %add3A_479 : i32
      %get3A = arith.index_cast %add3A_481 : i32 to index
      %get3A_482 = tpu.vector_load %arg7[%get3A] {strides = array<i32>} : memref<6400xi32, #tpu.memory_space<vmem>>, vector<1xi32>,
      %get3A_483 = vector.shape_cast %get3A_482 : vector<1xi32> to vector<1xi32>
      %squeeze3A = vector.extract %get3A_483[0] : i32 from vector<1xi32>
      %get3A_484 = arith.constant 0 : i32
      %get3A_485 = tpu.memref_slice %arg8[%add3A_479, %get3A_484] : memref<256x128xf32, #tpu.memory_space<vmem>> -> memref<1x128xf32, #tpu.memory_space<vmem>>
      %get3A_486 = tpu.memref_squeeze %get3A_485 : memref<1x128xf32, #tpu.memory_space<vmem>> -> memref<128xf32, #tpu.memory_space<vmem>>
      %get3A_487 = arith.index_cast %squeeze3A : i32 to index
      %get3A_488 = tpu.vector_load %get3A_486[%get3A_487] {strides = array<i32>} : memref<128xf32, #tpu.memory_space<vmem>>, vector<16xf32>,
      %get3A_489 = vector.shape_cast %get3A_488 : vector<16xf32> to vector<16xf32>
      %mul3A_490 = arith.constant 32 : i32
      %mul3A_491 = arith.muli %add3A_479, %mul3A_490 : i32
      %swap3A = arith.index_cast %mul3A_491 : i32 to index
      %swap3A_492 = tpu.vector_load %arg10[%swap3A] {strides = array<i32>} : memref<8192xf32, #tpu.memory_space<vmem>>, vector<16xf32>,
      %swap3A_493 = vector.shape_cast %swap3A_492 : vector<16xf32> to vector<16xf32>
      %swap3A_494 = vector.shape_cast %get3A_489 : vector<16xf32> to vector<16xf32>
      tpu.vector_store %arg10[%swap3A], %swap3A_494 {strides = array<i32>} : memref<8192xf32, #tpu.memory_space<vmem>>, vector<16xf32>,
      %add3A_495 = arith.constant 16 : i32
      %add3A_496 = arith.addi %squeeze3A, %add3A_495 : i32
      %get3A_497 = arith.constant 0 : i32
      %get3A_498 = tpu.memref_slice %arg8[%add3A_479, %get3A_497] : memref<256x128xf32, #tpu.memory_space<vmem>> -> memref<1x128xf32, #tpu.memory_space<vmem>>
      %get3A_499 = tpu.memref_squeeze %get3A_498 : memref<1x128xf32, #tpu.memory_space<vmem>> -> memref<128xf32, #tpu.memory_space<vmem>>
      %get3A_500 = arith.index_cast %add3A_496 : i32 to index
      %get3A_501 = tpu.vector_load %get3A_499[%get3A_500] {strides = array<i32>} : memref<128xf32, #tpu.memory_space<vmem>>, vector<16xf32>,
      %get3A_502 = vector.shape_cast %get3A_501 : vector<16xf32> to vector<16xf32>
      %mul3A_503 = arith.constant 32 : i32
      %mul3A_504 = arith.muli %add3A_479, %mul3A_503 : i32
      %add3A_505 = arith.constant 16 : i32
      %add3A_506 = arith.addi %mul3A_504, %add3A_505 : i32
      %swap3A_507 = arith.index_cast %add3A_506 : i32 to index
      %swap3A_508 = tpu.vector_load %arg10[%swap3A_507] {strides = array<i32>} : memref<8192xf32, #tpu.memory_space<vmem>>, vector<16xf32>,
      %swap3A_509 = vector.shape_cast %swap3A_508 : vector<16xf32> to vector<16xf32>
      %swap3A_510 = vector.shape_cast %get3A_502 : vector<16xf32> to vector<16xf32>
      tpu.vector_store %arg10[%swap3A_507], %swap3A_510 {strides = array<i32>} : memref<8192xf32, #tpu.memory_space<vmem>>, vector<16xf32>,
    }
    %scan3A_285 = arith.constant 256 : i32
    %add3A_286 = arith.constant 3584 : i32
    %add3A_287 = arith.addi %mul3A_2, %add3A_286 : i32
    %mul3A_288 = arith.constant 32 : i32
    %mul3A_289 = arith.muli %add3A_287, %mul3A_288 : i32
    "tpu.region"() ({
      %run_scoped3A = tpu.sem_alloc : memref<!tpu.dma_semaphore, #tpu.memory_space<semaphore_mem>>
      %dma_start3A_475 = tpu.memref_slice %arg5[%mul3A_289] : memref<6553600xf32, #tpu.memory_space<hbm>> -> memref<8192xf32, #tpu.memory_space<hbm>>
      %dma_start3A_476 = tpu.memref_slice %arg5[%mul3A_289] : memref<6553600xf32, #tpu.memory_space<hbm>> -> memref<8192xf32, #tpu.memory_space<hbm>>
      tpu.enqueue_dma source(%arg10 : memref<8192xf32, #tpu.memory_space<vmem>>) target(%dma_start3A_476 : memref<8192xf32, #tpu.memory_space<hbm>>) target_semaphore(%run_scoped3A : memref<!tpu.dma_semaphore, #tpu.memory_space<semaphore_mem>>)
      %dma_wait3A_477 = tpu.memref_slice %arg5[%mul3A_289] : memref<6553600xf32, #tpu.memory_space<hbm>> -> memref<8192xf32, #tpu.memory_space<hbm>>
      %dma_wait3A_478 = tpu.memref_slice %arg5[%mul3A_289] : memref<6553600xf32, #tpu.memory_space<hbm>> -> memref<8192xf32, #tpu.memory_space<hbm>>
      tpu.wait_dma2 semaphore(%run_scoped3A : memref<!tpu.dma_semaphore, #tpu.memory_space<semaphore_mem>>) src(%arg10 : memref<8192xf32, #tpu.memory_space<vmem>>) dst(%dma_wait3A_478 : memref<8192xf32, #tpu.memory_space<hbm>>)
      tpu.yield
    }) : () -> ()
    %dma_start3A_290 = arith.constant 4096 : i32
    %dma_start3A_291 = tpu.memref_slice %arg6[%dma_start3A_290] : memref<6400xi32, #tpu.memory_space<vmem>> -> memref<256xi32, #tpu.memory_space<vmem>>
    %dma_start3A_292 = arith.constant 0 : i32
    %dma_start3A_293 = arith.constant 0 : i32
    %dma_start3A_294 = tpu.memref_slice %arg2[%dma_start3A_292, %dma_start3A_293] : memref<250000x128xf32, #tpu.memory_space<hbm>> -> memref<250000x128xf32, #tpu.memory_space<hbm>>
    tpu.enqueue_indirect_dma source(%dma_start3A_294 : memref<250000x128xf32, #tpu.memory_space<hbm>>) target(%arg8 : memref<256x128xf32, #tpu.memory_space<vmem>>) offsets(%dma_start3A_291 : memref<256xi32, #tpu.memory_space<vmem>>) semaphore(%arg11 : memref<!tpu.dma_semaphore, #tpu.memory_space<semaphore_mem>>)
    %dma_wait3A_295 = arith.constant 3840 : i32
    %dma_wait3A_296 = tpu.memref_slice %arg6[%dma_wait3A_295] : memref<6400xi32, #tpu.memory_space<vmem>> -> memref<256xi32, #tpu.memory_space<vmem>>
    %dma_wait3A_297 = arith.constant 0 : i32
    %dma_wait3A_298 = arith.constant 0 : i32
    %dma_wait3A_299 = tpu.memref_slice %arg2[%dma_wait3A_297, %dma_wait3A_298] : memref<250000x128xf32, #tpu.memory_space<hbm>> -> memref<250000x128xf32, #tpu.memory_space<hbm>>
    tpu.wait_indirect_dma semaphore(%arg12 : memref<!tpu.dma_semaphore, #tpu.memory_space<semaphore_mem>>) src(%dma_wait3A_299 : memref<250000x128xf32, #tpu.memory_space<hbm>>) dst(%arg9 : memref<256x128xf32, #tpu.memory_space<vmem>>)
    %scan3A_300 = arith.constant 0 : i32
    %scan3A_301 = arith.constant 256 : i32
    %scan3A_302 = arith.addi %scan3A_300, %scan3A_301 : i32
    %scan3A_303 = arith.constant 1 : i32
    scf.for %scan3A_475 = %scan3A_300 to %scan3A_302 step %scan3A_303  : i32 {
      %mul3A_476 = arith.constant 1 : i32
      %mul3A_477 = arith.muli %scan3A_475, %mul3A_476 : i32
      %add3A_478 = arith.constant 0 : i32
      %add3A_479 = arith.addi %add3A_478, %mul3A_477 : i32
      %add3A_480 = arith.constant 3840 : i32
      %add3A_481 = arith.addi %add3A_480, %add3A_479 : i32
      %get3A = arith.index_cast %add3A_481 : i32 to index
      %get3A_482 = tpu.vector_load %arg7[%get3A] {strides = array<i32>} : memref<6400xi32, #tpu.memory_space<vmem>>, vector<1xi32>,
      %get3A_483 = vector.shape_cast %get3A_482 : vector<1xi32> to vector<1xi32>
      %squeeze3A = vector.extract %get3A_483[0] : i32 from vector<1xi32>
      %get3A_484 = arith.constant 0 : i32
      %get3A_485 = tpu.memref_slice %arg9[%add3A_479, %get3A_484] : memref<256x128xf32, #tpu.memory_space<vmem>> -> memref<1x128xf32, #tpu.memory_space<vmem>>
      %get3A_486 = tpu.memref_squeeze %get3A_485 : memref<1x128xf32, #tpu.memory_space<vmem>> -> memref<128xf32, #tpu.memory_space<vmem>>
      %get3A_487 = arith.index_cast %squeeze3A : i32 to index
      %get3A_488 = tpu.vector_load %get3A_486[%get3A_487] {strides = array<i32>} : memref<128xf32, #tpu.memory_space<vmem>>, vector<16xf32>,
      %get3A_489 = vector.shape_cast %get3A_488 : vector<16xf32> to vector<16xf32>
      %mul3A_490 = arith.constant 32 : i32
      %mul3A_491 = arith.muli %add3A_479, %mul3A_490 : i32
      %swap3A = arith.index_cast %mul3A_491 : i32 to index
      %swap3A_492 = tpu.vector_load %arg10[%swap3A] {strides = array<i32>} : memref<8192xf32, #tpu.memory_space<vmem>>, vector<16xf32>,
      %swap3A_493 = vector.shape_cast %swap3A_492 : vector<16xf32> to vector<16xf32>
      %swap3A_494 = vector.shape_cast %get3A_489 : vector<16xf32> to vector<16xf32>
      tpu.vector_store %arg10[%swap3A], %swap3A_494 {strides = array<i32>} : memref<8192xf32, #tpu.memory_space<vmem>>, vector<16xf32>,
      %add3A_495 = arith.constant 16 : i32
      %add3A_496 = arith.addi %squeeze3A, %add3A_495 : i32
      %get3A_497 = arith.constant 0 : i32
      %get3A_498 = tpu.memref_slice %arg9[%add3A_479, %get3A_497] : memref<256x128xf32, #tpu.memory_space<vmem>> -> memref<1x128xf32, #tpu.memory_space<vmem>>
      %get3A_499 = tpu.memref_squeeze %get3A_498 : memref<1x128xf32, #tpu.memory_space<vmem>> -> memref<128xf32, #tpu.memory_space<vmem>>
      %get3A_500 = arith.index_cast %add3A_496 : i32 to index
      %get3A_501 = tpu.vector_load %get3A_499[%get3A_500] {strides = array<i32>} : memref<128xf32, #tpu.memory_space<vmem>>, vector<16xf32>,
      %get3A_502 = vector.shape_cast %get3A_501 : vector<16xf32> to vector<16xf32>
      %mul3A_503 = arith.constant 32 : i32
      %mul3A_504 = arith.muli %add3A_479, %mul3A_503 : i32
      %add3A_505 = arith.constant 16 : i32
      %add3A_506 = arith.addi %mul3A_504, %add3A_505 : i32
      %swap3A_507 = arith.index_cast %add3A_506 : i32 to index
      %swap3A_508 = tpu.vector_load %arg10[%swap3A_507] {strides = array<i32>} : memref<8192xf32, #tpu.memory_space<vmem>>, vector<16xf32>,
      %swap3A_509 = vector.shape_cast %swap3A_508 : vector<16xf32> to vector<16xf32>
      %swap3A_510 = vector.shape_cast %get3A_502 : vector<16xf32> to vector<16xf32>
      tpu.vector_store %arg10[%swap3A_507], %swap3A_510 {strides = array<i32>} : memref<8192xf32, #tpu.memory_space<vmem>>, vector<16xf32>,
    }
    %scan3A_304 = arith.constant 256 : i32
    %add3A_305 = arith.constant 3840 : i32
    %add3A_306 = arith.addi %mul3A_2, %add3A_305 : i32
    %mul3A_307 = arith.constant 32 : i32
    %mul3A_308 = arith.muli %add3A_306, %mul3A_307 : i32
    "tpu.region"() ({
      %run_scoped3A = tpu.sem_alloc : memref<!tpu.dma_semaphore, #tpu.memory_space<semaphore_mem>>
      %dma_start3A_475 = tpu.memref_slice %arg5[%mul3A_308] : memref<6553600xf32, #tpu.memory_space<hbm>> -> memref<8192xf32, #tpu.memory_space<hbm>>
      %dma_start3A_476 = tpu.memref_slice %arg5[%mul3A_308] : memref<6553600xf32, #tpu.memory_space<hbm>> -> memref<8192xf32, #tpu.memory_space<hbm>>
      tpu.enqueue_dma source(%arg10 : memref<8192xf32, #tpu.memory_space<vmem>>) target(%dma_start3A_476 : memref<8192xf32, #tpu.memory_space<hbm>>) target_semaphore(%run_scoped3A : memref<!tpu.dma_semaphore, #tpu.memory_space<semaphore_mem>>)
      %dma_wait3A_477 = tpu.memref_slice %arg5[%mul3A_308] : memref<6553600xf32, #tpu.memory_space<hbm>> -> memref<8192xf32, #tpu.memory_space<hbm>>
      %dma_wait3A_478 = tpu.memref_slice %arg5[%mul3A_308] : memref<6553600xf32, #tpu.memory_space<hbm>> -> memref<8192xf32, #tpu.memory_space<hbm>>
      tpu.wait_dma2 semaphore(%run_scoped3A : memref<!tpu.dma_semaphore, #tpu.memory_space<semaphore_mem>>) src(%arg10 : memref<8192xf32, #tpu.memory_space<vmem>>) dst(%dma_wait3A_478 : memref<8192xf32, #tpu.memory_space<hbm>>)
      tpu.yield
    }) : () -> ()
    %dma_start3A_309 = arith.constant 4352 : i32
    %dma_start3A_310 = tpu.memref_slice %arg6[%dma_start3A_309] : memref<6400xi32, #tpu.memory_space<vmem>> -> memref<256xi32, #tpu.memory_space<vmem>>
    %dma_start3A_311 = arith.constant 0 : i32
    %dma_start3A_312 = arith.constant 0 : i32
    %dma_start3A_313 = tpu.memref_slice %arg2[%dma_start3A_311, %dma_start3A_312] : memref<250000x128xf32, #tpu.memory_space<hbm>> -> memref<250000x128xf32, #tpu.memory_space<hbm>>
    tpu.enqueue_indirect_dma source(%dma_start3A_313 : memref<250000x128xf32, #tpu.memory_space<hbm>>) target(%arg9 : memref<256x128xf32, #tpu.memory_space<vmem>>) offsets(%dma_start3A_310 : memref<256xi32, #tpu.memory_space<vmem>>) semaphore(%arg12 : memref<!tpu.dma_semaphore, #tpu.memory_space<semaphore_mem>>)
    %dma_wait3A_314 = arith.constant 4096 : i32
    %dma_wait3A_315 = tpu.memref_slice %arg6[%dma_wait3A_314] : memref<6400xi32, #tpu.memory_space<vmem>> -> memref<256xi32, #tpu.memory_space<vmem>>
    %dma_wait3A_316 = arith.constant 0 : i32
    %dma_wait3A_317 = arith.constant 0 : i32
    %dma_wait3A_318 = tpu.memref_slice %arg2[%dma_wait3A_316, %dma_wait3A_317] : memref<250000x128xf32, #tpu.memory_space<hbm>> -> memref<250000x128xf32, #tpu.memory_space<hbm>>
    tpu.wait_indirect_dma semaphore(%arg11 : memref<!tpu.dma_semaphore, #tpu.memory_space<semaphore_mem>>) src(%dma_wait3A_318 : memref<250000x128xf32, #tpu.memory_space<hbm>>) dst(%arg8 : memref<256x128xf32, #tpu.memory_space<vmem>>)
    %scan3A_319 = arith.constant 0 : i32
    %scan3A_320 = arith.constant 256 : i32
    %scan3A_321 = arith.addi %scan3A_319, %scan3A_320 : i32
    %scan3A_322 = arith.constant 1 : i32
    scf.for %scan3A_475 = %scan3A_319 to %scan3A_321 step %scan3A_322  : i32 {
      %mul3A_476 = arith.constant 1 : i32
      %mul3A_477 = arith.muli %scan3A_475, %mul3A_476 : i32
      %add3A_478 = arith.constant 0 : i32
      %add3A_479 = arith.addi %add3A_478, %mul3A_477 : i32
      %add3A_480 = arith.constant 4096 : i32
      %add3A_481 = arith.addi %add3A_480, %add3A_479 : i32
      %get3A = arith.index_cast %add3A_481 : i32 to index
      %get3A_482 = tpu.vector_load %arg7[%get3A] {strides = array<i32>} : memref<6400xi32, #tpu.memory_space<vmem>>, vector<1xi32>,
      %get3A_483 = vector.shape_cast %get3A_482 : vector<1xi32> to vector<1xi32>
      %squeeze3A = vector.extract %get3A_483[0] : i32 from vector<1xi32>
      %get3A_484 = arith.constant 0 : i32
      %get3A_485 = tpu.memref_slice %arg8[%add3A_479, %get3A_484] : memref<256x128xf32, #tpu.memory_space<vmem>> -> memref<1x128xf32, #tpu.memory_space<vmem>>
      %get3A_486 = tpu.memref_squeeze %get3A_485 : memref<1x128xf32, #tpu.memory_space<vmem>> -> memref<128xf32, #tpu.memory_space<vmem>>
      %get3A_487 = arith.index_cast %squeeze3A : i32 to index
      %get3A_488 = tpu.vector_load %get3A_486[%get3A_487] {strides = array<i32>} : memref<128xf32, #tpu.memory_space<vmem>>, vector<16xf32>,
      %get3A_489 = vector.shape_cast %get3A_488 : vector<16xf32> to vector<16xf32>
      %mul3A_490 = arith.constant 32 : i32
      %mul3A_491 = arith.muli %add3A_479, %mul3A_490 : i32
      %swap3A = arith.index_cast %mul3A_491 : i32 to index
      %swap3A_492 = tpu.vector_load %arg10[%swap3A] {strides = array<i32>} : memref<8192xf32, #tpu.memory_space<vmem>>, vector<16xf32>,
      %swap3A_493 = vector.shape_cast %swap3A_492 : vector<16xf32> to vector<16xf32>
      %swap3A_494 = vector.shape_cast %get3A_489 : vector<16xf32> to vector<16xf32>
      tpu.vector_store %arg10[%swap3A], %swap3A_494 {strides = array<i32>} : memref<8192xf32, #tpu.memory_space<vmem>>, vector<16xf32>,
      %add3A_495 = arith.constant 16 : i32
      %add3A_496 = arith.addi %squeeze3A, %add3A_495 : i32
      %get3A_497 = arith.constant 0 : i32
      %get3A_498 = tpu.memref_slice %arg8[%add3A_479, %get3A_497] : memref<256x128xf32, #tpu.memory_space<vmem>> -> memref<1x128xf32, #tpu.memory_space<vmem>>
      %get3A_499 = tpu.memref_squeeze %get3A_498 : memref<1x128xf32, #tpu.memory_space<vmem>> -> memref<128xf32, #tpu.memory_space<vmem>>
      %get3A_500 = arith.index_cast %add3A_496 : i32 to index
      %get3A_501 = tpu.vector_load %get3A_499[%get3A_500] {strides = array<i32>} : memref<128xf32, #tpu.memory_space<vmem>>, vector<16xf32>,
      %get3A_502 = vector.shape_cast %get3A_501 : vector<16xf32> to vector<16xf32>
      %mul3A_503 = arith.constant 32 : i32
      %mul3A_504 = arith.muli %add3A_479, %mul3A_503 : i32
      %add3A_505 = arith.constant 16 : i32
      %add3A_506 = arith.addi %mul3A_504, %add3A_505 : i32
      %swap3A_507 = arith.index_cast %add3A_506 : i32 to index
      %swap3A_508 = tpu.vector_load %arg10[%swap3A_507] {strides = array<i32>} : memref<8192xf32, #tpu.memory_space<vmem>>, vector<16xf32>,
      %swap3A_509 = vector.shape_cast %swap3A_508 : vector<16xf32> to vector<16xf32>
      %swap3A_510 = vector.shape_cast %get3A_502 : vector<16xf32> to vector<16xf32>
      tpu.vector_store %arg10[%swap3A_507], %swap3A_510 {strides = array<i32>} : memref<8192xf32, #tpu.memory_space<vmem>>, vector<16xf32>,
    }
    %scan3A_323 = arith.constant 256 : i32
    %add3A_324 = arith.constant 4096 : i32
    %add3A_325 = arith.addi %mul3A_2, %add3A_324 : i32
    %mul3A_326 = arith.constant 32 : i32
    %mul3A_327 = arith.muli %add3A_325, %mul3A_326 : i32
    "tpu.region"() ({
      %run_scoped3A = tpu.sem_alloc : memref<!tpu.dma_semaphore, #tpu.memory_space<semaphore_mem>>
      %dma_start3A_475 = tpu.memref_slice %arg5[%mul3A_327] : memref<6553600xf32, #tpu.memory_space<hbm>> -> memref<8192xf32, #tpu.memory_space<hbm>>
      %dma_start3A_476 = tpu.memref_slice %arg5[%mul3A_327] : memref<6553600xf32, #tpu.memory_space<hbm>> -> memref<8192xf32, #tpu.memory_space<hbm>>
      tpu.enqueue_dma source(%arg10 : memref<8192xf32, #tpu.memory_space<vmem>>) target(%dma_start3A_476 : memref<8192xf32, #tpu.memory_space<hbm>>) target_semaphore(%run_scoped3A : memref<!tpu.dma_semaphore, #tpu.memory_space<semaphore_mem>>)
      %dma_wait3A_477 = tpu.memref_slice %arg5[%mul3A_327] : memref<6553600xf32, #tpu.memory_space<hbm>> -> memref<8192xf32, #tpu.memory_space<hbm>>
      %dma_wait3A_478 = tpu.memref_slice %arg5[%mul3A_327] : memref<6553600xf32, #tpu.memory_space<hbm>> -> memref<8192xf32, #tpu.memory_space<hbm>>
      tpu.wait_dma2 semaphore(%run_scoped3A : memref<!tpu.dma_semaphore, #tpu.memory_space<semaphore_mem>>) src(%arg10 : memref<8192xf32, #tpu.memory_space<vmem>>) dst(%dma_wait3A_478 : memref<8192xf32, #tpu.memory_space<hbm>>)
      tpu.yield
    }) : () -> ()
    %dma_start3A_328 = arith.constant 4608 : i32
    %dma_start3A_329 = tpu.memref_slice %arg6[%dma_start3A_328] : memref<6400xi32, #tpu.memory_space<vmem>> -> memref<256xi32, #tpu.memory_space<vmem>>
    %dma_start3A_330 = arith.constant 0 : i32
    %dma_start3A_331 = arith.constant 0 : i32
    %dma_start3A_332 = tpu.memref_slice %arg2[%dma_start3A_330, %dma_start3A_331] : memref<250000x128xf32, #tpu.memory_space<hbm>> -> memref<250000x128xf32, #tpu.memory_space<hbm>>
    tpu.enqueue_indirect_dma source(%dma_start3A_332 : memref<250000x128xf32, #tpu.memory_space<hbm>>) target(%arg8 : memref<256x128xf32, #tpu.memory_space<vmem>>) offsets(%dma_start3A_329 : memref<256xi32, #tpu.memory_space<vmem>>) semaphore(%arg11 : memref<!tpu.dma_semaphore, #tpu.memory_space<semaphore_mem>>)
    %dma_wait3A_333 = arith.constant 4352 : i32
    %dma_wait3A_334 = tpu.memref_slice %arg6[%dma_wait3A_333] : memref<6400xi32, #tpu.memory_space<vmem>> -> memref<256xi32, #tpu.memory_space<vmem>>
    %dma_wait3A_335 = arith.constant 0 : i32
    %dma_wait3A_336 = arith.constant 0 : i32
    %dma_wait3A_337 = tpu.memref_slice %arg2[%dma_wait3A_335, %dma_wait3A_336] : memref<250000x128xf32, #tpu.memory_space<hbm>> -> memref<250000x128xf32, #tpu.memory_space<hbm>>
    tpu.wait_indirect_dma semaphore(%arg12 : memref<!tpu.dma_semaphore, #tpu.memory_space<semaphore_mem>>) src(%dma_wait3A_337 : memref<250000x128xf32, #tpu.memory_space<hbm>>) dst(%arg9 : memref<256x128xf32, #tpu.memory_space<vmem>>)
    %scan3A_338 = arith.constant 0 : i32
    %scan3A_339 = arith.constant 256 : i32
    %scan3A_340 = arith.addi %scan3A_338, %scan3A_339 : i32
    %scan3A_341 = arith.constant 1 : i32
    scf.for %scan3A_475 = %scan3A_338 to %scan3A_340 step %scan3A_341  : i32 {
      %mul3A_476 = arith.constant 1 : i32
      %mul3A_477 = arith.muli %scan3A_475, %mul3A_476 : i32
      %add3A_478 = arith.constant 0 : i32
      %add3A_479 = arith.addi %add3A_478, %mul3A_477 : i32
      %add3A_480 = arith.constant 4352 : i32
      %add3A_481 = arith.addi %add3A_480, %add3A_479 : i32
      %get3A = arith.index_cast %add3A_481 : i32 to index
      %get3A_482 = tpu.vector_load %arg7[%get3A] {strides = array<i32>} : memref<6400xi32, #tpu.memory_space<vmem>>, vector<1xi32>,
      %get3A_483 = vector.shape_cast %get3A_482 : vector<1xi32> to vector<1xi32>
      %squeeze3A = vector.extract %get3A_483[0] : i32 from vector<1xi32>
      %get3A_484 = arith.constant 0 : i32
      %get3A_485 = tpu.memref_slice %arg9[%add3A_479, %get3A_484] : memref<256x128xf32, #tpu.memory_space<vmem>> -> memref<1x128xf32, #tpu.memory_space<vmem>>
      %get3A_486 = tpu.memref_squeeze %get3A_485 : memref<1x128xf32, #tpu.memory_space<vmem>> -> memref<128xf32, #tpu.memory_space<vmem>>
      %get3A_487 = arith.index_cast %squeeze3A : i32 to index
      %get3A_488 = tpu.vector_load %get3A_486[%get3A_487] {strides = array<i32>} : memref<128xf32, #tpu.memory_space<vmem>>, vector<16xf32>,
      %get3A_489 = vector.shape_cast %get3A_488 : vector<16xf32> to vector<16xf32>
      %mul3A_490 = arith.constant 32 : i32
      %mul3A_491 = arith.muli %add3A_479, %mul3A_490 : i32
      %swap3A = arith.index_cast %mul3A_491 : i32 to index
      %swap3A_492 = tpu.vector_load %arg10[%swap3A] {strides = array<i32>} : memref<8192xf32, #tpu.memory_space<vmem>>, vector<16xf32>,
      %swap3A_493 = vector.shape_cast %swap3A_492 : vector<16xf32> to vector<16xf32>
      %swap3A_494 = vector.shape_cast %get3A_489 : vector<16xf32> to vector<16xf32>
      tpu.vector_store %arg10[%swap3A], %swap3A_494 {strides = array<i32>} : memref<8192xf32, #tpu.memory_space<vmem>>, vector<16xf32>,
      %add3A_495 = arith.constant 16 : i32
      %add3A_496 = arith.addi %squeeze3A, %add3A_495 : i32
      %get3A_497 = arith.constant 0 : i32
      %get3A_498 = tpu.memref_slice %arg9[%add3A_479, %get3A_497] : memref<256x128xf32, #tpu.memory_space<vmem>> -> memref<1x128xf32, #tpu.memory_space<vmem>>
      %get3A_499 = tpu.memref_squeeze %get3A_498 : memref<1x128xf32, #tpu.memory_space<vmem>> -> memref<128xf32, #tpu.memory_space<vmem>>
      %get3A_500 = arith.index_cast %add3A_496 : i32 to index
      %get3A_501 = tpu.vector_load %get3A_499[%get3A_500] {strides = array<i32>} : memref<128xf32, #tpu.memory_space<vmem>>, vector<16xf32>,
      %get3A_502 = vector.shape_cast %get3A_501 : vector<16xf32> to vector<16xf32>
      %mul3A_503 = arith.constant 32 : i32
      %mul3A_504 = arith.muli %add3A_479, %mul3A_503 : i32
      %add3A_505 = arith.constant 16 : i32
      %add3A_506 = arith.addi %mul3A_504, %add3A_505 : i32
      %swap3A_507 = arith.index_cast %add3A_506 : i32 to index
      %swap3A_508 = tpu.vector_load %arg10[%swap3A_507] {strides = array<i32>} : memref<8192xf32, #tpu.memory_space<vmem>>, vector<16xf32>,
      %swap3A_509 = vector.shape_cast %swap3A_508 : vector<16xf32> to vector<16xf32>
      %swap3A_510 = vector.shape_cast %get3A_502 : vector<16xf32> to vector<16xf32>
      tpu.vector_store %arg10[%swap3A_507], %swap3A_510 {strides = array<i32>} : memref<8192xf32, #tpu.memory_space<vmem>>, vector<16xf32>,
    }
    %scan3A_342 = arith.constant 256 : i32
    %add3A_343 = arith.constant 4352 : i32
    %add3A_344 = arith.addi %mul3A_2, %add3A_343 : i32
    %mul3A_345 = arith.constant 32 : i32
    %mul3A_346 = arith.muli %add3A_344, %mul3A_345 : i32
    "tpu.region"() ({
      %run_scoped3A = tpu.sem_alloc : memref<!tpu.dma_semaphore, #tpu.memory_space<semaphore_mem>>
      %dma_start3A_475 = tpu.memref_slice %arg5[%mul3A_346] : memref<6553600xf32, #tpu.memory_space<hbm>> -> memref<8192xf32, #tpu.memory_space<hbm>>
      %dma_start3A_476 = tpu.memref_slice %arg5[%mul3A_346] : memref<6553600xf32, #tpu.memory_space<hbm>> -> memref<8192xf32, #tpu.memory_space<hbm>>
      tpu.enqueue_dma source(%arg10 : memref<8192xf32, #tpu.memory_space<vmem>>) target(%dma_start3A_476 : memref<8192xf32, #tpu.memory_space<hbm>>) target_semaphore(%run_scoped3A : memref<!tpu.dma_semaphore, #tpu.memory_space<semaphore_mem>>)
      %dma_wait3A_477 = tpu.memref_slice %arg5[%mul3A_346] : memref<6553600xf32, #tpu.memory_space<hbm>> -> memref<8192xf32, #tpu.memory_space<hbm>>
      %dma_wait3A_478 = tpu.memref_slice %arg5[%mul3A_346] : memref<6553600xf32, #tpu.memory_space<hbm>> -> memref<8192xf32, #tpu.memory_space<hbm>>
      tpu.wait_dma2 semaphore(%run_scoped3A : memref<!tpu.dma_semaphore, #tpu.memory_space<semaphore_mem>>) src(%arg10 : memref<8192xf32, #tpu.memory_space<vmem>>) dst(%dma_wait3A_478 : memref<8192xf32, #tpu.memory_space<hbm>>)
      tpu.yield
    }) : () -> ()
    %dma_start3A_347 = arith.constant 4864 : i32
    %dma_start3A_348 = tpu.memref_slice %arg6[%dma_start3A_347] : memref<6400xi32, #tpu.memory_space<vmem>> -> memref<256xi32, #tpu.memory_space<vmem>>
    %dma_start3A_349 = arith.constant 0 : i32
    %dma_start3A_350 = arith.constant 0 : i32
    %dma_start3A_351 = tpu.memref_slice %arg2[%dma_start3A_349, %dma_start3A_350] : memref<250000x128xf32, #tpu.memory_space<hbm>> -> memref<250000x128xf32, #tpu.memory_space<hbm>>
    tpu.enqueue_indirect_dma source(%dma_start3A_351 : memref<250000x128xf32, #tpu.memory_space<hbm>>) target(%arg9 : memref<256x128xf32, #tpu.memory_space<vmem>>) offsets(%dma_start3A_348 : memref<256xi32, #tpu.memory_space<vmem>>) semaphore(%arg12 : memref<!tpu.dma_semaphore, #tpu.memory_space<semaphore_mem>>)
    %dma_wait3A_352 = arith.constant 4608 : i32
    %dma_wait3A_353 = tpu.memref_slice %arg6[%dma_wait3A_352] : memref<6400xi32, #tpu.memory_space<vmem>> -> memref<256xi32, #tpu.memory_space<vmem>>
    %dma_wait3A_354 = arith.constant 0 : i32
    %dma_wait3A_355 = arith.constant 0 : i32
    %dma_wait3A_356 = tpu.memref_slice %arg2[%dma_wait3A_354, %dma_wait3A_355] : memref<250000x128xf32, #tpu.memory_space<hbm>> -> memref<250000x128xf32, #tpu.memory_space<hbm>>
    tpu.wait_indirect_dma semaphore(%arg11 : memref<!tpu.dma_semaphore, #tpu.memory_space<semaphore_mem>>) src(%dma_wait3A_356 : memref<250000x128xf32, #tpu.memory_space<hbm>>) dst(%arg8 : memref<256x128xf32, #tpu.memory_space<vmem>>)
    %scan3A_357 = arith.constant 0 : i32
    %scan3A_358 = arith.constant 256 : i32
    %scan3A_359 = arith.addi %scan3A_357, %scan3A_358 : i32
    %scan3A_360 = arith.constant 1 : i32
    scf.for %scan3A_475 = %scan3A_357 to %scan3A_359 step %scan3A_360  : i32 {
      %mul3A_476 = arith.constant 1 : i32
      %mul3A_477 = arith.muli %scan3A_475, %mul3A_476 : i32
      %add3A_478 = arith.constant 0 : i32
      %add3A_479 = arith.addi %add3A_478, %mul3A_477 : i32
      %add3A_480 = arith.constant 4608 : i32
      %add3A_481 = arith.addi %add3A_480, %add3A_479 : i32
      %get3A = arith.index_cast %add3A_481 : i32 to index
      %get3A_482 = tpu.vector_load %arg7[%get3A] {strides = array<i32>} : memref<6400xi32, #tpu.memory_space<vmem>>, vector<1xi32>,
      %get3A_483 = vector.shape_cast %get3A_482 : vector<1xi32> to vector<1xi32>
      %squeeze3A = vector.extract %get3A_483[0] : i32 from vector<1xi32>
      %get3A_484 = arith.constant 0 : i32
      %get3A_485 = tpu.memref_slice %arg8[%add3A_479, %get3A_484] : memref<256x128xf32, #tpu.memory_space<vmem>> -> memref<1x128xf32, #tpu.memory_space<vmem>>
      %get3A_486 = tpu.memref_squeeze %get3A_485 : memref<1x128xf32, #tpu.memory_space<vmem>> -> memref<128xf32, #tpu.memory_space<vmem>>
      %get3A_487 = arith.index_cast %squeeze3A : i32 to index
      %get3A_488 = tpu.vector_load %get3A_486[%get3A_487] {strides = array<i32>} : memref<128xf32, #tpu.memory_space<vmem>>, vector<16xf32>,
      %get3A_489 = vector.shape_cast %get3A_488 : vector<16xf32> to vector<16xf32>
      %mul3A_490 = arith.constant 32 : i32
      %mul3A_491 = arith.muli %add3A_479, %mul3A_490 : i32
      %swap3A = arith.index_cast %mul3A_491 : i32 to index
      %swap3A_492 = tpu.vector_load %arg10[%swap3A] {strides = array<i32>} : memref<8192xf32, #tpu.memory_space<vmem>>, vector<16xf32>,
      %swap3A_493 = vector.shape_cast %swap3A_492 : vector<16xf32> to vector<16xf32>
      %swap3A_494 = vector.shape_cast %get3A_489 : vector<16xf32> to vector<16xf32>
      tpu.vector_store %arg10[%swap3A], %swap3A_494 {strides = array<i32>} : memref<8192xf32, #tpu.memory_space<vmem>>, vector<16xf32>,
      %add3A_495 = arith.constant 16 : i32
      %add3A_496 = arith.addi %squeeze3A, %add3A_495 : i32
      %get3A_497 = arith.constant 0 : i32
      %get3A_498 = tpu.memref_slice %arg8[%add3A_479, %get3A_497] : memref<256x128xf32, #tpu.memory_space<vmem>> -> memref<1x128xf32, #tpu.memory_space<vmem>>
      %get3A_499 = tpu.memref_squeeze %get3A_498 : memref<1x128xf32, #tpu.memory_space<vmem>> -> memref<128xf32, #tpu.memory_space<vmem>>
      %get3A_500 = arith.index_cast %add3A_496 : i32 to index
      %get3A_501 = tpu.vector_load %get3A_499[%get3A_500] {strides = array<i32>} : memref<128xf32, #tpu.memory_space<vmem>>, vector<16xf32>,
      %get3A_502 = vector.shape_cast %get3A_501 : vector<16xf32> to vector<16xf32>
      %mul3A_503 = arith.constant 32 : i32
      %mul3A_504 = arith.muli %add3A_479, %mul3A_503 : i32
      %add3A_505 = arith.constant 16 : i32
      %add3A_506 = arith.addi %mul3A_504, %add3A_505 : i32
      %swap3A_507 = arith.index_cast %add3A_506 : i32 to index
      %swap3A_508 = tpu.vector_load %arg10[%swap3A_507] {strides = array<i32>} : memref<8192xf32, #tpu.memory_space<vmem>>, vector<16xf32>,
      %swap3A_509 = vector.shape_cast %swap3A_508 : vector<16xf32> to vector<16xf32>
      %swap3A_510 = vector.shape_cast %get3A_502 : vector<16xf32> to vector<16xf32>
      tpu.vector_store %arg10[%swap3A_507], %swap3A_510 {strides = array<i32>} : memref<8192xf32, #tpu.memory_space<vmem>>, vector<16xf32>,
    }
    %scan3A_361 = arith.constant 256 : i32
    %add3A_362 = arith.constant 4608 : i32
    %add3A_363 = arith.addi %mul3A_2, %add3A_362 : i32
    %mul3A_364 = arith.constant 32 : i32
    %mul3A_365 = arith.muli %add3A_363, %mul3A_364 : i32
    "tpu.region"() ({
      %run_scoped3A = tpu.sem_alloc : memref<!tpu.dma_semaphore, #tpu.memory_space<semaphore_mem>>
      %dma_start3A_475 = tpu.memref_slice %arg5[%mul3A_365] : memref<6553600xf32, #tpu.memory_space<hbm>> -> memref<8192xf32, #tpu.memory_space<hbm>>
      %dma_start3A_476 = tpu.memref_slice %arg5[%mul3A_365] : memref<6553600xf32, #tpu.memory_space<hbm>> -> memref<8192xf32, #tpu.memory_space<hbm>>
      tpu.enqueue_dma source(%arg10 : memref<8192xf32, #tpu.memory_space<vmem>>) target(%dma_start3A_476 : memref<8192xf32, #tpu.memory_space<hbm>>) target_semaphore(%run_scoped3A : memref<!tpu.dma_semaphore, #tpu.memory_space<semaphore_mem>>)
      %dma_wait3A_477 = tpu.memref_slice %arg5[%mul3A_365] : memref<6553600xf32, #tpu.memory_space<hbm>> -> memref<8192xf32, #tpu.memory_space<hbm>>
      %dma_wait3A_478 = tpu.memref_slice %arg5[%mul3A_365] : memref<6553600xf32, #tpu.memory_space<hbm>> -> memref<8192xf32, #tpu.memory_space<hbm>>
      tpu.wait_dma2 semaphore(%run_scoped3A : memref<!tpu.dma_semaphore, #tpu.memory_space<semaphore_mem>>) src(%arg10 : memref<8192xf32, #tpu.memory_space<vmem>>) dst(%dma_wait3A_478 : memref<8192xf32, #tpu.memory_space<hbm>>)
      tpu.yield
    }) : () -> ()
    %dma_start3A_366 = arith.constant 5120 : i32
    %dma_start3A_367 = tpu.memref_slice %arg6[%dma_start3A_366] : memref<6400xi32, #tpu.memory_space<vmem>> -> memref<256xi32, #tpu.memory_space<vmem>>
    %dma_start3A_368 = arith.constant 0 : i32
    %dma_start3A_369 = arith.constant 0 : i32
    %dma_start3A_370 = tpu.memref_slice %arg2[%dma_start3A_368, %dma_start3A_369] : memref<250000x128xf32, #tpu.memory_space<hbm>> -> memref<250000x128xf32, #tpu.memory_space<hbm>>
    tpu.enqueue_indirect_dma source(%dma_start3A_370 : memref<250000x128xf32, #tpu.memory_space<hbm>>) target(%arg8 : memref<256x128xf32, #tpu.memory_space<vmem>>) offsets(%dma_start3A_367 : memref<256xi32, #tpu.memory_space<vmem>>) semaphore(%arg11 : memref<!tpu.dma_semaphore, #tpu.memory_space<semaphore_mem>>)
    %dma_wait3A_371 = arith.constant 4864 : i32
    %dma_wait3A_372 = tpu.memref_slice %arg6[%dma_wait3A_371] : memref<6400xi32, #tpu.memory_space<vmem>> -> memref<256xi32, #tpu.memory_space<vmem>>
    %dma_wait3A_373 = arith.constant 0 : i32
    %dma_wait3A_374 = arith.constant 0 : i32
    %dma_wait3A_375 = tpu.memref_slice %arg2[%dma_wait3A_373, %dma_wait3A_374] : memref<250000x128xf32, #tpu.memory_space<hbm>> -> memref<250000x128xf32, #tpu.memory_space<hbm>>
    tpu.wait_indirect_dma semaphore(%arg12 : memref<!tpu.dma_semaphore, #tpu.memory_space<semaphore_mem>>) src(%dma_wait3A_375 : memref<250000x128xf32, #tpu.memory_space<hbm>>) dst(%arg9 : memref<256x128xf32, #tpu.memory_space<vmem>>)
    %scan3A_376 = arith.constant 0 : i32
    %scan3A_377 = arith.constant 256 : i32
    %scan3A_378 = arith.addi %scan3A_376, %scan3A_377 : i32
    %scan3A_379 = arith.constant 1 : i32
    scf.for %scan3A_475 = %scan3A_376 to %scan3A_378 step %scan3A_379  : i32 {
      %mul3A_476 = arith.constant 1 : i32
      %mul3A_477 = arith.muli %scan3A_475, %mul3A_476 : i32
      %add3A_478 = arith.constant 0 : i32
      %add3A_479 = arith.addi %add3A_478, %mul3A_477 : i32
      %add3A_480 = arith.constant 4864 : i32
      %add3A_481 = arith.addi %add3A_480, %add3A_479 : i32
      %get3A = arith.index_cast %add3A_481 : i32 to index
      %get3A_482 = tpu.vector_load %arg7[%get3A] {strides = array<i32>} : memref<6400xi32, #tpu.memory_space<vmem>>, vector<1xi32>,
      %get3A_483 = vector.shape_cast %get3A_482 : vector<1xi32> to vector<1xi32>
      %squeeze3A = vector.extract %get3A_483[0] : i32 from vector<1xi32>
      %get3A_484 = arith.constant 0 : i32
      %get3A_485 = tpu.memref_slice %arg9[%add3A_479, %get3A_484] : memref<256x128xf32, #tpu.memory_space<vmem>> -> memref<1x128xf32, #tpu.memory_space<vmem>>
      %get3A_486 = tpu.memref_squeeze %get3A_485 : memref<1x128xf32, #tpu.memory_space<vmem>> -> memref<128xf32, #tpu.memory_space<vmem>>
      %get3A_487 = arith.index_cast %squeeze3A : i32 to index
      %get3A_488 = tpu.vector_load %get3A_486[%get3A_487] {strides = array<i32>} : memref<128xf32, #tpu.memory_space<vmem>>, vector<16xf32>,
      %get3A_489 = vector.shape_cast %get3A_488 : vector<16xf32> to vector<16xf32>
      %mul3A_490 = arith.constant 32 : i32
      %mul3A_491 = arith.muli %add3A_479, %mul3A_490 : i32
      %swap3A = arith.index_cast %mul3A_491 : i32 to index
      %swap3A_492 = tpu.vector_load %arg10[%swap3A] {strides = array<i32>} : memref<8192xf32, #tpu.memory_space<vmem>>, vector<16xf32>,
      %swap3A_493 = vector.shape_cast %swap3A_492 : vector<16xf32> to vector<16xf32>
      %swap3A_494 = vector.shape_cast %get3A_489 : vector<16xf32> to vector<16xf32>
      tpu.vector_store %arg10[%swap3A], %swap3A_494 {strides = array<i32>} : memref<8192xf32, #tpu.memory_space<vmem>>, vector<16xf32>,
      %add3A_495 = arith.constant 16 : i32
      %add3A_496 = arith.addi %squeeze3A, %add3A_495 : i32
      %get3A_497 = arith.constant 0 : i32
      %get3A_498 = tpu.memref_slice %arg9[%add3A_479, %get3A_497] : memref<256x128xf32, #tpu.memory_space<vmem>> -> memref<1x128xf32, #tpu.memory_space<vmem>>
      %get3A_499 = tpu.memref_squeeze %get3A_498 : memref<1x128xf32, #tpu.memory_space<vmem>> -> memref<128xf32, #tpu.memory_space<vmem>>
      %get3A_500 = arith.index_cast %add3A_496 : i32 to index
      %get3A_501 = tpu.vector_load %get3A_499[%get3A_500] {strides = array<i32>} : memref<128xf32, #tpu.memory_space<vmem>>, vector<16xf32>,
      %get3A_502 = vector.shape_cast %get3A_501 : vector<16xf32> to vector<16xf32>
      %mul3A_503 = arith.constant 32 : i32
      %mul3A_504 = arith.muli %add3A_479, %mul3A_503 : i32
      %add3A_505 = arith.constant 16 : i32
      %add3A_506 = arith.addi %mul3A_504, %add3A_505 : i32
      %swap3A_507 = arith.index_cast %add3A_506 : i32 to index
      %swap3A_508 = tpu.vector_load %arg10[%swap3A_507] {strides = array<i32>} : memref<8192xf32, #tpu.memory_space<vmem>>, vector<16xf32>,
      %swap3A_509 = vector.shape_cast %swap3A_508 : vector<16xf32> to vector<16xf32>
      %swap3A_510 = vector.shape_cast %get3A_502 : vector<16xf32> to vector<16xf32>
      tpu.vector_store %arg10[%swap3A_507], %swap3A_510 {strides = array<i32>} : memref<8192xf32, #tpu.memory_space<vmem>>, vector<16xf32>,
    }
    %scan3A_380 = arith.constant 256 : i32
    %add3A_381 = arith.constant 4864 : i32
    %add3A_382 = arith.addi %mul3A_2, %add3A_381 : i32
    %mul3A_383 = arith.constant 32 : i32
    %mul3A_384 = arith.muli %add3A_382, %mul3A_383 : i32
    "tpu.region"() ({
      %run_scoped3A = tpu.sem_alloc : memref<!tpu.dma_semaphore, #tpu.memory_space<semaphore_mem>>
      %dma_start3A_475 = tpu.memref_slice %arg5[%mul3A_384] : memref<6553600xf32, #tpu.memory_space<hbm>> -> memref<8192xf32, #tpu.memory_space<hbm>>
      %dma_start3A_476 = tpu.memref_slice %arg5[%mul3A_384] : memref<6553600xf32, #tpu.memory_space<hbm>> -> memref<8192xf32, #tpu.memory_space<hbm>>
      tpu.enqueue_dma source(%arg10 : memref<8192xf32, #tpu.memory_space<vmem>>) target(%dma_start3A_476 : memref<8192xf32, #tpu.memory_space<hbm>>) target_semaphore(%run_scoped3A : memref<!tpu.dma_semaphore, #tpu.memory_space<semaphore_mem>>)
      %dma_wait3A_477 = tpu.memref_slice %arg5[%mul3A_384] : memref<6553600xf32, #tpu.memory_space<hbm>> -> memref<8192xf32, #tpu.memory_space<hbm>>
      %dma_wait3A_478 = tpu.memref_slice %arg5[%mul3A_384] : memref<6553600xf32, #tpu.memory_space<hbm>> -> memref<8192xf32, #tpu.memory_space<hbm>>
      tpu.wait_dma2 semaphore(%run_scoped3A : memref<!tpu.dma_semaphore, #tpu.memory_space<semaphore_mem>>) src(%arg10 : memref<8192xf32, #tpu.memory_space<vmem>>) dst(%dma_wait3A_478 : memref<8192xf32, #tpu.memory_space<hbm>>)
      tpu.yield
    }) : () -> ()
    %dma_start3A_385 = arith.constant 5376 : i32
    %dma_start3A_386 = tpu.memref_slice %arg6[%dma_start3A_385] : memref<6400xi32, #tpu.memory_space<vmem>> -> memref<256xi32, #tpu.memory_space<vmem>>
    %dma_start3A_387 = arith.constant 0 : i32
    %dma_start3A_388 = arith.constant 0 : i32
    %dma_start3A_389 = tpu.memref_slice %arg2[%dma_start3A_387, %dma_start3A_388] : memref<250000x128xf32, #tpu.memory_space<hbm>> -> memref<250000x128xf32, #tpu.memory_space<hbm>>
    tpu.enqueue_indirect_dma source(%dma_start3A_389 : memref<250000x128xf32, #tpu.memory_space<hbm>>) target(%arg9 : memref<256x128xf32, #tpu.memory_space<vmem>>) offsets(%dma_start3A_386 : memref<256xi32, #tpu.memory_space<vmem>>) semaphore(%arg12 : memref<!tpu.dma_semaphore, #tpu.memory_space<semaphore_mem>>)
    %dma_wait3A_390 = arith.constant 5120 : i32
    %dma_wait3A_391 = tpu.memref_slice %arg6[%dma_wait3A_390] : memref<6400xi32, #tpu.memory_space<vmem>> -> memref<256xi32, #tpu.memory_space<vmem>>
    %dma_wait3A_392 = arith.constant 0 : i32
    %dma_wait3A_393 = arith.constant 0 : i32
    %dma_wait3A_394 = tpu.memref_slice %arg2[%dma_wait3A_392, %dma_wait3A_393] : memref<250000x128xf32, #tpu.memory_space<hbm>> -> memref<250000x128xf32, #tpu.memory_space<hbm>>
    tpu.wait_indirect_dma semaphore(%arg11 : memref<!tpu.dma_semaphore, #tpu.memory_space<semaphore_mem>>) src(%dma_wait3A_394 : memref<250000x128xf32, #tpu.memory_space<hbm>>) dst(%arg8 : memref<256x128xf32, #tpu.memory_space<vmem>>)
    %scan3A_395 = arith.constant 0 : i32
    %scan3A_396 = arith.constant 256 : i32
    %scan3A_397 = arith.addi %scan3A_395, %scan3A_396 : i32
    %scan3A_398 = arith.constant 1 : i32
    scf.for %scan3A_475 = %scan3A_395 to %scan3A_397 step %scan3A_398  : i32 {
      %mul3A_476 = arith.constant 1 : i32
      %mul3A_477 = arith.muli %scan3A_475, %mul3A_476 : i32
      %add3A_478 = arith.constant 0 : i32
      %add3A_479 = arith.addi %add3A_478, %mul3A_477 : i32
      %add3A_480 = arith.constant 5120 : i32
      %add3A_481 = arith.addi %add3A_480, %add3A_479 : i32
      %get3A = arith.index_cast %add3A_481 : i32 to index
      %get3A_482 = tpu.vector_load %arg7[%get3A] {strides = array<i32>} : memref<6400xi32, #tpu.memory_space<vmem>>, vector<1xi32>,
      %get3A_483 = vector.shape_cast %get3A_482 : vector<1xi32> to vector<1xi32>
      %squeeze3A = vector.extract %get3A_483[0] : i32 from vector<1xi32>
      %get3A_484 = arith.constant 0 : i32
      %get3A_485 = tpu.memref_slice %arg8[%add3A_479, %get3A_484] : memref<256x128xf32, #tpu.memory_space<vmem>> -> memref<1x128xf32, #tpu.memory_space<vmem>>
      %get3A_486 = tpu.memref_squeeze %get3A_485 : memref<1x128xf32, #tpu.memory_space<vmem>> -> memref<128xf32, #tpu.memory_space<vmem>>
      %get3A_487 = arith.index_cast %squeeze3A : i32 to index
      %get3A_488 = tpu.vector_load %get3A_486[%get3A_487] {strides = array<i32>} : memref<128xf32, #tpu.memory_space<vmem>>, vector<16xf32>,
      %get3A_489 = vector.shape_cast %get3A_488 : vector<16xf32> to vector<16xf32>
      %mul3A_490 = arith.constant 32 : i32
      %mul3A_491 = arith.muli %add3A_479, %mul3A_490 : i32
      %swap3A = arith.index_cast %mul3A_491 : i32 to index
      %swap3A_492 = tpu.vector_load %arg10[%swap3A] {strides = array<i32>} : memref<8192xf32, #tpu.memory_space<vmem>>, vector<16xf32>,
      %swap3A_493 = vector.shape_cast %swap3A_492 : vector<16xf32> to vector<16xf32>
      %swap3A_494 = vector.shape_cast %get3A_489 : vector<16xf32> to vector<16xf32>
      tpu.vector_store %arg10[%swap3A], %swap3A_494 {strides = array<i32>} : memref<8192xf32, #tpu.memory_space<vmem>>, vector<16xf32>,
      %add3A_495 = arith.constant 16 : i32
      %add3A_496 = arith.addi %squeeze3A, %add3A_495 : i32
      %get3A_497 = arith.constant 0 : i32
      %get3A_498 = tpu.memref_slice %arg8[%add3A_479, %get3A_497] : memref<256x128xf32, #tpu.memory_space<vmem>> -> memref<1x128xf32, #tpu.memory_space<vmem>>
      %get3A_499 = tpu.memref_squeeze %get3A_498 : memref<1x128xf32, #tpu.memory_space<vmem>> -> memref<128xf32, #tpu.memory_space<vmem>>
      %get3A_500 = arith.index_cast %add3A_496 : i32 to index
      %get3A_501 = tpu.vector_load %get3A_499[%get3A_500] {strides = array<i32>} : memref<128xf32, #tpu.memory_space<vmem>>, vector<16xf32>,
      %get3A_502 = vector.shape_cast %get3A_501 : vector<16xf32> to vector<16xf32>
      %mul3A_503 = arith.constant 32 : i32
      %mul3A_504 = arith.muli %add3A_479, %mul3A_503 : i32
      %add3A_505 = arith.constant 16 : i32
      %add3A_506 = arith.addi %mul3A_504, %add3A_505 : i32
      %swap3A_507 = arith.index_cast %add3A_506 : i32 to index
      %swap3A_508 = tpu.vector_load %arg10[%swap3A_507] {strides = array<i32>} : memref<8192xf32, #tpu.memory_space<vmem>>, vector<16xf32>,
      %swap3A_509 = vector.shape_cast %swap3A_508 : vector<16xf32> to vector<16xf32>
      %swap3A_510 = vector.shape_cast %get3A_502 : vector<16xf32> to vector<16xf32>
      tpu.vector_store %arg10[%swap3A_507], %swap3A_510 {strides = array<i32>} : memref<8192xf32, #tpu.memory_space<vmem>>, vector<16xf32>,
    }
    %scan3A_399 = arith.constant 256 : i32
    %add3A_400 = arith.constant 5120 : i32
    %add3A_401 = arith.addi %mul3A_2, %add3A_400 : i32
    %mul3A_402 = arith.constant 32 : i32
    %mul3A_403 = arith.muli %add3A_401, %mul3A_402 : i32
    "tpu.region"() ({
      %run_scoped3A = tpu.sem_alloc : memref<!tpu.dma_semaphore, #tpu.memory_space<semaphore_mem>>
      %dma_start3A_475 = tpu.memref_slice %arg5[%mul3A_403] : memref<6553600xf32, #tpu.memory_space<hbm>> -> memref<8192xf32, #tpu.memory_space<hbm>>
      %dma_start3A_476 = tpu.memref_slice %arg5[%mul3A_403] : memref<6553600xf32, #tpu.memory_space<hbm>> -> memref<8192xf32, #tpu.memory_space<hbm>>
      tpu.enqueue_dma source(%arg10 : memref<8192xf32, #tpu.memory_space<vmem>>) target(%dma_start3A_476 : memref<8192xf32, #tpu.memory_space<hbm>>) target_semaphore(%run_scoped3A : memref<!tpu.dma_semaphore, #tpu.memory_space<semaphore_mem>>)
      %dma_wait3A_477 = tpu.memref_slice %arg5[%mul3A_403] : memref<6553600xf32, #tpu.memory_space<hbm>> -> memref<8192xf32, #tpu.memory_space<hbm>>
      %dma_wait3A_478 = tpu.memref_slice %arg5[%mul3A_403] : memref<6553600xf32, #tpu.memory_space<hbm>> -> memref<8192xf32, #tpu.memory_space<hbm>>
      tpu.wait_dma2 semaphore(%run_scoped3A : memref<!tpu.dma_semaphore, #tpu.memory_space<semaphore_mem>>) src(%arg10 : memref<8192xf32, #tpu.memory_space<vmem>>) dst(%dma_wait3A_478 : memref<8192xf32, #tpu.memory_space<hbm>>)
      tpu.yield
    }) : () -> ()
    %dma_start3A_404 = arith.constant 5632 : i32
    %dma_start3A_405 = tpu.memref_slice %arg6[%dma_start3A_404] : memref<6400xi32, #tpu.memory_space<vmem>> -> memref<256xi32, #tpu.memory_space<vmem>>
    %dma_start3A_406 = arith.constant 0 : i32
    %dma_start3A_407 = arith.constant 0 : i32
    %dma_start3A_408 = tpu.memref_slice %arg2[%dma_start3A_406, %dma_start3A_407] : memref<250000x128xf32, #tpu.memory_space<hbm>> -> memref<250000x128xf32, #tpu.memory_space<hbm>>
    tpu.enqueue_indirect_dma source(%dma_start3A_408 : memref<250000x128xf32, #tpu.memory_space<hbm>>) target(%arg8 : memref<256x128xf32, #tpu.memory_space<vmem>>) offsets(%dma_start3A_405 : memref<256xi32, #tpu.memory_space<vmem>>) semaphore(%arg11 : memref<!tpu.dma_semaphore, #tpu.memory_space<semaphore_mem>>)
    %dma_wait3A_409 = arith.constant 5376 : i32
    %dma_wait3A_410 = tpu.memref_slice %arg6[%dma_wait3A_409] : memref<6400xi32, #tpu.memory_space<vmem>> -> memref<256xi32, #tpu.memory_space<vmem>>
    %dma_wait3A_411 = arith.constant 0 : i32
    %dma_wait3A_412 = arith.constant 0 : i32
    %dma_wait3A_413 = tpu.memref_slice %arg2[%dma_wait3A_411, %dma_wait3A_412] : memref<250000x128xf32, #tpu.memory_space<hbm>> -> memref<250000x128xf32, #tpu.memory_space<hbm>>
    tpu.wait_indirect_dma semaphore(%arg12 : memref<!tpu.dma_semaphore, #tpu.memory_space<semaphore_mem>>) src(%dma_wait3A_413 : memref<250000x128xf32, #tpu.memory_space<hbm>>) dst(%arg9 : memref<256x128xf32, #tpu.memory_space<vmem>>)
    %scan3A_414 = arith.constant 0 : i32
    %scan3A_415 = arith.constant 256 : i32
    %scan3A_416 = arith.addi %scan3A_414, %scan3A_415 : i32
    %scan3A_417 = arith.constant 1 : i32
    scf.for %scan3A_475 = %scan3A_414 to %scan3A_416 step %scan3A_417  : i32 {
      %mul3A_476 = arith.constant 1 : i32
      %mul3A_477 = arith.muli %scan3A_475, %mul3A_476 : i32
      %add3A_478 = arith.constant 0 : i32
      %add3A_479 = arith.addi %add3A_478, %mul3A_477 : i32
      %add3A_480 = arith.constant 5376 : i32
      %add3A_481 = arith.addi %add3A_480, %add3A_479 : i32
      %get3A = arith.index_cast %add3A_481 : i32 to index
      %get3A_482 = tpu.vector_load %arg7[%get3A] {strides = array<i32>} : memref<6400xi32, #tpu.memory_space<vmem>>, vector<1xi32>,
      %get3A_483 = vector.shape_cast %get3A_482 : vector<1xi32> to vector<1xi32>
      %squeeze3A = vector.extract %get3A_483[0] : i32 from vector<1xi32>
      %get3A_484 = arith.constant 0 : i32
      %get3A_485 = tpu.memref_slice %arg9[%add3A_479, %get3A_484] : memref<256x128xf32, #tpu.memory_space<vmem>> -> memref<1x128xf32, #tpu.memory_space<vmem>>
      %get3A_486 = tpu.memref_squeeze %get3A_485 : memref<1x128xf32, #tpu.memory_space<vmem>> -> memref<128xf32, #tpu.memory_space<vmem>>
      %get3A_487 = arith.index_cast %squeeze3A : i32 to index
      %get3A_488 = tpu.vector_load %get3A_486[%get3A_487] {strides = array<i32>} : memref<128xf32, #tpu.memory_space<vmem>>, vector<16xf32>,
      %get3A_489 = vector.shape_cast %get3A_488 : vector<16xf32> to vector<16xf32>
      %mul3A_490 = arith.constant 32 : i32
      %mul3A_491 = arith.muli %add3A_479, %mul3A_490 : i32
      %swap3A = arith.index_cast %mul3A_491 : i32 to index
      %swap3A_492 = tpu.vector_load %arg10[%swap3A] {strides = array<i32>} : memref<8192xf32, #tpu.memory_space<vmem>>, vector<16xf32>,
      %swap3A_493 = vector.shape_cast %swap3A_492 : vector<16xf32> to vector<16xf32>
      %swap3A_494 = vector.shape_cast %get3A_489 : vector<16xf32> to vector<16xf32>
      tpu.vector_store %arg10[%swap3A], %swap3A_494 {strides = array<i32>} : memref<8192xf32, #tpu.memory_space<vmem>>, vector<16xf32>,
      %add3A_495 = arith.constant 16 : i32
      %add3A_496 = arith.addi %squeeze3A, %add3A_495 : i32
      %get3A_497 = arith.constant 0 : i32
      %get3A_498 = tpu.memref_slice %arg9[%add3A_479, %get3A_497] : memref<256x128xf32, #tpu.memory_space<vmem>> -> memref<1x128xf32, #tpu.memory_space<vmem>>
      %get3A_499 = tpu.memref_squeeze %get3A_498 : memref<1x128xf32, #tpu.memory_space<vmem>> -> memref<128xf32, #tpu.memory_space<vmem>>
      %get3A_500 = arith.index_cast %add3A_496 : i32 to index
      %get3A_501 = tpu.vector_load %get3A_499[%get3A_500] {strides = array<i32>} : memref<128xf32, #tpu.memory_space<vmem>>, vector<16xf32>,
      %get3A_502 = vector.shape_cast %get3A_501 : vector<16xf32> to vector<16xf32>
      %mul3A_503 = arith.constant 32 : i32
      %mul3A_504 = arith.muli %add3A_479, %mul3A_503 : i32
      %add3A_505 = arith.constant 16 : i32
      %add3A_506 = arith.addi %mul3A_504, %add3A_505 : i32
      %swap3A_507 = arith.index_cast %add3A_506 : i32 to index
      %swap3A_508 = tpu.vector_load %arg10[%swap3A_507] {strides = array<i32>} : memref<8192xf32, #tpu.memory_space<vmem>>, vector<16xf32>,
      %swap3A_509 = vector.shape_cast %swap3A_508 : vector<16xf32> to vector<16xf32>
      %swap3A_510 = vector.shape_cast %get3A_502 : vector<16xf32> to vector<16xf32>
      tpu.vector_store %arg10[%swap3A_507], %swap3A_510 {strides = array<i32>} : memref<8192xf32, #tpu.memory_space<vmem>>, vector<16xf32>,
    }
    %scan3A_418 = arith.constant 256 : i32
    %add3A_419 = arith.constant 5376 : i32
    %add3A_420 = arith.addi %mul3A_2, %add3A_419 : i32
    %mul3A_421 = arith.constant 32 : i32
    %mul3A_422 = arith.muli %add3A_420, %mul3A_421 : i32
    "tpu.region"() ({
      %run_scoped3A = tpu.sem_alloc : memref<!tpu.dma_semaphore, #tpu.memory_space<semaphore_mem>>
      %dma_start3A_475 = tpu.memref_slice %arg5[%mul3A_422] : memref<6553600xf32, #tpu.memory_space<hbm>> -> memref<8192xf32, #tpu.memory_space<hbm>>
      %dma_start3A_476 = tpu.memref_slice %arg5[%mul3A_422] : memref<6553600xf32, #tpu.memory_space<hbm>> -> memref<8192xf32, #tpu.memory_space<hbm>>
      tpu.enqueue_dma source(%arg10 : memref<8192xf32, #tpu.memory_space<vmem>>) target(%dma_start3A_476 : memref<8192xf32, #tpu.memory_space<hbm>>) target_semaphore(%run_scoped3A : memref<!tpu.dma_semaphore, #tpu.memory_space<semaphore_mem>>)
      %dma_wait3A_477 = tpu.memref_slice %arg5[%mul3A_422] : memref<6553600xf32, #tpu.memory_space<hbm>> -> memref<8192xf32, #tpu.memory_space<hbm>>
      %dma_wait3A_478 = tpu.memref_slice %arg5[%mul3A_422] : memref<6553600xf32, #tpu.memory_space<hbm>> -> memref<8192xf32, #tpu.memory_space<hbm>>
      tpu.wait_dma2 semaphore(%run_scoped3A : memref<!tpu.dma_semaphore, #tpu.memory_space<semaphore_mem>>) src(%arg10 : memref<8192xf32, #tpu.memory_space<vmem>>) dst(%dma_wait3A_478 : memref<8192xf32, #tpu.memory_space<hbm>>)
      tpu.yield
    }) : () -> ()
    %dma_start3A_423 = arith.constant 5888 : i32
    %dma_start3A_424 = tpu.memref_slice %arg6[%dma_start3A_423] : memref<6400xi32, #tpu.memory_space<vmem>> -> memref<256xi32, #tpu.memory_space<vmem>>
    %dma_start3A_425 = arith.constant 0 : i32
    %dma_start3A_426 = arith.constant 0 : i32
    %dma_start3A_427 = tpu.memref_slice %arg2[%dma_start3A_425, %dma_start3A_426] : memref<250000x128xf32, #tpu.memory_space<hbm>> -> memref<250000x128xf32, #tpu.memory_space<hbm>>
    tpu.enqueue_indirect_dma source(%dma_start3A_427 : memref<250000x128xf32, #tpu.memory_space<hbm>>) target(%arg9 : memref<256x128xf32, #tpu.memory_space<vmem>>) offsets(%dma_start3A_424 : memref<256xi32, #tpu.memory_space<vmem>>) semaphore(%arg12 : memref<!tpu.dma_semaphore, #tpu.memory_space<semaphore_mem>>)
    %dma_wait3A_428 = arith.constant 5632 : i32
    %dma_wait3A_429 = tpu.memref_slice %arg6[%dma_wait3A_428] : memref<6400xi32, #tpu.memory_space<vmem>> -> memref<256xi32, #tpu.memory_space<vmem>>
    %dma_wait3A_430 = arith.constant 0 : i32
    %dma_wait3A_431 = arith.constant 0 : i32
    %dma_wait3A_432 = tpu.memref_slice %arg2[%dma_wait3A_430, %dma_wait3A_431] : memref<250000x128xf32, #tpu.memory_space<hbm>> -> memref<250000x128xf32, #tpu.memory_space<hbm>>
    tpu.wait_indirect_dma semaphore(%arg11 : memref<!tpu.dma_semaphore, #tpu.memory_space<semaphore_mem>>) src(%dma_wait3A_432 : memref<250000x128xf32, #tpu.memory_space<hbm>>) dst(%arg8 : memref<256x128xf32, #tpu.memory_space<vmem>>)
    %scan3A_433 = arith.constant 0 : i32
    %scan3A_434 = arith.constant 256 : i32
    %scan3A_435 = arith.addi %scan3A_433, %scan3A_434 : i32
    %scan3A_436 = arith.constant 1 : i32
    scf.for %scan3A_475 = %scan3A_433 to %scan3A_435 step %scan3A_436  : i32 {
      %mul3A_476 = arith.constant 1 : i32
      %mul3A_477 = arith.muli %scan3A_475, %mul3A_476 : i32
      %add3A_478 = arith.constant 0 : i32
      %add3A_479 = arith.addi %add3A_478, %mul3A_477 : i32
      %add3A_480 = arith.constant 5632 : i32
      %add3A_481 = arith.addi %add3A_480, %add3A_479 : i32
      %get3A = arith.index_cast %add3A_481 : i32 to index
      %get3A_482 = tpu.vector_load %arg7[%get3A] {strides = array<i32>} : memref<6400xi32, #tpu.memory_space<vmem>>, vector<1xi32>,
      %get3A_483 = vector.shape_cast %get3A_482 : vector<1xi32> to vector<1xi32>
      %squeeze3A = vector.extract %get3A_483[0] : i32 from vector<1xi32>
      %get3A_484 = arith.constant 0 : i32
      %get3A_485 = tpu.memref_slice %arg8[%add3A_479, %get3A_484] : memref<256x128xf32, #tpu.memory_space<vmem>> -> memref<1x128xf32, #tpu.memory_space<vmem>>
      %get3A_486 = tpu.memref_squeeze %get3A_485 : memref<1x128xf32, #tpu.memory_space<vmem>> -> memref<128xf32, #tpu.memory_space<vmem>>
      %get3A_487 = arith.index_cast %squeeze3A : i32 to index
      %get3A_488 = tpu.vector_load %get3A_486[%get3A_487] {strides = array<i32>} : memref<128xf32, #tpu.memory_space<vmem>>, vector<16xf32>,
      %get3A_489 = vector.shape_cast %get3A_488 : vector<16xf32> to vector<16xf32>
      %mul3A_490 = arith.constant 32 : i32
      %mul3A_491 = arith.muli %add3A_479, %mul3A_490 : i32
      %swap3A = arith.index_cast %mul3A_491 : i32 to index
      %swap3A_492 = tpu.vector_load %arg10[%swap3A] {strides = array<i32>} : memref<8192xf32, #tpu.memory_space<vmem>>, vector<16xf32>,
      %swap3A_493 = vector.shape_cast %swap3A_492 : vector<16xf32> to vector<16xf32>
      %swap3A_494 = vector.shape_cast %get3A_489 : vector<16xf32> to vector<16xf32>
      tpu.vector_store %arg10[%swap3A], %swap3A_494 {strides = array<i32>} : memref<8192xf32, #tpu.memory_space<vmem>>, vector<16xf32>,
      %add3A_495 = arith.constant 16 : i32
      %add3A_496 = arith.addi %squeeze3A, %add3A_495 : i32
      %get3A_497 = arith.constant 0 : i32
      %get3A_498 = tpu.memref_slice %arg8[%add3A_479, %get3A_497] : memref<256x128xf32, #tpu.memory_space<vmem>> -> memref<1x128xf32, #tpu.memory_space<vmem>>
      %get3A_499 = tpu.memref_squeeze %get3A_498 : memref<1x128xf32, #tpu.memory_space<vmem>> -> memref<128xf32, #tpu.memory_space<vmem>>
      %get3A_500 = arith.index_cast %add3A_496 : i32 to index
      %get3A_501 = tpu.vector_load %get3A_499[%get3A_500] {strides = array<i32>} : memref<128xf32, #tpu.memory_space<vmem>>, vector<16xf32>,
      %get3A_502 = vector.shape_cast %get3A_501 : vector<16xf32> to vector<16xf32>
      %mul3A_503 = arith.constant 32 : i32
      %mul3A_504 = arith.muli %add3A_479, %mul3A_503 : i32
      %add3A_505 = arith.constant 16 : i32
      %add3A_506 = arith.addi %mul3A_504, %add3A_505 : i32
      %swap3A_507 = arith.index_cast %add3A_506 : i32 to index
      %swap3A_508 = tpu.vector_load %arg10[%swap3A_507] {strides = array<i32>} : memref<8192xf32, #tpu.memory_space<vmem>>, vector<16xf32>,
      %swap3A_509 = vector.shape_cast %swap3A_508 : vector<16xf32> to vector<16xf32>
      %swap3A_510 = vector.shape_cast %get3A_502 : vector<16xf32> to vector<16xf32>
      tpu.vector_store %arg10[%swap3A_507], %swap3A_510 {strides = array<i32>} : memref<8192xf32, #tpu.memory_space<vmem>>, vector<16xf32>,
    }
    %scan3A_437 = arith.constant 256 : i32
    %add3A_438 = arith.constant 5632 : i32
    %add3A_439 = arith.addi %mul3A_2, %add3A_438 : i32
    %mul3A_440 = arith.constant 32 : i32
    %mul3A_441 = arith.muli %add3A_439, %mul3A_440 : i32
    "tpu.region"() ({
      %run_scoped3A = tpu.sem_alloc : memref<!tpu.dma_semaphore, #tpu.memory_space<semaphore_mem>>
      %dma_start3A_475 = tpu.memref_slice %arg5[%mul3A_441] : memref<6553600xf32, #tpu.memory_space<hbm>> -> memref<8192xf32, #tpu.memory_space<hbm>>
      %dma_start3A_476 = tpu.memref_slice %arg5[%mul3A_441] : memref<6553600xf32, #tpu.memory_space<hbm>> -> memref<8192xf32, #tpu.memory_space<hbm>>
      tpu.enqueue_dma source(%arg10 : memref<8192xf32, #tpu.memory_space<vmem>>) target(%dma_start3A_476 : memref<8192xf32, #tpu.memory_space<hbm>>) target_semaphore(%run_scoped3A : memref<!tpu.dma_semaphore, #tpu.memory_space<semaphore_mem>>)
      %dma_wait3A_477 = tpu.memref_slice %arg5[%mul3A_441] : memref<6553600xf32, #tpu.memory_space<hbm>> -> memref<8192xf32, #tpu.memory_space<hbm>>
      %dma_wait3A_478 = tpu.memref_slice %arg5[%mul3A_441] : memref<6553600xf32, #tpu.memory_space<hbm>> -> memref<8192xf32, #tpu.memory_space<hbm>>
      tpu.wait_dma2 semaphore(%run_scoped3A : memref<!tpu.dma_semaphore, #tpu.memory_space<semaphore_mem>>) src(%arg10 : memref<8192xf32, #tpu.memory_space<vmem>>) dst(%dma_wait3A_478 : memref<8192xf32, #tpu.memory_space<hbm>>)
      tpu.yield
    }) : () -> ()
    %dma_start3A_442 = arith.constant 6144 : i32
    %dma_start3A_443 = tpu.memref_slice %arg6[%dma_start3A_442] : memref<6400xi32, #tpu.memory_space<vmem>> -> memref<256xi32, #tpu.memory_space<vmem>>
    %dma_start3A_444 = arith.constant 0 : i32
    %dma_start3A_445 = arith.constant 0 : i32
    %dma_start3A_446 = tpu.memref_slice %arg2[%dma_start3A_444, %dma_start3A_445] : memref<250000x128xf32, #tpu.memory_space<hbm>> -> memref<250000x128xf32, #tpu.memory_space<hbm>>
    tpu.enqueue_indirect_dma source(%dma_start3A_446 : memref<250000x128xf32, #tpu.memory_space<hbm>>) target(%arg8 : memref<256x128xf32, #tpu.memory_space<vmem>>) offsets(%dma_start3A_443 : memref<256xi32, #tpu.memory_space<vmem>>) semaphore(%arg11 : memref<!tpu.dma_semaphore, #tpu.memory_space<semaphore_mem>>)
    %dma_wait3A_447 = arith.constant 5888 : i32
    %dma_wait3A_448 = tpu.memref_slice %arg6[%dma_wait3A_447] : memref<6400xi32, #tpu.memory_space<vmem>> -> memref<256xi32, #tpu.memory_space<vmem>>
    %dma_wait3A_449 = arith.constant 0 : i32
    %dma_wait3A_450 = arith.constant 0 : i32
    %dma_wait3A_451 = tpu.memref_slice %arg2[%dma_wait3A_449, %dma_wait3A_450] : memref<250000x128xf32, #tpu.memory_space<hbm>> -> memref<250000x128xf32, #tpu.memory_space<hbm>>
    tpu.wait_indirect_dma semaphore(%arg12 : memref<!tpu.dma_semaphore, #tpu.memory_space<semaphore_mem>>) src(%dma_wait3A_451 : memref<250000x128xf32, #tpu.memory_space<hbm>>) dst(%arg9 : memref<256x128xf32, #tpu.memory_space<vmem>>)
    %scan3A_452 = arith.constant 0 : i32
    %scan3A_453 = arith.constant 256 : i32
    %scan3A_454 = arith.addi %scan3A_452, %scan3A_453 : i32
    %scan3A_455 = arith.constant 1 : i32
    scf.for %scan3A_475 = %scan3A_452 to %scan3A_454 step %scan3A_455  : i32 {
      %mul3A_476 = arith.constant 1 : i32
      %mul3A_477 = arith.muli %scan3A_475, %mul3A_476 : i32
      %add3A_478 = arith.constant 0 : i32
      %add3A_479 = arith.addi %add3A_478, %mul3A_477 : i32
      %add3A_480 = arith.constant 5888 : i32
      %add3A_481 = arith.addi %add3A_480, %add3A_479 : i32
      %get3A = arith.index_cast %add3A_481 : i32 to index
      %get3A_482 = tpu.vector_load %arg7[%get3A] {strides = array<i32>} : memref<6400xi32, #tpu.memory_space<vmem>>, vector<1xi32>,
      %get3A_483 = vector.shape_cast %get3A_482 : vector<1xi32> to vector<1xi32>
      %squeeze3A = vector.extract %get3A_483[0] : i32 from vector<1xi32>
      %get3A_484 = arith.constant 0 : i32
      %get3A_485 = tpu.memref_slice %arg9[%add3A_479, %get3A_484] : memref<256x128xf32, #tpu.memory_space<vmem>> -> memref<1x128xf32, #tpu.memory_space<vmem>>
      %get3A_486 = tpu.memref_squeeze %get3A_485 : memref<1x128xf32, #tpu.memory_space<vmem>> -> memref<128xf32, #tpu.memory_space<vmem>>
      %get3A_487 = arith.index_cast %squeeze3A : i32 to index
      %get3A_488 = tpu.vector_load %get3A_486[%get3A_487] {strides = array<i32>} : memref<128xf32, #tpu.memory_space<vmem>>, vector<16xf32>,
      %get3A_489 = vector.shape_cast %get3A_488 : vector<16xf32> to vector<16xf32>
      %mul3A_490 = arith.constant 32 : i32
      %mul3A_491 = arith.muli %add3A_479, %mul3A_490 : i32
      %swap3A = arith.index_cast %mul3A_491 : i32 to index
      %swap3A_492 = tpu.vector_load %arg10[%swap3A] {strides = array<i32>} : memref<8192xf32, #tpu.memory_space<vmem>>, vector<16xf32>,
      %swap3A_493 = vector.shape_cast %swap3A_492 : vector<16xf32> to vector<16xf32>
      %swap3A_494 = vector.shape_cast %get3A_489 : vector<16xf32> to vector<16xf32>
      tpu.vector_store %arg10[%swap3A], %swap3A_494 {strides = array<i32>} : memref<8192xf32, #tpu.memory_space<vmem>>, vector<16xf32>,
      %add3A_495 = arith.constant 16 : i32
      %add3A_496 = arith.addi %squeeze3A, %add3A_495 : i32
      %get3A_497 = arith.constant 0 : i32
      %get3A_498 = tpu.memref_slice %arg9[%add3A_479, %get3A_497] : memref<256x128xf32, #tpu.memory_space<vmem>> -> memref<1x128xf32, #tpu.memory_space<vmem>>
      %get3A_499 = tpu.memref_squeeze %get3A_498 : memref<1x128xf32, #tpu.memory_space<vmem>> -> memref<128xf32, #tpu.memory_space<vmem>>
      %get3A_500 = arith.index_cast %add3A_496 : i32 to index
      %get3A_501 = tpu.vector_load %get3A_499[%get3A_500] {strides = array<i32>} : memref<128xf32, #tpu.memory_space<vmem>>, vector<16xf32>,
      %get3A_502 = vector.shape_cast %get3A_501 : vector<16xf32> to vector<16xf32>
      %mul3A_503 = arith.constant 32 : i32
      %mul3A_504 = arith.muli %add3A_479, %mul3A_503 : i32
      %add3A_505 = arith.constant 16 : i32
      %add3A_506 = arith.addi %mul3A_504, %add3A_505 : i32
      %swap3A_507 = arith.index_cast %add3A_506 : i32 to index
      %swap3A_508 = tpu.vector_load %arg10[%swap3A_507] {strides = array<i32>} : memref<8192xf32, #tpu.memory_space<vmem>>, vector<16xf32>,
      %swap3A_509 = vector.shape_cast %swap3A_508 : vector<16xf32> to vector<16xf32>
      %swap3A_510 = vector.shape_cast %get3A_502 : vector<16xf32> to vector<16xf32>
      tpu.vector_store %arg10[%swap3A_507], %swap3A_510 {strides = array<i32>} : memref<8192xf32, #tpu.memory_space<vmem>>, vector<16xf32>,
    }
    %scan3A_456 = arith.constant 256 : i32
    %add3A_457 = arith.constant 5888 : i32
    %add3A_458 = arith.addi %mul3A_2, %add3A_457 : i32
    %mul3A_459 = arith.constant 32 : i32
    %mul3A_460 = arith.muli %add3A_458, %mul3A_459 : i32
    "tpu.region"() ({
      %run_scoped3A = tpu.sem_alloc : memref<!tpu.dma_semaphore, #tpu.memory_space<semaphore_mem>>
      %dma_start3A_475 = tpu.memref_slice %arg5[%mul3A_460] : memref<6553600xf32, #tpu.memory_space<hbm>> -> memref<8192xf32, #tpu.memory_space<hbm>>
      %dma_start3A_476 = tpu.memref_slice %arg5[%mul3A_460] : memref<6553600xf32, #tpu.memory_space<hbm>> -> memref<8192xf32, #tpu.memory_space<hbm>>
      tpu.enqueue_dma source(%arg10 : memref<8192xf32, #tpu.memory_space<vmem>>) target(%dma_start3A_476 : memref<8192xf32, #tpu.memory_space<hbm>>) target_semaphore(%run_scoped3A : memref<!tpu.dma_semaphore, #tpu.memory_space<semaphore_mem>>)
      %dma_wait3A_477 = tpu.memref_slice %arg5[%mul3A_460] : memref<6553600xf32, #tpu.memory_space<hbm>> -> memref<8192xf32, #tpu.memory_space<hbm>>
      %dma_wait3A_478 = tpu.memref_slice %arg5[%mul3A_460] : memref<6553600xf32, #tpu.memory_space<hbm>> -> memref<8192xf32, #tpu.memory_space<hbm>>
      tpu.wait_dma2 semaphore(%run_scoped3A : memref<!tpu.dma_semaphore, #tpu.memory_space<semaphore_mem>>) src(%arg10 : memref<8192xf32, #tpu.memory_space<vmem>>) dst(%dma_wait3A_478 : memref<8192xf32, #tpu.memory_space<hbm>>)
      tpu.yield
    }) : () -> ()
    %dma_wait3A_461 = arith.constant 6144 : i32
    %dma_wait3A_462 = tpu.memref_slice %arg6[%dma_wait3A_461] : memref<6400xi32, #tpu.memory_space<vmem>> -> memref<256xi32, #tpu.memory_space<vmem>>
    %dma_wait3A_463 = arith.constant 0 : i32
    %dma_wait3A_464 = arith.constant 0 : i32
    %dma_wait3A_465 = tpu.memref_slice %arg2[%dma_wait3A_463, %dma_wait3A_464] : memref<250000x128xf32, #tpu.memory_space<hbm>> -> memref<250000x128xf32, #tpu.memory_space<hbm>>
    tpu.wait_indirect_dma semaphore(%arg11 : memref<!tpu.dma_semaphore, #tpu.memory_space<semaphore_mem>>) src(%dma_wait3A_465 : memref<250000x128xf32, #tpu.memory_space<hbm>>) dst(%arg8 : memref<256x128xf32, #tpu.memory_space<vmem>>)
    %scan3A_466 = arith.constant 0 : i32
    %scan3A_467 = arith.constant 256 : i32
    %scan3A_468 = arith.addi %scan3A_466, %scan3A_467 : i32
    %scan3A_469 = arith.constant 1 : i32
    scf.for %scan3A_475 = %scan3A_466 to %scan3A_468 step %scan3A_469  : i32 {
      %mul3A_476 = arith.constant 1 : i32
      %mul3A_477 = arith.muli %scan3A_475, %mul3A_476 : i32
      %add3A_478 = arith.constant 0 : i32
      %add3A_479 = arith.addi %add3A_478, %mul3A_477 : i32
      %add3A_480 = arith.constant 6144 : i32
      %add3A_481 = arith.addi %add3A_480, %add3A_479 : i32
      %get3A = arith.index_cast %add3A_481 : i32 to index
      %get3A_482 = tpu.vector_load %arg7[%get3A] {strides = array<i32>} : memref<6400xi32, #tpu.memory_space<vmem>>, vector<1xi32>,
      %get3A_483 = vector.shape_cast %get3A_482 : vector<1xi32> to vector<1xi32>
      %squeeze3A = vector.extract %get3A_483[0] : i32 from vector<1xi32>
      %get3A_484 = arith.constant 0 : i32
      %get3A_485 = tpu.memref_slice %arg8[%add3A_479, %get3A_484] : memref<256x128xf32, #tpu.memory_space<vmem>> -> memref<1x128xf32, #tpu.memory_space<vmem>>
      %get3A_486 = tpu.memref_squeeze %get3A_485 : memref<1x128xf32, #tpu.memory_space<vmem>> -> memref<128xf32, #tpu.memory_space<vmem>>
      %get3A_487 = arith.index_cast %squeeze3A : i32 to index
      %get3A_488 = tpu.vector_load %get3A_486[%get3A_487] {strides = array<i32>} : memref<128xf32, #tpu.memory_space<vmem>>, vector<16xf32>,
      %get3A_489 = vector.shape_cast %get3A_488 : vector<16xf32> to vector<16xf32>
      %mul3A_490 = arith.constant 32 : i32
      %mul3A_491 = arith.muli %add3A_479, %mul3A_490 : i32
      %swap3A = arith.index_cast %mul3A_491 : i32 to index
      %swap3A_492 = tpu.vector_load %arg10[%swap3A] {strides = array<i32>} : memref<8192xf32, #tpu.memory_space<vmem>>, vector<16xf32>,
      %swap3A_493 = vector.shape_cast %swap3A_492 : vector<16xf32> to vector<16xf32>
      %swap3A_494 = vector.shape_cast %get3A_489 : vector<16xf32> to vector<16xf32>
      tpu.vector_store %arg10[%swap3A], %swap3A_494 {strides = array<i32>} : memref<8192xf32, #tpu.memory_space<vmem>>, vector<16xf32>,
      %add3A_495 = arith.constant 16 : i32
      %add3A_496 = arith.addi %squeeze3A, %add3A_495 : i32
      %get3A_497 = arith.constant 0 : i32
      %get3A_498 = tpu.memref_slice %arg8[%add3A_479, %get3A_497] : memref<256x128xf32, #tpu.memory_space<vmem>> -> memref<1x128xf32, #tpu.memory_space<vmem>>
      %get3A_499 = tpu.memref_squeeze %get3A_498 : memref<1x128xf32, #tpu.memory_space<vmem>> -> memref<128xf32, #tpu.memory_space<vmem>>
      %get3A_500 = arith.index_cast %add3A_496 : i32 to index
      %get3A_501 = tpu.vector_load %get3A_499[%get3A_500] {strides = array<i32>} : memref<128xf32, #tpu.memory_space<vmem>>, vector<16xf32>,
      %get3A_502 = vector.shape_cast %get3A_501 : vector<16xf32> to vector<16xf32>
      %mul3A_503 = arith.constant 32 : i32
      %mul3A_504 = arith.muli %add3A_479, %mul3A_503 : i32
      %add3A_505 = arith.constant 16 : i32
      %add3A_506 = arith.addi %mul3A_504, %add3A_505 : i32
      %swap3A_507 = arith.index_cast %add3A_506 : i32 to index
      %swap3A_508 = tpu.vector_load %arg10[%swap3A_507] {strides = array<i32>} : memref<8192xf32, #tpu.memory_space<vmem>>, vector<16xf32>,
      %swap3A_509 = vector.shape_cast %swap3A_508 : vector<16xf32> to vector<16xf32>
      %swap3A_510 = vector.shape_cast %get3A_502 : vector<16xf32> to vector<16xf32>
      tpu.vector_store %arg10[%swap3A_507], %swap3A_510 {strides = array<i32>} : memref<8192xf32, #tpu.memory_space<vmem>>, vector<16xf32>,
    }
    %scan3A_470 = arith.constant 256 : i32
    %add3A_471 = arith.constant 6144 : i32
    %add3A_472 = arith.addi %mul3A_2, %add3A_471 : i32
    %mul3A_473 = arith.constant 32 : i32
    %mul3A_474 = arith.muli %add3A_472, %mul3A_473 : i32
    "tpu.region"() ({
      %run_scoped3A = tpu.sem_alloc : memref<!tpu.dma_semaphore, #tpu.memory_space<semaphore_mem>>
      %dma_start3A_475 = tpu.memref_slice %arg5[%mul3A_474] : memref<6553600xf32, #tpu.memory_space<hbm>> -> memref<8192xf32, #tpu.memory_space<hbm>>
      %dma_start3A_476 = tpu.memref_slice %arg5[%mul3A_474] : memref<6553600xf32, #tpu.memory_space<hbm>> -> memref<8192xf32, #tpu.memory_space<hbm>>
      tpu.enqueue_dma source(%arg10 : memref<8192xf32, #tpu.memory_space<vmem>>) target(%dma_start3A_476 : memref<8192xf32, #tpu.memory_space<hbm>>) target_semaphore(%run_scoped3A : memref<!tpu.dma_semaphore, #tpu.memory_space<semaphore_mem>>)
      %dma_wait3A_477 = tpu.memref_slice %arg5[%mul3A_474] : memref<6553600xf32, #tpu.memory_space<hbm>> -> memref<8192xf32, #tpu.memory_space<hbm>>
      %dma_wait3A_478 = tpu.memref_slice %arg5[%mul3A_474] : memref<6553600xf32, #tpu.memory_space<hbm>> -> memref<8192xf32, #tpu.memory_space<hbm>>
      tpu.wait_dma2 semaphore(%run_scoped3A : memref<!tpu.dma_semaphore, #tpu.memory_space<semaphore_mem>>) src(%arg10 : memref<8192xf32, #tpu.memory_space<vmem>>) dst(%dma_wait3A_478 : memref<8192xf32, #tpu.memory_space<hbm>>)
      tpu.yield
    }) : () -> ()
    return
  }
}

</mosaic_0001>

<sc_bundles>
// kernel: kernel.3.cloned.1.call-start
scs
__scs_entry_jumppad:
0x0: {  	(pc) =	sbr.rel $0x88, $3  }
0x1: {  	(tag) =	ssettag $0x0;
	lr =	simm.s32 $0x1  }
0x2: {  	[smem:$0x3F9F] =	sst lr;
	_ =	strace $0xD0000000  }
0x3: {  	_ = 	snop  }
0x4: {  	_ = 	snop  }
0x5: {  	_ = 	snop  }
0x6: {  	_ = 	snop  }
0x7: {  	_ = 	snop  }
__scs_overlays_trampoline_lowered:
0x8: {  	[smem:$0x3FAE] =	sst s0  }
0x9: {  	[smem:$0x3FAF] =	sst s1  }
0xa: {  	[smem:$0x3FB0] =	sst s2  }
0xb: {  	[smem:$0x3FB1] =	sst s3  }
0xc: {  	[smem:$0x3FB2] =	sst s4  }
0xd: {  	[smem:$0x3FB3] =	sst s5  }
0xe: {  	[smem:$0x3FB4] =	sst s6  }
0xf: {  	[smem:$0x3FB5] =	sst s7  }
0x10: {  	[smem:$0x3FB6] =	sst s8  }
0x11: {  	[smem:$0x3FB7] =	sst s9;
	s0 =	simm.s32 @!p0 $0x0  }
0x12: {  	s1 =	sld [smem:$0x3F9D];
	s0 =	simm.s32 @p0 $0x1  }
0x13: {  	[smem:$0x3FB8] =	sst s0;
	s0 =	simm.s32 @!p1 $0x0  }
0x14: {  	s2 =	sld [smem:$0x3F9C];
	s0 =	simm.s32 @p1 $0x1  }
0x15: {  	[smem:$0x3FB9] =	sst s0;
	s0 =	simm.s32 @!p2 $0x0  }
0x16: {  	s3 =	sld [smem:$0x3FDB];
	s0 =	simm.s32 @p2 $0x1  }
0x17: {  	s4 =	simm.s32 $0x1BF5;
	[smem:$0x3FBB] =	sst s0  }
0x18: {  	s0 =	sld [smem:$0x3F9E];
	_ =	swait.ge [sflag:s4], $0x0  }
0x19: {  	s7 =	sld [smem:$0x3F9F]  }
0x1a: {  	s8 =	sadd.s32 $0xFFFFE003, lr  }
0x1b: {  	s9 =	sadd.s32 $0xFFFFFEF7, lr;
	s5 =	simm.s32 $0xFFFFFFFF;
	p2 =	slt.u32 s8, $0xFFFFF086  }
0x1c: {  	p1 =	slt.u32 s9, $0xF7A;
	s5 =	simm.s32 @!p2 $0x0  }
0x1d: {  	s5 =	simm.s32 @p1 $0x1;
	p0 =	seq.s32 s7, s2  }
0x1e: {  	s7 =	smul.u32 @!p0 $0xF7A, s2;
	p2 =	seq.s32 @!p0 s5, $0x0  }
0x1f: {  	s9 =	smul.u32 $0xF7A, s1;
	s8 =	simm.s32 @!p0 $0x1BF5;
	p2 =	por !p2, p0  }
0x20: {  	[sflag:s8] =	ssyncset.s32 @!p0 $0xFFFFF086;
	s6 =	sadd.s32 @!p0 s3, s7;
	s7 =	simm.s32 @!p0 $0x108  }
0x21: {  	s3 =	sadd.s32 s3, s9;
	s6 =	sadd.s32 @!p0 $0x88, s6;
	s7 =	simm.s32 @p2 $0x1082  }
0x22: {  	[simem:s7], [sflag:s8] =	dma.local @!p0 [hbm:s6], $0xF7A  }
0x23: {  	s9 =	sor.u32 $0xD0000000, s2;
	s6 =	simm.s32 $0x108;
	_ =	swait.ge @!p0 [sflag:s8], $0x0  }
0x24: {  	s3 =	sadd.s32 $0x88, s3;
	s6 =	simm.s32 @!p1 $0x1082;
	[sflag:s4] =	ssyncset.s32 $0xFFFFF086  }
0x25: {  	[simem:s6], [sflag:s4] =	dma.local [hbm:s3], $0xF7A  }
0x26: {  	[smem:$0x3F9F] =	sst s1;
	(tag) =	ssettag s2;
	_ =	strace s9  }
0x27: {  	s1 =	sld [smem:$0x3FAF]  }
0x28: {  	s2 =	sld [smem:$0x3FB0]  }
0x29: {  	s4 =	sld [smem:$0x3FB2]  }
0x2a: {  	p0 =	seq.s32 s5, $0x0;
	s5 =	sld [smem:$0x3FB3]  }
0x2b: {  	s6 =	sld [smem:$0x3FB4]  }
0x2c: {  	s7 =	sld [smem:$0x3FB5]  }
0x2d: {  	s3 =	simm.s32 $0x108;
	s8 =	sld [smem:$0x3FB6]  }
0x2e: {  	s3 =	simm.s32 @!p0 $0x1082;
	s9 =	sld [smem:$0x3FB7]  }
0x2f: {  	lr =	sadd.s32 s0, s3;
	s0 =	sld [smem:$0x3FAE]  }
0x30: {  	s3 =	sld [smem:$0x3FB1]  }
0x31: {  	[smem:$0x3FBA] =	sst s10  }
0x32: {  	s10 =	sld [smem:$0x3FB8];
	_ =	sdelay $0x3  }
0x33: {  	p0 =	seq.s32 s10, $0x1;
	s10 =	sld [smem:$0x3FBA];
	_ =	sdelay $0x3  }
0x34: {  	[smem:$0x3FBA] =	sst s10  }
0x35: {  	s10 =	sld [smem:$0x3FB9];
	_ =	sdelay $0x3  }
0x36: {  	p1 =	seq.s32 s10, $0x1;
	s10 =	sld [smem:$0x3FBA];
	_ =	sdelay $0x3  }
0x37: {  	[smem:$0x3FBA] =	sst s10  }
0x38: {  	s10 =	sld [smem:$0x3FBB]  }
0x39: {  	_ = 	snop;
	(pc) =	sbr.ind lr, $3  }
0x3a: {  	_ = 	snop  }
0x3b: {  	_ = 	snop  }
0x3c: {  	p2 =	seq.s32 s10, $0x1;
	s10 =	sld [smem:$0x3FBA]  }
0x3d: {  	_ =	shalt  }
0x3e: {  	_ =	shalt  }
0x3f: {  	_ =	shalt  }
0x40: {  	_ =	shalt  }
0x41: {  	_ =	shalt  }
0x42: {  	_ =	shalt  }
0x43: {  	_ =	shalt  }
0x44: {  	_ =	shalt  }
0x45: {  	_ =	shalt  }
0x46: {  	_ =	shalt  }
0x47: {  	_ =	shalt  }
0x48: {  	_ =	shalt  }
0x49: {  	_ =	shalt  }
0x4a: {  	_ =	shalt  }
0x4b: {  	_ =	shalt  }
0x4c: {  	_ =	shalt  }
0x4d: {  	_ =	shalt  }
0x4e: {  	_ =	shalt  }
0x4f: {  	_ =	shalt  }
0x50: {  	_ =	shalt  }
0x51: {  	_ =	shalt  }
0x52: {  	_ =	shalt  }
0x53: {  	_ =	shalt  }
0x54: {  	_ =	shalt  }
0x55: {  	_ =	shalt  }
0x56: {  	_ =	shalt  }
0x57: {  	_ =	shalt  }
0x58: {  	_ =	shalt  }
0x59: {  	_ =	shalt  }
0x5a: {  	_ =	shalt  }
0x5b: {  	_ =	shalt  }
0x5c: {  	_ =	shalt  }
0x5d: {  	_ =	shalt  }
0x5e: {  	_ =	shalt  }
0x5f: {  	_ =	shalt  }
0x60: {  	_ =	shalt  }
0x61: {  	_ =	shalt  }
0x62: {  	_ =	shalt  }
0x63: {  	_ =	shalt  }
0x64: {  	_ =	shalt  }
0x65: {  	_ =	shalt  }
0x66: {  	_ =	shalt  }
0x67: {  	_ =	shalt  }
0x68: {  	_ =	shalt  }
0x69: {  	_ =	shalt  }
0x6a: {  	_ =	shalt  }
0x6b: {  	_ =	shalt  }
0x6c: {  	_ =	shalt  }
0x6d: {  	_ =	shalt  }
0x6e: {  	_ =	shalt  }
0x6f: {  	_ =	shalt  }
0x70: {  	_ =	shalt  }
0x71: {  	_ =	shalt  }
0x72: {  	_ =	shalt  }
0x73: {  	_ =	shalt  }
0x74: {  	_ =	shalt  }
0x75: {  	_ =	shalt  }
0x76: {  	_ =	shalt  }
0x77: {  	_ =	shalt  }
0x78: {  	_ =	shalt  }
0x79: {  	_ =	shalt  }
0x7a: {  	_ =	shalt  }
0x7b: {  	_ =	shalt  }
0x7c: {  	_ =	shalt  }
0x7d: {  	_ =	shalt  }
0x7e: {  	_ =	shalt  }
0x7f: {  	_ =	shalt  }
0x80: {  	_ =	shalt  }
0x81: {  	_ =	shalt  }
0x82: {  	_ =	shalt  }
0x83: {  	_ =	shalt  }
0x84: {  	_ =	shalt  }
0x85: {  	_ =	shalt  }
0x86: {  	_ =	shalt  }
0x87: {  	_ =	shalt  }
.Lfunc_end0:
.L_simem_size_0:
called_computation_lowered:
.L_overlay_start_0:
0x88: {  	s2 =	sld [smem:$0x3FD9]  }
0x89: {  	s3 =	sld [smem:$0x3FFE];
	_ =	sdelay $0x1  }
0x8a: {  	s1 =	srdreg.scid  }
0x8b: {  	s0 =	sand.u32 $0x1, s1  }
0x8c: {  	s17 =	sshll.u32 s0, $0xA;
	s2 =	sadd.s32 s3, s2  }
0x8d: {  	s2 =	sadd.s32 s2, s17  }
0x8e: {  	[smem:$0x3FC6] =	sst s2  }
0x8f: {  	_ = 	snop  }
0x90: {  	s2 =	sld [smem:$0x3FD0];
	(tm) =	ssettm $0x1  }
0x91: {  	s18 =	sld [smem:$0x3FFB];
	_ =	sdelay $0x3  }
0x92: {  	_ =	strace s18  }
0x93: {  	s3 =	sld [smem:$0x3FFC];
	_ =	sdelay $0x3  }
0x94: {  	_ =	strace s3  }
0x95: {  	s3 =	sld [smem:$0x3FFD];
	_ =	sdelay $0x3  }
0x96: {  	_ =	strace s3  }
0x97: {  	_ =	strace $0x8FFFFFFF  }
0x98: {  	s19 =	sld [smem:$0x3FDB];
	_ =	sdelay $0x1  }
0x99: {  	s4 =	simm.s32 $_scs_section_size  }
0x9a: {  	s5 =	simm.s32 $_size__tile_overlayer_lowered;
	s6 =	simm.s32 $_tile_overlayer_lowered  }
0x9b: {  	s22 =	simm.s32 $0x1BFF;
	s21 =	sshll.u32 s6, $0x1;
	s3 =	sadd.s32 s4, s19  }
0x9c: {  	s7 =	simm.s32 $0x0;
	s20 =	sshll.u32 s5, $0x1;
	s5 =	sadd.s32 s21, s3  }
0x9d: {  	[timem:s7], [sflag:s22] =	dma.local [hbm:s5], s20  }
0x9e: {  	_ =	swait.ge [sflag:s22], s20  }
0x9f: {  	s4 =	ssub.s32 $0x0, s20;
	[sflag:s22] =	ssyncset.done $0x0  }
0xa0: {  	[sflag:s22] =	ssyncadd.s32 s4;
	_ =	sdelay $0x1  }
0xa1: {  	s23 =	simm.s32 $0x1B8B  }
0xa2: {  	_ =	swait.ge [sflag:s23], $0x1  }
0xa3: {  	[sflag:s23] =	ssyncset.done $0x0  }
0xa4: {  	s25 =	simm.s32 $0x1B8E;
	s24 =	sld [smem:$0x3FFE];
	[sflag:s23] =	ssyncadd.s32 $0xFFFFFFFF  }
0xa5: {  	s26 =	simm.s32 $execute0_lowered;
	[smem:$0x3FD2] =	sst s25  }
0xa6: {  	s5 =	sshll.u32 s26, $0x1;
	_ =	strace $0x80000046;
	[dreg:$0x1] =	wrdreg $0xFFFFFFFF  }
0xa7: {  	s28 =	simm.s32 $_size_execute0_lowered;
	s3 =	sadd.s32 s3, s5;
	[dreg:$0x0] =	wrdreg $0x0  }
0xa8: {  	s5 =	sshll.u32 s28, $0x1;
	[dreg:$0x2] =	wrdreg s3  }
0xa9: {  	[dreg:$0x3] =	wrdreg s5  }
0xaa: {  	[dreg:$0x4] =	wrdreg $0xC0  }
0xab: {  	_ =	task [dreg:s7], $0x5FFFF  }
0xac: {  	[dreg:$0x1] =	wrdreg $0xFFFFFFFF  }
0xad: {  	[dreg:$0x0] =	wrdreg $0x60  }
0xae: {  	[dreg:$0x2] =	wrdreg s24  }
0xaf: {  	[dreg:$0x3] =	wrdreg s2  }
0xb0: {  	[dreg:$0x4] =	wrdreg $0x9  }
0xb1: {  	_ =	task.clear_ibuf [dreg:s7], $0x5FFFF;
	_ =	strace $0x90000046  }
0xb2: {  	s29 =	simm.s32 $0x9;
	_ =	strace $0x80000048  }
0xb3: {  	_ =	swait.ge [sflag:s29], $0x1  }
0xb4: {  	[sflag:s29] =	ssyncadd.s32 $0xFFFFFFFF  }
0xb5: {  	_ =	strace $0x90000048  }
0xb6: {  	_ =	sfence  }
0xb7: {  	s30 =	sld [smem:$0x0];
	_ =	sdelay $0x2  }
0xb8: {  	s31 =	sshll.u32 s1, $0xD;
	s1 =	sshrl.u32 s1, $0x2  }
0xb9: {  	s3 =	sand.u32 $0x4000, s31;
	s1 =	sadd.s32 s1, s30  }
0xba: {  	s0 =	sor.u32 s3, s0;
	s1 =	sshll.u32 s1, $0x11  }
0xbb: {  	s0 =	sor.u32 s1, s0  }
0xbc: {  	s0 =	sadd.s32 $0x8F2B, s0  }
0xbd: {  	[sflag:s0] =	ssyncadd.remote.s32 $0x1  }
0xbe: {  	_ =	sfence.sel $0xFFFF  }
0xbf: {  	[dreg:$0x0] =	wrdreg $0xFFFFFFFF;
	(pc) =	sbr.abs _section_cstart, $3  }
0xc0: {  	[dreg:$0x1] =	wrdreg $0xFFFFFFFF  }
0xc1: {  	_ =	task.clear_ibuf [dreg:s7], $0x2FFFF;
	_ =	strace $0x9FFFFFFF  }
0xc2: {  	(tm) =	ssettm $0x7FFFFFFF  }
0xc3: {  	_ =	shalt  }
tec
execute0_lowered:
.L_overlay_start_1:
0x0: {  	(tag) =	ssettag $0x1  }
0x1: {  	s0 =	rddreg [dreg:$0x0]  }
0x2: {  	s1 =	rddreg [dreg:$0x1]  }
0x3: {  	s3 =	srdreg.scid;
	s5 =	stileid.u32  }
0x4: {  	s2 =	simm.s32 $0x0;
	s4 =	sand.u32 $0x1, s3;
	s9 =	sshll.u32 s5, $0x1  }
0x5: {  	s8 =	simm.s32 $0x3200;
	[smem:$0x7FF] =	sst s2;
	s5 =	sor.u32 s4, s9  }
0x6: {  	s3 =	sadd.s32 $0xF42C00, s0;
	s4 =	ssub.s32 $0x2, s4;
	s6 =	smul.u32 $0x320, s5  }
0x7: {  	_ =	strace $0x80000047;
	s7 =	smul.u32 $0x32000, s5;
	s10 =	sshrl.u32 s4, $0x1  }
0x8: {  	s9 =	simm.s32 $0x2;
	s5 =	smul.u32 $0x6400, s5;
	s4 =	ssub.s32 s4, s10  }
0x9: {  	s10 =	simm.s32 $0x0;
	s0 =	sadd.s32 s6, s0;
	s12 =	sshrl.u32 s7, $0x3  }
0xa: {  	s13 =	sadd.s32 s1, s5;
	s5 =	simm.s32 $0xB200;
	s6 =	simm.s32 $0x1  }
0xb: {  	s7 =	simm.s32 $0x13200;
	s11 =	sadd.s32 $0x800, s0;
	[dreg:$0x5] =	wrdreg s13  }
0xc: {  	s0 =	sadd.s32 $0x6C00, s0;
	s14 =	sadd.s32 s1, s12;
	[dreg:$0x3] =	wrdreg s11  }
0xd: {  	[dreg:$0x4] =	wrdreg s0;
	s1 =	sadd.s32 $0x400, s14;
	s20 =	sadd.s32 $0x800, s14  }
0xe: {  	s21 =	sadd.s32 $0xC00, s14;
	s22 =	sadd.s32 $0x1000, s14;
	s23 =	sadd.s32 $0x1400, s14  }
0xf: {  	s24 =	sadd.s32 $0x1800, s14;
	s25 =	sadd.s32 $0x1C00, s14;
	[dreg:$0x6] =	wrdreg s1  }
0x10: {  	s26 =	sadd.s32 $0x2000, s14;
	s15 =	sadd.s32 $0x2400, s14;
	[dreg:$0x7] =	wrdreg s20  }
0x11: {  	s16 =	sadd.s32 $0x2800, s14;
	s17 =	sadd.s32 $0x2C00, s14;
	[dreg:$0x8] =	wrdreg s21  }
0x12: {  	s18 =	sadd.s32 $0x3000, s14;
	s19 =	sadd.s32 $0x3400, s14;
	[dreg:$0x9] =	wrdreg s22  }
0x13: {  	s28 =	sadd.s32 $0x5400, s14;
	s29 =	sadd.s32 $0x5800, s14;
	[dreg:$0xa] =	wrdreg s23  }
0x14: {  	s30 =	sadd.s32 $0x5C00, s14;
	s31 =	sadd.s32 $0x6000, s14;
	[dreg:$0xb] =	wrdreg s24  }
0x15: {  	s0 =	smax.u32 s4, $0x1;
	s4 =	simm.s32 $0x100;
	[dreg:$0xc] =	wrdreg s25  }
0x16: {  	[dreg:$0xd] =	wrdreg s26;
	s20 =	sadd.s32 $0x3800, s14;
	s21 =	sadd.s32 $0x3C00, s14  }
0x17: {  	s22 =	sadd.s32 $0x4000, s14;
	s23 =	sadd.s32 $0x4400, s14;
	s24 =	sadd.s32 $0x4800, s14  }
0x18: {  	s25 =	sadd.s32 $0x4C00, s14;
	s26 =	sadd.s32 $0x5000, s14;
	s1 =	simm.s32 $0x3  }
.LBB2_1:
0x19: {  	s11 =	rddreg [dreg:$0x3]  }
0x1a: {  	[tilespmem:s2], [sflag:$0x3] =	stream.linear.gather [hbm4b:s11+s2], $0x1900, $0x38;
	[tilespmem:$0x15200] =	vst v63  }
0x1b: {  	_ =	swait.ge [sflag:s1], $0x1900  }
0x1c: {  	[sflag:s1] =	ssyncset.done $0x0  }
0x1d: {  	s12 =	simm.s32 $0x1900;
	s14 =	rddreg [dreg:$0x4];
	[sflag:s1] =	ssyncadd.s32 $0xFFFFE700  }
0x1e: {  	[tilespmem:s12], [sflag:$0x3] =	stream.linear.gather [hbm4b:s14+s2], $0x1900, $0x38;
	[tilespmem:$0x15200] =	vst v63  }
0x1f: {  	_ =	swait.ge [sflag:s1], $0x1900  }
0x20: {  	[sflag:s1] =	ssyncset.done $0x0  }
0x21: {  	[sflag:s1] =	ssyncadd.s32 $0xFFFFE700  }
0x22: {  	[tilespmem:s8], [sflag:$0x1] =	stream.indirect.gather [hbm4b:s3+s4], $0x80, s2, s4, $0xb8;
	[tilespmem:$0x15200] =	vst v63  }
0x23: {  	_ = 	snop  }
0x24: {  	[tilespmem:s5], [sflag:$0x2] =	stream.indirect.gather [hbm4b:s3+s4], $0x80, s4, s4, $0xb8;
	[tilespmem:$0x15200] =	vst v63  }
0x25: {  	_ =	swait.ge [sflag:s6], $0x8000  }
0x26: {  	[sflag:s6] =	ssyncset.done $0x0  }
0x27: {  	s12 =	simm.s32 $0x0;
	[sflag:s6] =	ssyncadd.s32 $0xFFFF8000  }
0x28: {  	v0 =	vld.msk [tilespmem:s12+$0x1900], $0x1;
	_ =	sdelay $0x4  }
0x29: {  	(v2sf) =	vpush v0, $0x0;
	_ =	sdelay $0xe  }
0x2a: {  	s13 =	spop (v2sf)  }
0x2b: {  	s11 =	sshll.u32 s13, $0x2  }
0x2c: {  	s11 =	sshra.s32 s11, $0x2  }
0x2d: {  	s14 =	sadd.s32 $0x3200, s11  }
0x2e: {  	v63 =	vld [tilespmem:s14+$0x0];
	_ =	sdelay $0x3  }
0x2f: {  	s11 =	simm.s32 $0x13210  }
0x30: {  	[tilespmem:s11+$0xFFFFFFF0] =	vst v63  }
0x31: {  	v0 =	vld [tilespmem:s14+$0x10];
	_ =	sdelay $0x4  }
0x32: {  	s12 =	simm.s32 $0x3200;
	s13 =	simm.s32 $0x8;
	s14 =	simm.s32 $0x1;
	[tilespmem:s11+$0x0] =	vst v0  }
.LBB2_2:
0x33: {  	p0 =	sne.s32 s13, $0x3FC;
	v0 =	vld.msk [tilespmem:s14+$0x1900], $0x1;
	_ =	sdelay $0x4  }
0x34: {  	(v2sf) =	vpush v0, $0x0;
	_ =	sdelay $0xe  }
0x35: {  	s14 =	spop (v2sf)  }
0x36: {  	s14 =	sshll.u32 s14, $0x2  }
0x37: {  	s12 =	sadd.s32 $0x80, s12;
	s14 =	sshra.s32 s14, $0x2  }
0x38: {  	s14 =	sadd.s32 s14, s12  }
0x39: {  	v0 =	vld [tilespmem:s14+$0x0];
	_ =	sdelay $0x3  }
0x3a: {  	s11 =	sadd.s32 $0x20, s11  }
0x3b: {  	[tilespmem:s11+$0xFFFFFFF0] =	vst v0  }
0x3c: {  	v0 =	vld [tilespmem:s14+$0x10]  }
.Ltmp0:
0x3d: {  	(pc) =	sbr.rel @p0 .LBB2_2-.Ltmp0, $2  }
0x3e: {  	_ =	sdelay $0x2  }
0x3f: {  	s14 =	sshra.s32 s13, $0x2;
	s13 =	sadd.s32 $0x4, s13;
	[tilespmem:s11+$0x0] =	vst v0  }
0x40: {  	v0 =	vld.msk [tilespmem:s14+$0x1900], $0x1;
	_ =	sdelay $0x4  }
0x41: {  	(v2sf) =	vpush v0, $0x0;
	_ =	sdelay $0xe  }
0x42: {  	s13 =	spop (v2sf)  }
0x43: {  	s13 =	sshll.u32 s13, $0x2  }
0x44: {  	s12 =	sadd.s32 $0x80, s12;
	s13 =	sshra.s32 s13, $0x2  }
0x45: {  	s12 =	sadd.s32 s13, s12  }
0x46: {  	v0 =	vld [tilespmem:s12+$0x0];
	_ =	sdelay $0x3  }
0x47: {  	s11 =	sadd.s32 $0x20, s11  }
0x48: {  	[tilespmem:s11+$0xFFFFFFF0] =	vst v0  }
0x49: {  	v0 =	vld [tilespmem:s12+$0x10];
	_ =	sdelay $0x4  }
0x4a: {  	s14 =	rddreg [dreg:$0x5];
	[tilespmem:s11+$0x0] =	vst v0;
	s11 =	simm.s32 $0x0  }
0x4b: {  	[hbm4b:s14+s11] =	stream.linear.scatter [tilespmem:s7], [sflag:$0x3], $0x2000, $0x38;
	[tilespmem:$0x15200] =	vst v63  }
0x4c: {  	_ =	swait.ge [sflag:s1], $0x2000  }
0x4d: {  	[sflag:s1] =	ssyncset.done $0x0  }
0x4e: {  	s13 =	simm.s32 $0x200;
	[sflag:s1] =	ssyncadd.s32 $0xFFFFE000  }
0x4f: {  	[tilespmem:s8], [sflag:$0x1] =	stream.indirect.gather [hbm4b:s3+s4], $0x80, s13, s4, $0xb8;
	[tilespmem:$0x15200] =	vst v63  }
0x50: {  	_ =	swait.ge [sflag:s9], $0x8000  }
0x51: {  	s11 =	sand.u32 $0xFF, s11;
	[sflag:s9] =	ssyncset.done $0x0  }
0x52: {  	s11 =	sor.u32 $0x1A00, s11;
	[sflag:s9] =	ssyncadd.s32 $0xFFFF8000  }
0x53: {  	v0 =	vld.msk [tilespmem:s11+$0x0], $0x1;
	_ =	sdelay $0x4  }
0x54: {  	(v2sf) =	vpush v0, $0x0;
	_ =	sdelay $0xe  }
0x55: {  	s14 =	spop (v2sf)  }
0x56: {  	s11 =	sshll.u32 s14, $0x2  }
0x57: {  	s11 =	sshra.s32 s11, $0x2  }
0x58: {  	s13 =	sadd.s32 $0xB200, s11  }
0x59: {  	v0 =	vld [tilespmem:s13+$0x0];
	_ =	sdelay $0x3  }
0x5a: {  	s11 =	simm.s32 $0x13210  }
0x5b: {  	[tilespmem:s11+$0xFFFFFFF0] =	vst v0  }
0x5c: {  	v0 =	vld [tilespmem:s13+$0x10];
	_ =	sdelay $0x2  }
0x5d: {  	s14 =	simm.s32 $0x1  }
0x5e: {  	s12 =	simm.s32 $0xB200;
	s14 =	sand.u32 $0xFF, s14;
	s13 =	simm.s32 $0x2  }
.LBB2_4:
0x5f: {  	p0 =	sne.s32 s13, $0xFF;
	s14 =	sor.u32 $0x1A00, s14;
	[tilespmem:s11+$0x0] =	vst v0  }
0x60: {  	v0 =	vld.msk [tilespmem:s14+$0x0], $0x1;
	_ =	sdelay $0x4  }
0x61: {  	(v2sf) =	vpush v0, $0x0;
	_ =	sdelay $0xe  }
0x62: {  	s14 =	spop (v2sf)  }
0x63: {  	s14 =	sshll.u32 s14, $0x2  }
0x64: {  	s12 =	sadd.s32 $0x80, s12;
	s14 =	sshra.s32 s14, $0x2  }
0x65: {  	s14 =	sadd.s32 s14, s12  }
0x66: {  	v0 =	vld [tilespmem:s14+$0x0];
	_ =	sdelay $0x3  }
0x67: {  	s11 =	sadd.s32 $0x20, s11  }
0x68: {  	[tilespmem:s11+$0xFFFFFFF0] =	vst v0  }
.Ltmp1:
0x69: {  	v0 =	vld [tilespmem:s14+$0x10];
	(pc) =	sbr.rel @p0 .LBB2_4-.Ltmp1, $2  }
0x6a: {  	_ =	sdelay $0x2  }
0x6b: {  	s14 =	sand.u32 $0xFF, s13;
	s13 =	sadd.s32 $0x1, s13  }
0x6c: {  	s13 =	sor.u32 $0x1A00, s14;
	[tilespmem:s11+$0x0] =	vst v0  }
0x6d: {  	v0 =	vld.msk [tilespmem:s13+$0x0], $0x1;
	_ =	sdelay $0x4  }
0x6e: {  	(v2sf) =	vpush v0, $0x0;
	_ =	sdelay $0xe  }
0x6f: {  	s14 =	spop (v2sf)  }
0x70: {  	s13 =	sshll.u32 s14, $0x2  }
0x71: {  	s12 =	sadd.s32 $0x80, s12;
	s13 =	sshra.s32 s13, $0x2  }
0x72: {  	s12 =	sadd.s32 s13, s12  }
0x73: {  	v0 =	vld [tilespmem:s12+$0x0];
	_ =	sdelay $0x3  }
0x74: {  	s13 =	sadd.s32 $0x20, s11  }
0x75: {  	[tilespmem:s13+$0xFFFFFFF0] =	vst v0  }
0x76: {  	v0 =	vld [tilespmem:s12+$0x10];
	_ =	sdelay $0x4  }
0x77: {  	s14 =	rddreg [dreg:$0x6];
	s11 =	simm.s32 $0x0;
	[tilespmem:s13+$0x0] =	vst v0  }
0x78: {  	[hbm4b:s14+s11] =	stream.linear.scatter [tilespmem:s7], [sflag:$0x3], $0x2000, $0x38;
	[tilespmem:$0x15200] =	vst v63  }
0x79: {  	_ =	swait.ge [sflag:s1], $0x2000  }
0x7a: {  	[sflag:s1] =	ssyncset.done $0x0  }
0x7b: {  	s13 =	simm.s32 $0x300;
	[sflag:s1] =	ssyncadd.s32 $0xFFFFE000  }
0x7c: {  	[tilespmem:s5], [sflag:$0x2] =	stream.indirect.gather [hbm4b:s3+s4], $0x80, s13, s4, $0xb8;
	[tilespmem:$0x15200] =	vst v63  }
0x7d: {  	_ =	swait.ge [sflag:s6], $0x8000  }
0x7e: {  	s11 =	sand.u32 $0xFF, s11;
	[sflag:s6] =	ssyncset.done $0x0  }
0x7f: {  	s11 =	sor.u32 $0x1B00, s11;
	[sflag:s6] =	ssyncadd.s32 $0xFFFF8000  }
0x80: {  	v0 =	vld.msk [tilespmem:s11+$0x0], $0x1;
	_ =	sdelay $0x4  }
0x81: {  	(v2sf) =	vpush v0, $0x0;
	_ =	sdelay $0xe  }
0x82: {  	s14 =	spop (v2sf)  }
0x83: {  	s11 =	sshll.u32 s14, $0x2  }
0x84: {  	s11 =	sshra.s32 s11, $0x2  }
0x85: {  	s13 =	sadd.s32 $0x3200, s11  }
0x86: {  	v0 =	vld [tilespmem:s13+$0x0];
	_ =	sdelay $0x3  }
0x87: {  	s11 =	simm.s32 $0x13210  }
0x88: {  	[tilespmem:s11+$0xFFFFFFF0] =	vst v0  }
0x89: {  	v0 =	vld [tilespmem:s13+$0x10];
	_ =	sdelay $0x2  }
0x8a: {  	s14 =	simm.s32 $0x1  }
0x8b: {  	s12 =	simm.s32 $0x3200;
	s14 =	sand.u32 $0xFF, s14;
	s13 =	simm.s32 $0x2  }
.LBB2_6:
0x8c: {  	p0 =	sne.s32 s13, $0xFF;
	s14 =	sor.u32 $0x1B00, s14;
	[tilespmem:s11+$0x0] =	vst v0  }
0x8d: {  	v0 =	vld.msk [tilespmem:s14+$0x0], $0x1;
	_ =	sdelay $0x4  }
0x8e: {  	(v2sf) =	vpush v0, $0x0;
	_ =	sdelay $0xe  }
0x8f: {  	s14 =	spop (v2sf)  }
0x90: {  	s14 =	sshll.u32 s14, $0x2  }
0x91: {  	s12 =	sadd.s32 $0x80, s12;
	s14 =	sshra.s32 s14, $0x2  }
0x92: {  	s14 =	sadd.s32 s14, s12  }
0x93: {  	v0 =	vld [tilespmem:s14+$0x0];
	_ =	sdelay $0x3  }
0x94: {  	s11 =	sadd.s32 $0x20, s11  }
0x95: {  	[tilespmem:s11+$0xFFFFFFF0] =	vst v0  }
.Ltmp2:
0x96: {  	v0 =	vld [tilespmem:s14+$0x10];
	(pc) =	sbr.rel @p0 .LBB2_6-.Ltmp2, $2  }
0x97: {  	_ =	sdelay $0x2  }
0x98: {  	s14 =	sand.u32 $0xFF, s13;
	s13 =	sadd.s32 $0x1, s13  }
0x99: {  	s13 =	sor.u32 $0x1B00, s14;
	[tilespmem:s11+$0x0] =	vst v0  }
0x9a: {  	v0 =	vld.msk [tilespmem:s13+$0x0], $0x1;
	_ =	sdelay $0x4  }
0x9b: {  	(v2sf) =	vpush v0, $0x0;
	_ =	sdelay $0xe  }
0x9c: {  	s14 =	spop (v2sf)  }
0x9d: {  	s13 =	sshll.u32 s14, $0x2  }
0x9e: {  	s12 =	sadd.s32 $0x80, s12;
	s13 =	sshra.s32 s13, $0x2  }
0x9f: {  	s12 =	sadd.s32 s13, s12  }
0xa0: {  	v0 =	vld [tilespmem:s12+$0x0];
	_ =	sdelay $0x3  }
0xa1: {  	s13 =	sadd.s32 $0x20, s11  }
0xa2: {  	[tilespmem:s13+$0xFFFFFFF0] =	vst v0  }
0xa3: {  	v0 =	vld [tilespmem:s12+$0x10];
	_ =	sdelay $0x4  }
0xa4: {  	s14 =	rddreg [dreg:$0x7];
	s11 =	simm.s32 $0x0;
	[tilespmem:s13+$0x0] =	vst v0  }
0xa5: {  	[hbm4b:s14+s11] =	stream.linear.scatter [tilespmem:s7], [sflag:$0x3], $0x2000, $0x38;
	[tilespmem:$0x15200] =	vst v63  }
0xa6: {  	_ =	swait.ge [sflag:s1], $0x2000  }
0xa7: {  	[sflag:s1] =	ssyncset.done $0x0  }
0xa8: {  	s13 =	simm.s32 $0x400;
	[sflag:s1] =	ssyncadd.s32 $0xFFFFE000  }
0xa9: {  	[tilespmem:s8], [sflag:$0x1] =	stream.indirect.gather [hbm4b:s3+s4], $0x80, s13, s4, $0xb8;
	[tilespmem:$0x15200] =	vst v63  }
0xaa: {  	_ =	swait.ge [sflag:s9], $0x8000  }
0xab: {  	s11 =	sand.u32 $0xFF, s11;
	[sflag:s9] =	ssyncset.done $0x0  }
0xac: {  	s11 =	sor.u32 $0x1C00, s11;
	[sflag:s9] =	ssyncadd.s32 $0xFFFF8000  }
0xad: {  	v0 =	vld.msk [tilespmem:s11+$0x0], $0x1;
	_ =	sdelay $0x4  }
0xae: {  	(v2sf) =	vpush v0, $0x0;
	_ =	sdelay $0xe  }
0xaf: {  	s14 =	spop (v2sf)  }
0xb0: {  	s11 =	sshll.u32 s14, $0x2  }
0xb1: {  	s11 =	sshra.s32 s11, $0x2  }
0xb2: {  	s13 =	sadd.s32 $0xB200, s11  }
0xb3: {  	v0 =	vld [tilespmem:s13+$0x0];
	_ =	sdelay $0x3  }
0xb4: {  	s11 =	simm.s32 $0x13210  }
0xb5: {  	[tilespmem:s11+$0xFFFFFFF0] =	vst v0  }
0xb6: {  	v0 =	vld [tilespmem:s13+$0x10];
	_ =	sdelay $0x2  }
0xb7: {  	s14 =	simm.s32 $0x1  }
0xb8: {  	s12 =	simm.s32 $0xB200;
	s14 =	sand.u32 $0xFF, s14;
	s13 =	simm.s32 $0x2  }
.LBB2_8:
0xb9: {  	p0 =	sne.s32 s13, $0xFF;
	s14 =	sor.u32 $0x1C00, s14;
	[tilespmem:s11+$0x0] =	vst v0  }
0xba: {  	v0 =	vld.msk [tilespmem:s14+$0x0], $0x1;
	_ =	sdelay $0x4  }
0xbb: {  	(v2sf) =	vpush v0, $0x0;
	_ =	sdelay $0xe  }
0xbc: {  	s14 =	spop (v2sf)  }
0xbd: {  	s14 =	sshll.u32 s14, $0x2  }
0xbe: {  	s12 =	sadd.s32 $0x80, s12;
	s14 =	sshra.s32 s14, $0x2  }
0xbf: {  	s14 =	sadd.s32 s14, s12  }
0xc0: {  	v0 =	vld [tilespmem:s14+$0x0];
	_ =	sdelay $0x3  }
0xc1: {  	s11 =	sadd.s32 $0x20, s11  }
0xc2: {  	[tilespmem:s11+$0xFFFFFFF0] =	vst v0  }
.Ltmp3:
0xc3: {  	v0 =	vld [tilespmem:s14+$0x10];
	(pc) =	sbr.rel @p0 .LBB2_8-.Ltmp3, $2  }
0xc4: {  	_ =	sdelay $0x2  }
0xc5: {  	s14 =	sand.u32 $0xFF, s13;
	s13 =	sadd.s32 $0x1, s13  }
0xc6: {  	s13 =	sor.u32 $0x1C00, s14;
	[tilespmem:s11+$0x0] =	vst v0  }
0xc7: {  	v0 =	vld.msk [tilespmem:s13+$0x0], $0x1;
	_ =	sdelay $0x4  }
0xc8: {  	(v2sf) =	vpush v0, $0x0;
	_ =	sdelay $0xe  }
0xc9: {  	s14 =	spop (v2sf)  }
0xca: {  	s13 =	sshll.u32 s14, $0x2  }
0xcb: {  	s12 =	sadd.s32 $0x80, s12;
	s13 =	sshra.s32 s13, $0x2  }
0xcc: {  	s12 =	sadd.s32 s13, s12  }
0xcd: {  	v0 =	vld [tilespmem:s12+$0x0];
	_ =	sdelay $0x3  }
0xce: {  	s13 =	sadd.s32 $0x20, s11  }
0xcf: {  	[tilespmem:s13+$0xFFFFFFF0] =	vst v0  }
0xd0: {  	v0 =	vld [tilespmem:s12+$0x10];
	_ =	sdelay $0x4  }
0xd1: {  	s14 =	rddreg [dreg:$0x8];
	s11 =	simm.s32 $0x0;
	[tilespmem:s13+$0x0] =	vst v0  }
0xd2: {  	[hbm4b:s14+s11] =	stream.linear.scatter [tilespmem:s7], [sflag:$0x3], $0x2000, $0x38;
	[tilespmem:$0x15200] =	vst v63  }
0xd3: {  	_ =	swait.ge [sflag:s1], $0x2000  }
0xd4: {  	[sflag:s1] =	ssyncset.done $0x0  }
0xd5: {  	s13 =	simm.s32 $0x500;
	[sflag:s1] =	ssyncadd.s32 $0xFFFFE000  }
0xd6: {  	[tilespmem:s5], [sflag:$0x2] =	stream.indirect.gather [hbm4b:s3+s4], $0x80, s13, s4, $0xb8;
	[tilespmem:$0x15200] =	vst v63  }
0xd7: {  	_ =	swait.ge [sflag:s6], $0x8000  }
0xd8: {  	s11 =	sand.u32 $0xFF, s11;
	[sflag:s6] =	ssyncset.done $0x0  }
0xd9: {  	s11 =	sor.u32 $0x1D00, s11;
	[sflag:s6] =	ssyncadd.s32 $0xFFFF8000  }
0xda: {  	v0 =	vld.msk [tilespmem:s11+$0x0], $0x1;
	_ =	sdelay $0x4  }
0xdb: {  	(v2sf) =	vpush v0, $0x0;
	_ =	sdelay $0xe  }
0xdc: {  	s14 =	spop (v2sf)  }
0xdd: {  	s11 =	sshll.u32 s14, $0x2  }
0xde: {  	s11 =	sshra.s32 s11, $0x2  }
0xdf: {  	s13 =	sadd.s32 $0x3200, s11  }
0xe0: {  	v0 =	vld [tilespmem:s13+$0x0];
	_ =	sdelay $0x3  }
0xe1: {  	s11 =	simm.s32 $0x13210  }
0xe2: {  	[tilespmem:s11+$0xFFFFFFF0] =	vst v0  }
0xe3: {  	v0 =	vld [tilespmem:s13+$0x10];
	_ =	sdelay $0x2  }
0xe4: {  	s14 =	simm.s32 $0x1  }
0xe5: {  	s12 =	simm.s32 $0x3200;
	s14 =	sand.u32 $0xFF, s14;
	s13 =	simm.s32 $0x2  }
.LBB2_10:
0xe6: {  	p0 =	sne.s32 s13, $0xFF;
	s14 =	sor.u32 $0x1D00, s14;
	[tilespmem:s11+$0x0] =	vst v0  }
0xe7: {  	v0 =	vld.msk [tilespmem:s14+$0x0], $0x1;
	_ =	sdelay $0x4  }
0xe8: {  	(v2sf) =	vpush v0, $0x0;
	_ =	sdelay $0xe  }
0xe9: {  	s14 =	spop (v2sf)  }
0xea: {  	s14 =	sshll.u32 s14, $0x2  }
0xeb: {  	s12 =	sadd.s32 $0x80, s12;
	s14 =	sshra.s32 s14, $0x2  }
0xec: {  	s14 =	sadd.s32 s14, s12  }
0xed: {  	v0 =	vld [tilespmem:s14+$0x0];
	_ =	sdelay $0x3  }
0xee: {  	s11 =	sadd.s32 $0x20, s11  }
0xef: {  	[tilespmem:s11+$0xFFFFFFF0] =	vst v0  }
.Ltmp4:
0xf0: {  	v0 =	vld [tilespmem:s14+$0x10];
	(pc) =	sbr.rel @p0 .LBB2_10-.Ltmp4, $2  }
0xf1: {  	_ =	sdelay $0x2  }
0xf2: {  	s14 =	sand.u32 $0xFF, s13;
	s13 =	sadd.s32 $0x1, s13  }
0xf3: {  	s13 =	sor.u32 $0x1D00, s14;
	[tilespmem:s11+$0x0] =	vst v0  }
0xf4: {  	v0 =	vld.msk [tilespmem:s13+$0x0], $0x1;
	_ =	sdelay $0x4  }
0xf5: {  	(v2sf) =	vpush v0, $0x0;
	_ =	sdelay $0xe  }
0xf6: {  	s14 =	spop (v2sf)  }
0xf7: {  	s13 =	sshll.u32 s14, $0x2  }
0xf8: {  	s12 =	sadd.s32 $0x80, s12;
	s13 =	sshra.s32 s13, $0x2  }
0xf9: {  	s12 =	sadd.s32 s13, s12  }
0xfa: {  	v0 =	vld [tilespmem:s12+$0x0];
	_ =	sdelay $0x3  }
0xfb: {  	s13 =	sadd.s32 $0x20, s11  }
0xfc: {  	[tilespmem:s13+$0xFFFFFFF0] =	vst v0  }
0xfd: {  	v0 =	vld [tilespmem:s12+$0x10];
	_ =	sdelay $0x4  }
0xfe: {  	s14 =	rddreg [dreg:$0x9];
	s11 =	simm.s32 $0x0;
	[tilespmem:s13+$0x0] =	vst v0  }
0xff: {  	[hbm4b:s14+s11] =	stream.linear.scatter [tilespmem:s7], [sflag:$0x3], $0x2000, $0x38;
	[tilespmem:$0x15200] =	vst v63  }
0x100: {  	_ =	swait.ge [sflag:s1], $0x2000  }
0x101: {  	[sflag:s1] =	ssyncset.done $0x0  }
0x102: {  	s13 =	simm.s32 $0x600;
	[sflag:s1] =	ssyncadd.s32 $0xFFFFE000  }
0x103: {  	[tilespmem:s8], [sflag:$0x1] =	stream.indirect.gather [hbm4b:s3+s4], $0x80, s13, s4, $0xb8;
	[tilespmem:$0x15200] =	vst v63  }
0x104: {  	_ =	swait.ge [sflag:s9], $0x8000  }
0x105: {  	s11 =	sand.u32 $0xFF, s11;
	[sflag:s9] =	ssyncset.done $0x0  }
0x106: {  	s11 =	sor.u32 $0x1E00, s11;
	[sflag:s9] =	ssyncadd.s32 $0xFFFF8000  }
0x107: {  	v0 =	vld.msk [tilespmem:s11+$0x0], $0x1;
	_ =	sdelay $0x4  }
0x108: {  	(v2sf) =	vpush v0, $0x0;
	_ =	sdelay $0xe  }
0x109: {  	s14 =	spop (v2sf)  }
0x10a: {  	s11 =	sshll.u32 s14, $0x2  }
0x10b: {  	s11 =	sshra.s32 s11, $0x2  }
0x10c: {  	s13 =	sadd.s32 $0xB200, s11  }
0x10d: {  	v0 =	vld [tilespmem:s13+$0x0];
	_ =	sdelay $0x3  }
0x10e: {  	s11 =	simm.s32 $0x13210  }
0x10f: {  	[tilespmem:s11+$0xFFFFFFF0] =	vst v0  }
0x110: {  	v0 =	vld [tilespmem:s13+$0x10];
	_ =	sdelay $0x2  }
0x111: {  	s14 =	simm.s32 $0x1  }
0x112: {  	s12 =	simm.s32 $0xB200;
	s14 =	sand.u32 $0xFF, s14;
	s13 =	simm.s32 $0x2  }
.LBB2_12:
0x113: {  	p0 =	sne.s32 s13, $0xFF;
	s14 =	sor.u32 $0x1E00, s14;
	[tilespmem:s11+$0x0] =	vst v0  }
0x114: {  	v0 =	vld.msk [tilespmem:s14+$0x0], $0x1;
	_ =	sdelay $0x4  }
0x115: {  	(v2sf) =	vpush v0, $0x0;
	_ =	sdelay $0xe  }
0x116: {  	s14 =	spop (v2sf)  }
0x117: {  	s14 =	sshll.u32 s14, $0x2  }
0x118: {  	s12 =	sadd.s32 $0x80, s12;
	s14 =	sshra.s32 s14, $0x2  }
0x119: {  	s14 =	sadd.s32 s14, s12  }
0x11a: {  	v0 =	vld [tilespmem:s14+$0x0];
	_ =	sdelay $0x3  }
0x11b: {  	s11 =	sadd.s32 $0x20, s11  }
0x11c: {  	[tilespmem:s11+$0xFFFFFFF0] =	vst v0  }
.Ltmp5:
0x11d: {  	v0 =	vld [tilespmem:s14+$0x10];
	(pc) =	sbr.rel @p0 .LBB2_12-.Ltmp5, $2  }
0x11e: {  	_ =	sdelay $0x2  }
0x11f: {  	s14 =	sand.u32 $0xFF, s13;
	s13 =	sadd.s32 $0x1, s13  }
0x120: {  	s13 =	sor.u32 $0x1E00, s14;
	[tilespmem:s11+$0x0] =	vst v0  }
0x121: {  	v0 =	vld.msk [tilespmem:s13+$0x0], $0x1;
	_ =	sdelay $0x4  }
0x122: {  	(v2sf) =	vpush v0, $0x0;
	_ =	sdelay $0xe  }
0x123: {  	s14 =	spop (v2sf)  }
0x124: {  	s13 =	sshll.u32 s14, $0x2  }
0x125: {  	s12 =	sadd.s32 $0x80, s12;
	s13 =	sshra.s32 s13, $0x2  }
0x126: {  	s12 =	sadd.s32 s13, s12  }
0x127: {  	v0 =	vld [tilespmem:s12+$0x0];
	_ =	sdelay $0x3  }
0x128: {  	s13 =	sadd.s32 $0x20, s11  }
0x129: {  	[tilespmem:s13+$0xFFFFFFF0] =	vst v0  }
0x12a: {  	v0 =	vld [tilespmem:s12+$0x10];
	_ =	sdelay $0x4  }
0x12b: {  	s14 =	rddreg [dreg:$0xa];
	s11 =	simm.s32 $0x0;
	[tilespmem:s13+$0x0] =	vst v0  }
0x12c: {  	[hbm4b:s14+s11] =	stream.linear.scatter [tilespmem:s7], [sflag:$0x3], $0x2000, $0x38;
	[tilespmem:$0x15200] =	vst v63  }
0x12d: {  	_ =	swait.ge [sflag:s1], $0x2000  }
0x12e: {  	[sflag:s1] =	ssyncset.done $0x0  }
0x12f: {  	s13 =	simm.s32 $0x700;
	[sflag:s1] =	ssyncadd.s32 $0xFFFFE000  }
0x130: {  	[tilespmem:s5], [sflag:$0x2] =	stream.indirect.gather [hbm4b:s3+s4], $0x80, s13, s4, $0xb8;
	[tilespmem:$0x15200] =	vst v63  }
0x131: {  	_ =	swait.ge [sflag:s6], $0x8000  }
0x132: {  	s11 =	sand.u32 $0xFF, s11;
	[sflag:s6] =	ssyncset.done $0x0  }
0x133: {  	s11 =	sor.u32 $0x1F00, s11;
	[sflag:s6] =	ssyncadd.s32 $0xFFFF8000  }
0x134: {  	v0 =	vld.msk [tilespmem:s11+$0x0], $0x1;
	_ =	sdelay $0x4  }
0x135: {  	(v2sf) =	vpush v0, $0x0;
	_ =	sdelay $0xe  }
0x136: {  	s14 =	spop (v2sf)  }
0x137: {  	s11 =	sshll.u32 s14, $0x2  }
0x138: {  	s11 =	sshra.s32 s11, $0x2  }
0x139: {  	s13 =	sadd.s32 $0x3200, s11  }
0x13a: {  	v0 =	vld [tilespmem:s13+$0x0];
	_ =	sdelay $0x3  }
0x13b: {  	s11 =	simm.s32 $0x13210  }
0x13c: {  	[tilespmem:s11+$0xFFFFFFF0] =	vst v0  }
0x13d: {  	v0 =	vld [tilespmem:s13+$0x10];
	_ =	sdelay $0x2  }
0x13e: {  	s14 =	simm.s32 $0x1  }
0x13f: {  	s12 =	simm.s32 $0x3200;
	s14 =	sand.u32 $0xFF, s14;
	s13 =	simm.s32 $0x2  }
.LBB2_14:
0x140: {  	p0 =	sne.s32 s13, $0xFF;
	s14 =	sor.u32 $0x1F00, s14;
	[tilespmem:s11+$0x0] =	vst v0  }
0x141: {  	v0 =	vld.msk [tilespmem:s14+$0x0], $0x1;
	_ =	sdelay $0x4  }
0x142: {  	(v2sf) =	vpush v0, $0x0;
	_ =	sdelay $0xe  }
0x143: {  	s14 =	spop (v2sf)  }
0x144: {  	s14 =	sshll.u32 s14, $0x2  }
0x145: {  	s12 =	sadd.s32 $0x80, s12;
	s14 =	sshra.s32 s14, $0x2  }
0x146: {  	s14 =	sadd.s32 s14, s12  }
0x147: {  	v0 =	vld [tilespmem:s14+$0x0];
	_ =	sdelay $0x3  }
0x148: {  	s11 =	sadd.s32 $0x20, s11  }
0x149: {  	[tilespmem:s11+$0xFFFFFFF0] =	vst v0  }
.Ltmp6:
0x14a: {  	v0 =	vld [tilespmem:s14+$0x10];
	(pc) =	sbr.rel @p0 .LBB2_14-.Ltmp6, $2  }
0x14b: {  	_ =	sdelay $0x2  }
0x14c: {  	s14 =	sand.u32 $0xFF, s13;
	s13 =	sadd.s32 $0x1, s13  }
0x14d: {  	s13 =	sor.u32 $0x1F00, s14;
	[tilespmem:s11+$0x0] =	vst v0  }
0x14e: {  	v0 =	vld.msk [tilespmem:s13+$0x0], $0x1;
	_ =	sdelay $0x4  }
0x14f: {  	(v2sf) =	vpush v0, $0x0;
	_ =	sdelay $0xe  }
0x150: {  	s14 =	spop (v2sf)  }
0x151: {  	s13 =	sshll.u32 s14, $0x2  }
0x152: {  	s12 =	sadd.s32 $0x80, s12;
	s13 =	sshra.s32 s13, $0x2  }
0x153: {  	s12 =	sadd.s32 s13, s12  }
0x154: {  	v0 =	vld [tilespmem:s12+$0x0];
	_ =	sdelay $0x3  }
0x155: {  	s13 =	sadd.s32 $0x20, s11  }
0x156: {  	[tilespmem:s13+$0xFFFFFFF0] =	vst v0  }
0x157: {  	v0 =	vld [tilespmem:s12+$0x10];
	_ =	sdelay $0x4  }
0x158: {  	s14 =	rddreg [dreg:$0xb];
	s11 =	simm.s32 $0x0;
	[tilespmem:s13+$0x0] =	vst v0  }
0x159: {  	[hbm4b:s14+s11] =	stream.linear.scatter [tilespmem:s7], [sflag:$0x3], $0x2000, $0x38;
	[tilespmem:$0x15200] =	vst v63  }
0x15a: {  	_ =	swait.ge [sflag:s1], $0x2000  }
0x15b: {  	[sflag:s1] =	ssyncset.done $0x0  }
0x15c: {  	s13 =	simm.s32 $0x800;
	[sflag:s1] =	ssyncadd.s32 $0xFFFFE000  }
0x15d: {  	[tilespmem:s8], [sflag:$0x1] =	stream.indirect.gather [hbm4b:s3+s4], $0x80, s13, s4, $0xb8;
	[tilespmem:$0x15200] =	vst v63  }
0x15e: {  	_ =	swait.ge [sflag:s9], $0x8000  }
0x15f: {  	s11 =	sand.u32 $0xFF, s11;
	[sflag:s9] =	ssyncset.done $0x0  }
0x160: {  	s11 =	sor.u32 $0x2000, s11;
	[sflag:s9] =	ssyncadd.s32 $0xFFFF8000  }
0x161: {  	v0 =	vld.msk [tilespmem:s11+$0x0], $0x1;
	_ =	sdelay $0x4  }
0x162: {  	(v2sf) =	vpush v0, $0x0;
	_ =	sdelay $0xe  }
0x163: {  	s14 =	spop (v2sf)  }
0x164: {  	s11 =	sshll.u32 s14, $0x2  }
0x165: {  	s11 =	sshra.s32 s11, $0x2  }
0x166: {  	s13 =	sadd.s32 $0xB200, s11  }
0x167: {  	v0 =	vld [tilespmem:s13+$0x0];
	_ =	sdelay $0x3  }
0x168: {  	s11 =	simm.s32 $0x13210  }
0x169: {  	[tilespmem:s11+$0xFFFFFFF0] =	vst v0  }
0x16a: {  	v0 =	vld [tilespmem:s13+$0x10];
	_ =	sdelay $0x2  }
0x16b: {  	s14 =	simm.s32 $0x1  }
0x16c: {  	s12 =	simm.s32 $0xB200;
	s14 =	sand.u32 $0xFF, s14;
	s13 =	simm.s32 $0x2  }
.LBB2_16:
0x16d: {  	p0 =	sne.s32 s13, $0xFF;
	s14 =	sor.u32 $0x2000, s14;
	[tilespmem:s11+$0x0] =	vst v0  }
0x16e: {  	v0 =	vld.msk [tilespmem:s14+$0x0], $0x1;
	_ =	sdelay $0x4  }
0x16f: {  	(v2sf) =	vpush v0, $0x0;
	_ =	sdelay $0xe  }
0x170: {  	s14 =	spop (v2sf)  }
0x171: {  	s14 =	sshll.u32 s14, $0x2  }
0x172: {  	s12 =	sadd.s32 $0x80, s12;
	s14 =	sshra.s32 s14, $0x2  }
0x173: {  	s14 =	sadd.s32 s14, s12  }
0x174: {  	v0 =	vld [tilespmem:s14+$0x0];
	_ =	sdelay $0x3  }
0x175: {  	s11 =	sadd.s32 $0x20, s11  }
0x176: {  	[tilespmem:s11+$0xFFFFFFF0] =	vst v0  }
.Ltmp7:
0x177: {  	v0 =	vld [tilespmem:s14+$0x10];
	(pc) =	sbr.rel @p0 .LBB2_16-.Ltmp7, $2  }
0x178: {  	_ =	sdelay $0x2  }
0x179: {  	s14 =	sand.u32 $0xFF, s13;
	s13 =	sadd.s32 $0x1, s13  }
0x17a: {  	s13 =	sor.u32 $0x2000, s14;
	[tilespmem:s11+$0x0] =	vst v0  }
0x17b: {  	v0 =	vld.msk [tilespmem:s13+$0x0], $0x1;
	_ =	sdelay $0x4  }
0x17c: {  	(v2sf) =	vpush v0, $0x0;
	_ =	sdelay $0xe  }
0x17d: {  	s14 =	spop (v2sf)  }
0x17e: {  	s13 =	sshll.u32 s14, $0x2  }
0x17f: {  	s12 =	sadd.s32 $0x80, s12;
	s13 =	sshra.s32 s13, $0x2  }
0x180: {  	s12 =	sadd.s32 s13, s12  }
0x181: {  	v0 =	vld [tilespmem:s12+$0x0];
	_ =	sdelay $0x3  }
0x182: {  	s13 =	sadd.s32 $0x20, s11  }
0x183: {  	[tilespmem:s13+$0xFFFFFFF0] =	vst v0  }
0x184: {  	v0 =	vld [tilespmem:s12+$0x10];
	_ =	sdelay $0x4  }
0x185: {  	s14 =	rddreg [dreg:$0xc];
	s11 =	simm.s32 $0x0;
	[tilespmem:s13+$0x0] =	vst v0  }
0x186: {  	[hbm4b:s14+s11] =	stream.linear.scatter [tilespmem:s7], [sflag:$0x3], $0x2000, $0x38;
	[tilespmem:$0x15200] =	vst v63  }
0x187: {  	_ =	swait.ge [sflag:s1], $0x2000  }
0x188: {  	[sflag:s1] =	ssyncset.done $0x0  }
0x189: {  	s13 =	simm.s32 $0x900;
	[sflag:s1] =	ssyncadd.s32 $0xFFFFE000  }
0x18a: {  	[tilespmem:s5], [sflag:$0x2] =	stream.indirect.gather [hbm4b:s3+s4], $0x80, s13, s4, $0xb8;
	[tilespmem:$0x15200] =	vst v63  }
0x18b: {  	_ =	swait.ge [sflag:s6], $0x8000  }
0x18c: {  	s11 =	sand.u32 $0xFF, s11;
	[sflag:s6] =	ssyncset.done $0x0  }
0x18d: {  	s11 =	sor.u32 $0x2100, s11;
	[sflag:s6] =	ssyncadd.s32 $0xFFFF8000  }
0x18e: {  	v0 =	vld.msk [tilespmem:s11+$0x0], $0x1;
	_ =	sdelay $0x4  }
0x18f: {  	(v2sf) =	vpush v0, $0x0;
	_ =	sdelay $0xe  }
0x190: {  	s14 =	spop (v2sf)  }
0x191: {  	s11 =	sshll.u32 s14, $0x2  }
0x192: {  	s11 =	sshra.s32 s11, $0x2  }
0x193: {  	s13 =	sadd.s32 $0x3200, s11  }
0x194: {  	v0 =	vld [tilespmem:s13+$0x0];
	_ =	sdelay $0x3  }
0x195: {  	s11 =	simm.s32 $0x13210  }
0x196: {  	[tilespmem:s11+$0xFFFFFFF0] =	vst v0  }
0x197: {  	v0 =	vld [tilespmem:s13+$0x10];
	_ =	sdelay $0x2  }
0x198: {  	s14 =	simm.s32 $0x1  }
0x199: {  	s12 =	simm.s32 $0x3200;
	s14 =	sand.u32 $0xFF, s14;
	s13 =	simm.s32 $0x2  }
.LBB2_18:
0x19a: {  	p0 =	sne.s32 s13, $0xFF;
	s14 =	sor.u32 $0x2100, s14;
	[tilespmem:s11+$0x0] =	vst v0  }
0x19b: {  	v0 =	vld.msk [tilespmem:s14+$0x0], $0x1;
	_ =	sdelay $0x4  }
0x19c: {  	(v2sf) =	vpush v0, $0x0;
	_ =	sdelay $0xe  }
0x19d: {  	s14 =	spop (v2sf)  }
0x19e: {  	s14 =	sshll.u32 s14, $0x2  }
0x19f: {  	s12 =	sadd.s32 $0x80, s12;
	s14 =	sshra.s32 s14, $0x2  }
0x1a0: {  	s14 =	sadd.s32 s14, s12  }
0x1a1: {  	v0 =	vld [tilespmem:s14+$0x0];
	_ =	sdelay $0x3  }
0x1a2: {  	s11 =	sadd.s32 $0x20, s11  }
0x1a3: {  	[tilespmem:s11+$0xFFFFFFF0] =	vst v0  }
.Ltmp8:
0x1a4: {  	v0 =	vld [tilespmem:s14+$0x10];
	(pc) =	sbr.rel @p0 .LBB2_18-.Ltmp8, $2  }
0x1a5: {  	_ =	sdelay $0x2  }
0x1a6: {  	s14 =	sand.u32 $0xFF, s13;
	s13 =	sadd.s32 $0x1, s13  }
0x1a7: {  	s13 =	sor.u32 $0x2100, s14;
	[tilespmem:s11+$0x0] =	vst v0  }
0x1a8: {  	v0 =	vld.msk [tilespmem:s13+$0x0], $0x1;
	_ =	sdelay $0x4  }
0x1a9: {  	(v2sf) =	vpush v0, $0x0;
	_ =	sdelay $0xe  }
0x1aa: {  	s14 =	spop (v2sf)  }
0x1ab: {  	s13 =	sshll.u32 s14, $0x2  }
0x1ac: {  	s12 =	sadd.s32 $0x80, s12;
	s13 =	sshra.s32 s13, $0x2  }
0x1ad: {  	s12 =	sadd.s32 s13, s12  }
0x1ae: {  	v0 =	vld [tilespmem:s12+$0x0];
	_ =	sdelay $0x3  }
0x1af: {  	s13 =	sadd.s32 $0x20, s11  }
0x1b0: {  	[tilespmem:s13+$0xFFFFFFF0] =	vst v0  }
0x1b1: {  	v0 =	vld [tilespmem:s12+$0x10];
	_ =	sdelay $0x4  }
0x1b2: {  	s14 =	rddreg [dreg:$0xd];
	s11 =	simm.s32 $0x0;
	[tilespmem:s13+$0x0] =	vst v0  }
0x1b3: {  	[hbm4b:s14+s11] =	stream.linear.scatter [tilespmem:s7], [sflag:$0x3], $0x2000, $0x38;
	[tilespmem:$0x15200] =	vst v63  }
0x1b4: {  	_ =	swait.ge [sflag:s1], $0x2000  }
0x1b5: {  	[sflag:s1] =	ssyncset.done $0x0  }
0x1b6: {  	s13 =	simm.s32 $0xA00;
	[sflag:s1] =	ssyncadd.s32 $0xFFFFE000  }
0x1b7: {  	[tilespmem:s8], [sflag:$0x1] =	stream.indirect.gather [hbm4b:s3+s4], $0x80, s13, s4, $0xb8;
	[tilespmem:$0x15200] =	vst v63  }
0x1b8: {  	_ =	swait.ge [sflag:s9], $0x8000  }
0x1b9: {  	s11 =	sand.u32 $0xFF, s11;
	[sflag:s9] =	ssyncset.done $0x0  }
0x1ba: {  	s11 =	sor.u32 $0x2200, s11;
	[sflag:s9] =	ssyncadd.s32 $0xFFFF8000  }
0x1bb: {  	v0 =	vld.msk [tilespmem:s11+$0x0], $0x1;
	_ =	sdelay $0x4  }
0x1bc: {  	(v2sf) =	vpush v0, $0x0;
	_ =	sdelay $0xe  }
0x1bd: {  	s14 =	spop (v2sf)  }
0x1be: {  	s11 =	sshll.u32 s14, $0x2  }
0x1bf: {  	s11 =	sshra.s32 s11, $0x2  }
0x1c0: {  	s13 =	sadd.s32 $0xB200, s11  }
0x1c1: {  	v0 =	vld [tilespmem:s13+$0x0];
	_ =	sdelay $0x3  }
0x1c2: {  	s11 =	simm.s32 $0x13210  }
0x1c3: {  	[tilespmem:s11+$0xFFFFFFF0] =	vst v0  }
0x1c4: {  	v0 =	vld [tilespmem:s13+$0x10];
	_ =	sdelay $0x2  }
0x1c5: {  	s14 =	simm.s32 $0x1  }
0x1c6: {  	s12 =	simm.s32 $0xB200;
	s14 =	sand.u32 $0xFF, s14;
	s13 =	simm.s32 $0x2  }
.LBB2_20:
0x1c7: {  	p0 =	sne.s32 s13, $0xFF;
	s14 =	sor.u32 $0x2200, s14;
	[tilespmem:s11+$0x0] =	vst v0  }
0x1c8: {  	v0 =	vld.msk [tilespmem:s14+$0x0], $0x1;
	_ =	sdelay $0x4  }
0x1c9: {  	(v2sf) =	vpush v0, $0x0;
	_ =	sdelay $0xe  }
0x1ca: {  	s14 =	spop (v2sf)  }
0x1cb: {  	s14 =	sshll.u32 s14, $0x2  }
0x1cc: {  	s12 =	sadd.s32 $0x80, s12;
	s14 =	sshra.s32 s14, $0x2  }
0x1cd: {  	s14 =	sadd.s32 s14, s12  }
0x1ce: {  	v0 =	vld [tilespmem:s14+$0x0];
	_ =	sdelay $0x3  }
0x1cf: {  	s11 =	sadd.s32 $0x20, s11  }
0x1d0: {  	[tilespmem:s11+$0xFFFFFFF0] =	vst v0  }
.Ltmp9:
0x1d1: {  	v0 =	vld [tilespmem:s14+$0x10];
	(pc) =	sbr.rel @p0 .LBB2_20-.Ltmp9, $2  }
0x1d2: {  	_ =	sdelay $0x2  }
0x1d3: {  	s14 =	sand.u32 $0xFF, s13;
	s13 =	sadd.s32 $0x1, s13  }
0x1d4: {  	s13 =	sor.u32 $0x2200, s14;
	[tilespmem:s11+$0x0] =	vst v0  }
0x1d5: {  	v0 =	vld.msk [tilespmem:s13+$0x0], $0x1;
	_ =	sdelay $0x4  }
0x1d6: {  	(v2sf) =	vpush v0, $0x0;
	_ =	sdelay $0xe  }
0x1d7: {  	s14 =	spop (v2sf)  }
0x1d8: {  	s13 =	sshll.u32 s14, $0x2  }
0x1d9: {  	s12 =	sadd.s32 $0x80, s12;
	s13 =	sshra.s32 s13, $0x2  }
0x1da: {  	s12 =	sadd.s32 s13, s12  }
0x1db: {  	v0 =	vld [tilespmem:s12+$0x0];
	_ =	sdelay $0x3  }
0x1dc: {  	s13 =	sadd.s32 $0x20, s11  }
0x1dd: {  	[tilespmem:s13+$0xFFFFFFF0] =	vst v0  }
0x1de: {  	v0 =	vld [tilespmem:s12+$0x10];
	_ =	sdelay $0x4  }
0x1df: {  	s14 =	simm.s32 $0x0;
	[tilespmem:s13+$0x0] =	vst v0  }
0x1e0: {  	[hbm4b:s15+s14] =	stream.linear.scatter [tilespmem:s7], [sflag:$0x3], $0x2000, $0x38;
	[tilespmem:$0x15200] =	vst v63  }
0x1e1: {  	_ =	swait.ge [sflag:s1], $0x2000  }
0x1e2: {  	[sflag:s1] =	ssyncset.done $0x0  }
0x1e3: {  	s13 =	simm.s32 $0xB00;
	[sflag:s1] =	ssyncadd.s32 $0xFFFFE000  }
0x1e4: {  	[tilespmem:s5], [sflag:$0x2] =	stream.indirect.gather [hbm4b:s3+s4], $0x80, s13, s4, $0xb8;
	[tilespmem:$0x15200] =	vst v63  }
0x1e5: {  	_ =	swait.ge [sflag:s6], $0x8000  }
0x1e6: {  	s11 =	sand.u32 $0xFF, s14;
	[sflag:s6] =	ssyncset.done $0x0  }
0x1e7: {  	s11 =	sor.u32 $0x2300, s11;
	[sflag:s6] =	ssyncadd.s32 $0xFFFF8000  }
0x1e8: {  	v0 =	vld.msk [tilespmem:s11+$0x0], $0x1;
	_ =	sdelay $0x4  }
0x1e9: {  	(v2sf) =	vpush v0, $0x0;
	_ =	sdelay $0xe  }
0x1ea: {  	s14 =	spop (v2sf)  }
0x1eb: {  	s11 =	sshll.u32 s14, $0x2  }
0x1ec: {  	s11 =	sshra.s32 s11, $0x2  }
0x1ed: {  	s13 =	sadd.s32 $0x3200, s11  }
0x1ee: {  	v0 =	vld [tilespmem:s13+$0x0];
	_ =	sdelay $0x3  }
0x1ef: {  	s11 =	simm.s32 $0x13210  }
0x1f0: {  	[tilespmem:s11+$0xFFFFFFF0] =	vst v0  }
0x1f1: {  	v0 =	vld [tilespmem:s13+$0x10];
	_ =	sdelay $0x2  }
0x1f2: {  	s14 =	simm.s32 $0x1  }
0x1f3: {  	s12 =	simm.s32 $0x3200;
	s14 =	sand.u32 $0xFF, s14;
	s13 =	simm.s32 $0x2  }
.LBB2_22:
0x1f4: {  	p0 =	sne.s32 s13, $0xFF;
	s14 =	sor.u32 $0x2300, s14;
	[tilespmem:s11+$0x0] =	vst v0  }
0x1f5: {  	v0 =	vld.msk [tilespmem:s14+$0x0], $0x1;
	_ =	sdelay $0x4  }
0x1f6: {  	(v2sf) =	vpush v0, $0x0;
	_ =	sdelay $0xe  }
0x1f7: {  	s14 =	spop (v2sf)  }
0x1f8: {  	s14 =	sshll.u32 s14, $0x2  }
0x1f9: {  	s12 =	sadd.s32 $0x80, s12;
	s14 =	sshra.s32 s14, $0x2  }
0x1fa: {  	s14 =	sadd.s32 s14, s12  }
0x1fb: {  	v0 =	vld [tilespmem:s14+$0x0];
	_ =	sdelay $0x3  }
0x1fc: {  	s11 =	sadd.s32 $0x20, s11  }
0x1fd: {  	[tilespmem:s11+$0xFFFFFFF0] =	vst v0  }
.Ltmp10:
0x1fe: {  	v0 =	vld [tilespmem:s14+$0x10];
	(pc) =	sbr.rel @p0 .LBB2_22-.Ltmp10, $2  }
0x1ff: {  	_ =	sdelay $0x2  }
0x200: {  	s14 =	sand.u32 $0xFF, s13;
	s13 =	sadd.s32 $0x1, s13  }
0x201: {  	s13 =	sor.u32 $0x2300, s14;
	[tilespmem:s11+$0x0] =	vst v0  }
0x202: {  	v0 =	vld.msk [tilespmem:s13+$0x0], $0x1;
	_ =	sdelay $0x4  }
0x203: {  	(v2sf) =	vpush v0, $0x0;
	_ =	sdelay $0xe  }
0x204: {  	s14 =	spop (v2sf)  }
0x205: {  	s13 =	sshll.u32 s14, $0x2  }
0x206: {  	s12 =	sadd.s32 $0x80, s12;
	s13 =	sshra.s32 s13, $0x2  }
0x207: {  	s12 =	sadd.s32 s13, s12  }
0x208: {  	v0 =	vld [tilespmem:s12+$0x0];
	_ =	sdelay $0x3  }
0x209: {  	s13 =	sadd.s32 $0x20, s11  }
0x20a: {  	[tilespmem:s13+$0xFFFFFFF0] =	vst v0  }
0x20b: {  	v0 =	vld [tilespmem:s12+$0x10];
	_ =	sdelay $0x4  }
0x20c: {  	s14 =	simm.s32 $0x0;
	[tilespmem:s13+$0x0] =	vst v0  }
0x20d: {  	[hbm4b:s16+s14] =	stream.linear.scatter [tilespmem:s7], [sflag:$0x3], $0x2000, $0x38;
	[tilespmem:$0x15200] =	vst v63  }
0x20e: {  	_ =	swait.ge [sflag:s1], $0x2000  }
0x20f: {  	[sflag:s1] =	ssyncset.done $0x0  }
0x210: {  	s13 =	simm.s32 $0xC00;
	[sflag:s1] =	ssyncadd.s32 $0xFFFFE000  }
0x211: {  	[tilespmem:s8], [sflag:$0x1] =	stream.indirect.gather [hbm4b:s3+s4], $0x80, s13, s4, $0xb8;
	[tilespmem:$0x15200] =	vst v63  }
0x212: {  	_ =	swait.ge [sflag:s9], $0x8000  }
0x213: {  	s11 =	sand.u32 $0xFF, s14;
	[sflag:s9] =	ssyncset.done $0x0  }
0x214: {  	s11 =	sor.u32 $0x2400, s11;
	[sflag:s9] =	ssyncadd.s32 $0xFFFF8000  }
0x215: {  	v0 =	vld.msk [tilespmem:s11+$0x0], $0x1;
	_ =	sdelay $0x4  }
0x216: {  	(v2sf) =	vpush v0, $0x0;
	_ =	sdelay $0xe  }
0x217: {  	s14 =	spop (v2sf)  }
0x218: {  	s11 =	sshll.u32 s14, $0x2  }
0x219: {  	s11 =	sshra.s32 s11, $0x2  }
0x21a: {  	s13 =	sadd.s32 $0xB200, s11  }
0x21b: {  	v0 =	vld [tilespmem:s13+$0x0];
	_ =	sdelay $0x3  }
0x21c: {  	s11 =	simm.s32 $0x13210  }
0x21d: {  	[tilespmem:s11+$0xFFFFFFF0] =	vst v0  }
0x21e: {  	v0 =	vld [tilespmem:s13+$0x10];
	_ =	sdelay $0x2  }
0x21f: {  	s14 =	simm.s32 $0x1  }
0x220: {  	s12 =	simm.s32 $0xB200;
	s14 =	sand.u32 $0xFF, s14;
	s13 =	simm.s32 $0x2  }
.LBB2_24:
0x221: {  	p0 =	sne.s32 s13, $0xFF;
	s14 =	sor.u32 $0x2400, s14;
	[tilespmem:s11+$0x0] =	vst v0  }
0x222: {  	v0 =	vld.msk [tilespmem:s14+$0x0], $0x1;
	_ =	sdelay $0x4  }
0x223: {  	(v2sf) =	vpush v0, $0x0;
	_ =	sdelay $0xe  }
0x224: {  	s14 =	spop (v2sf)  }
0x225: {  	s14 =	sshll.u32 s14, $0x2  }
0x226: {  	s12 =	sadd.s32 $0x80, s12;
	s14 =	sshra.s32 s14, $0x2  }
0x227: {  	s14 =	sadd.s32 s14, s12  }
0x228: {  	v0 =	vld [tilespmem:s14+$0x0];
	_ =	sdelay $0x3  }
0x229: {  	s11 =	sadd.s32 $0x20, s11  }
0x22a: {  	[tilespmem:s11+$0xFFFFFFF0] =	vst v0  }
.Ltmp11:
0x22b: {  	v0 =	vld [tilespmem:s14+$0x10];
	(pc) =	sbr.rel @p0 .LBB2_24-.Ltmp11, $2  }
0x22c: {  	_ =	sdelay $0x2  }
0x22d: {  	s14 =	sand.u32 $0xFF, s13;
	s13 =	sadd.s32 $0x1, s13  }
0x22e: {  	s13 =	sor.u32 $0x2400, s14;
	[tilespmem:s11+$0x0] =	vst v0  }
0x22f: {  	v0 =	vld.msk [tilespmem:s13+$0x0], $0x1;
	_ =	sdelay $0x4  }
0x230: {  	(v2sf) =	vpush v0, $0x0;
	_ =	sdelay $0xe  }
0x231: {  	s14 =	spop (v2sf)  }
0x232: {  	s13 =	sshll.u32 s14, $0x2  }
0x233: {  	s12 =	sadd.s32 $0x80, s12;
	s13 =	sshra.s32 s13, $0x2  }
0x234: {  	s12 =	sadd.s32 s13, s12  }
0x235: {  	v0 =	vld [tilespmem:s12+$0x0];
	_ =	sdelay $0x3  }
0x236: {  	s13 =	sadd.s32 $0x20, s11  }
0x237: {  	[tilespmem:s13+$0xFFFFFFF0] =	vst v0  }
0x238: {  	v0 =	vld [tilespmem:s12+$0x10];
	_ =	sdelay $0x4  }
0x239: {  	s14 =	simm.s32 $0x0;
	[tilespmem:s13+$0x0] =	vst v0  }
0x23a: {  	[hbm4b:s17+s14] =	stream.linear.scatter [tilespmem:s7], [sflag:$0x3], $0x2000, $0x38;
	[tilespmem:$0x15200] =	vst v63  }
0x23b: {  	_ =	swait.ge [sflag:s1], $0x2000  }
0x23c: {  	[sflag:s1] =	ssyncset.done $0x0  }
0x23d: {  	s13 =	simm.s32 $0xD00;
	[sflag:s1] =	ssyncadd.s32 $0xFFFFE000  }
0x23e: {  	[tilespmem:s5], [sflag:$0x2] =	stream.indirect.gather [hbm4b:s3+s4], $0x80, s13, s4, $0xb8;
	[tilespmem:$0x15200] =	vst v63  }
0x23f: {  	_ =	swait.ge [sflag:s6], $0x8000  }
0x240: {  	s11 =	sand.u32 $0xFF, s14;
	[sflag:s6] =	ssyncset.done $0x0  }
0x241: {  	s11 =	sor.u32 $0x2500, s11;
	[sflag:s6] =	ssyncadd.s32 $0xFFFF8000  }
0x242: {  	v0 =	vld.msk [tilespmem:s11+$0x0], $0x1;
	_ =	sdelay $0x4  }
0x243: {  	(v2sf) =	vpush v0, $0x0;
	_ =	sdelay $0xe  }
0x244: {  	s14 =	spop (v2sf)  }
0x245: {  	s11 =	sshll.u32 s14, $0x2  }
0x246: {  	s11 =	sshra.s32 s11, $0x2  }
0x247: {  	s13 =	sadd.s32 $0x3200, s11  }
0x248: {  	v0 =	vld [tilespmem:s13+$0x0];
	_ =	sdelay $0x3  }
0x249: {  	s11 =	simm.s32 $0x13210  }
0x24a: {  	[tilespmem:s11+$0xFFFFFFF0] =	vst v0  }
0x24b: {  	v0 =	vld [tilespmem:s13+$0x10];
	_ =	sdelay $0x2  }
0x24c: {  	s14 =	simm.s32 $0x1  }
0x24d: {  	s12 =	simm.s32 $0x3200;
	s14 =	sand.u32 $0xFF, s14;
	s13 =	simm.s32 $0x2  }
.LBB2_26:
0x24e: {  	p0 =	sne.s32 s13, $0xFF;
	s14 =	sor.u32 $0x2500, s14;
	[tilespmem:s11+$0x0] =	vst v0  }
0x24f: {  	v0 =	vld.msk [tilespmem:s14+$0x0], $0x1;
	_ =	sdelay $0x4  }
0x250: {  	(v2sf) =	vpush v0, $0x0;
	_ =	sdelay $0xe  }
0x251: {  	s14 =	spop (v2sf)  }
0x252: {  	s14 =	sshll.u32 s14, $0x2  }
0x253: {  	s12 =	sadd.s32 $0x80, s12;
	s14 =	sshra.s32 s14, $0x2  }
0x254: {  	s14 =	sadd.s32 s14, s12  }
0x255: {  	v0 =	vld [tilespmem:s14+$0x0];
	_ =	sdelay $0x3  }
0x256: {  	s11 =	sadd.s32 $0x20, s11  }
0x257: {  	[tilespmem:s11+$0xFFFFFFF0] =	vst v0  }
.Ltmp12:
0x258: {  	v0 =	vld [tilespmem:s14+$0x10];
	(pc) =	sbr.rel @p0 .LBB2_26-.Ltmp12, $2  }
0x259: {  	_ =	sdelay $0x2  }
0x25a: {  	s14 =	sand.u32 $0xFF, s13;
	s13 =	sadd.s32 $0x1, s13  }
0x25b: {  	s13 =	sor.u32 $0x2500, s14;
	[tilespmem:s11+$0x0] =	vst v0  }
0x25c: {  	v0 =	vld.msk [tilespmem:s13+$0x0], $0x1;
	_ =	sdelay $0x4  }
0x25d: {  	(v2sf) =	vpush v0, $0x0;
	_ =	sdelay $0xe  }
0x25e: {  	s14 =	spop (v2sf)  }
0x25f: {  	s13 =	sshll.u32 s14, $0x2  }
0x260: {  	s12 =	sadd.s32 $0x80, s12;
	s13 =	sshra.s32 s13, $0x2  }
0x261: {  	s12 =	sadd.s32 s13, s12  }
0x262: {  	v0 =	vld [tilespmem:s12+$0x0];
	_ =	sdelay $0x3  }
0x263: {  	s13 =	sadd.s32 $0x20, s11  }
0x264: {  	[tilespmem:s13+$0xFFFFFFF0] =	vst v0  }
0x265: {  	v0 =	vld [tilespmem:s12+$0x10];
	_ =	sdelay $0x4  }
0x266: {  	s14 =	simm.s32 $0x0;
	[tilespmem:s13+$0x0] =	vst v0  }
0x267: {  	[hbm4b:s18+s14] =	stream.linear.scatter [tilespmem:s7], [sflag:$0x3], $0x2000, $0x38;
	[tilespmem:$0x15200] =	vst v63  }
0x268: {  	_ =	swait.ge [sflag:s1], $0x2000  }
0x269: {  	[sflag:s1] =	ssyncset.done $0x0  }
0x26a: {  	s13 =	simm.s32 $0xE00;
	[sflag:s1] =	ssyncadd.s32 $0xFFFFE000  }
0x26b: {  	[tilespmem:s8], [sflag:$0x1] =	stream.indirect.gather [hbm4b:s3+s4], $0x80, s13, s4, $0xb8;
	[tilespmem:$0x15200] =	vst v63  }
0x26c: {  	_ =	swait.ge [sflag:s9], $0x8000  }
0x26d: {  	s11 =	sand.u32 $0xFF, s14;
	[sflag:s9] =	ssyncset.done $0x0  }
0x26e: {  	s11 =	sor.u32 $0x2600, s11;
	[sflag:s9] =	ssyncadd.s32 $0xFFFF8000  }
0x26f: {  	v0 =	vld.msk [tilespmem:s11+$0x0], $0x1;
	_ =	sdelay $0x4  }
0x270: {  	(v2sf) =	vpush v0, $0x0;
	_ =	sdelay $0xe  }
0x271: {  	s14 =	spop (v2sf)  }
0x272: {  	s11 =	sshll.u32 s14, $0x2  }
0x273: {  	s11 =	sshra.s32 s11, $0x2  }
0x274: {  	s13 =	sadd.s32 $0xB200, s11  }
0x275: {  	v0 =	vld [tilespmem:s13+$0x0];
	_ =	sdelay $0x3  }
0x276: {  	s11 =	simm.s32 $0x13210  }
0x277: {  	[tilespmem:s11+$0xFFFFFFF0] =	vst v0  }
0x278: {  	v0 =	vld [tilespmem:s13+$0x10];
	_ =	sdelay $0x2  }
0x279: {  	s14 =	simm.s32 $0x1  }
0x27a: {  	s12 =	simm.s32 $0xB200;
	s14 =	sand.u32 $0xFF, s14;
	s13 =	simm.s32 $0x2  }
.LBB2_28:
0x27b: {  	p0 =	sne.s32 s13, $0xFF;
	s14 =	sor.u32 $0x2600, s14;
	[tilespmem:s11+$0x0] =	vst v0  }
0x27c: {  	v0 =	vld.msk [tilespmem:s14+$0x0], $0x1;
	_ =	sdelay $0x4  }
0x27d: {  	(v2sf) =	vpush v0, $0x0;
	_ =	sdelay $0xe  }
0x27e: {  	s14 =	spop (v2sf)  }
0x27f: {  	s14 =	sshll.u32 s14, $0x2  }
0x280: {  	s12 =	sadd.s32 $0x80, s12;
	s14 =	sshra.s32 s14, $0x2  }
0x281: {  	s14 =	sadd.s32 s14, s12  }
0x282: {  	v0 =	vld [tilespmem:s14+$0x0];
	_ =	sdelay $0x3  }
0x283: {  	s11 =	sadd.s32 $0x20, s11  }
0x284: {  	[tilespmem:s11+$0xFFFFFFF0] =	vst v0  }
.Ltmp13:
0x285: {  	v0 =	vld [tilespmem:s14+$0x10];
	(pc) =	sbr.rel @p0 .LBB2_28-.Ltmp13, $2  }
0x286: {  	_ =	sdelay $0x2  }
0x287: {  	s14 =	sand.u32 $0xFF, s13;
	s13 =	sadd.s32 $0x1, s13  }
0x288: {  	s13 =	sor.u32 $0x2600, s14;
	[tilespmem:s11+$0x0] =	vst v0  }
0x289: {  	v0 =	vld.msk [tilespmem:s13+$0x0], $0x1;
	_ =	sdelay $0x4  }
0x28a: {  	(v2sf) =	vpush v0, $0x0;
	_ =	sdelay $0xe  }
0x28b: {  	s14 =	spop (v2sf)  }
0x28c: {  	s13 =	sshll.u32 s14, $0x2  }
0x28d: {  	s12 =	sadd.s32 $0x80, s12;
	s13 =	sshra.s32 s13, $0x2  }
0x28e: {  	s12 =	sadd.s32 s13, s12  }
0x28f: {  	v0 =	vld [tilespmem:s12+$0x0];
	_ =	sdelay $0x3  }
0x290: {  	s13 =	sadd.s32 $0x20, s11  }
0x291: {  	[tilespmem:s13+$0xFFFFFFF0] =	vst v0  }
0x292: {  	v0 =	vld [tilespmem:s12+$0x10];
	_ =	sdelay $0x4  }
0x293: {  	s14 =	simm.s32 $0x0;
	[tilespmem:s13+$0x0] =	vst v0  }
0x294: {  	[hbm4b:s19+s14] =	stream.linear.scatter [tilespmem:s7], [sflag:$0x3], $0x2000, $0x38;
	[tilespmem:$0x15200] =	vst v63  }
0x295: {  	_ =	swait.ge [sflag:s1], $0x2000  }
0x296: {  	[sflag:s1] =	ssyncset.done $0x0  }
0x297: {  	s13 =	simm.s32 $0xF00;
	[sflag:s1] =	ssyncadd.s32 $0xFFFFE000  }
0x298: {  	[tilespmem:s5], [sflag:$0x2] =	stream.indirect.gather [hbm4b:s3+s4], $0x80, s13, s4, $0xb8;
	[tilespmem:$0x15200] =	vst v63  }
0x299: {  	_ =	swait.ge [sflag:s6], $0x8000  }
0x29a: {  	s11 =	sand.u32 $0xFF, s14;
	[sflag:s6] =	ssyncset.done $0x0  }
0x29b: {  	s11 =	sor.u32 $0x2700, s11;
	[sflag:s6] =	ssyncadd.s32 $0xFFFF8000  }
0x29c: {  	v0 =	vld.msk [tilespmem:s11+$0x0], $0x1;
	_ =	sdelay $0x4  }
0x29d: {  	(v2sf) =	vpush v0, $0x0;
	_ =	sdelay $0xe  }
0x29e: {  	s14 =	spop (v2sf)  }
0x29f: {  	s11 =	sshll.u32 s14, $0x2  }
0x2a0: {  	s11 =	sshra.s32 s11, $0x2  }
0x2a1: {  	s13 =	sadd.s32 $0x3200, s11  }
0x2a2: {  	v0 =	vld [tilespmem:s13+$0x0];
	_ =	sdelay $0x3  }
0x2a3: {  	s11 =	simm.s32 $0x13210  }
0x2a4: {  	[tilespmem:s11+$0xFFFFFFF0] =	vst v0  }
0x2a5: {  	v0 =	vld [tilespmem:s13+$0x10];
	_ =	sdelay $0x2  }
0x2a6: {  	s14 =	simm.s32 $0x1  }
0x2a7: {  	s12 =	simm.s32 $0x3200;
	s14 =	sand.u32 $0xFF, s14;
	s13 =	simm.s32 $0x2  }
.LBB2_30:
0x2a8: {  	p0 =	sne.s32 s13, $0xFF;
	s14 =	sor.u32 $0x2700, s14;
	[tilespmem:s11+$0x0] =	vst v0  }
0x2a9: {  	v0 =	vld.msk [tilespmem:s14+$0x0], $0x1;
	_ =	sdelay $0x4  }
0x2aa: {  	(v2sf) =	vpush v0, $0x0;
	_ =	sdelay $0xe  }
0x2ab: {  	s14 =	spop (v2sf)  }
0x2ac: {  	s14 =	sshll.u32 s14, $0x2  }
0x2ad: {  	s12 =	sadd.s32 $0x80, s12;
	s14 =	sshra.s32 s14, $0x2  }
0x2ae: {  	s14 =	sadd.s32 s14, s12  }
0x2af: {  	v0 =	vld [tilespmem:s14+$0x0];
	_ =	sdelay $0x3  }
0x2b0: {  	s11 =	sadd.s32 $0x20, s11  }
0x2b1: {  	[tilespmem:s11+$0xFFFFFFF0] =	vst v0  }
.Ltmp14:
0x2b2: {  	v0 =	vld [tilespmem:s14+$0x10];
	(pc) =	sbr.rel @p0 .LBB2_30-.Ltmp14, $2  }
0x2b3: {  	_ =	sdelay $0x2  }
0x2b4: {  	s14 =	sand.u32 $0xFF, s13;
	s13 =	sadd.s32 $0x1, s13  }
0x2b5: {  	s13 =	sor.u32 $0x2700, s14;
	[tilespmem:s11+$0x0] =	vst v0  }
0x2b6: {  	v0 =	vld.msk [tilespmem:s13+$0x0], $0x1;
	_ =	sdelay $0x4  }
0x2b7: {  	(v2sf) =	vpush v0, $0x0;
	_ =	sdelay $0xe  }
0x2b8: {  	s14 =	spop (v2sf)  }
0x2b9: {  	s13 =	sshll.u32 s14, $0x2  }
0x2ba: {  	s12 =	sadd.s32 $0x80, s12;
	s13 =	sshra.s32 s13, $0x2  }
0x2bb: {  	s12 =	sadd.s32 s13, s12  }
0x2bc: {  	v0 =	vld [tilespmem:s12+$0x0];
	_ =	sdelay $0x3  }
0x2bd: {  	s13 =	sadd.s32 $0x20, s11  }
0x2be: {  	[tilespmem:s13+$0xFFFFFFF0] =	vst v0  }
0x2bf: {  	v0 =	vld [tilespmem:s12+$0x10];
	_ =	sdelay $0x4  }
0x2c0: {  	s14 =	simm.s32 $0x0;
	[tilespmem:s13+$0x0] =	vst v0  }
0x2c1: {  	[hbm4b:s20+s14] =	stream.linear.scatter [tilespmem:s7], [sflag:$0x3], $0x2000, $0x38;
	[tilespmem:$0x15200] =	vst v63  }
0x2c2: {  	_ =	swait.ge [sflag:s1], $0x2000  }
0x2c3: {  	[sflag:s1] =	ssyncset.done $0x0  }
0x2c4: {  	s13 =	simm.s32 $0x1000;
	[sflag:s1] =	ssyncadd.s32 $0xFFFFE000  }
0x2c5: {  	[tilespmem:s8], [sflag:$0x1] =	stream.indirect.gather [hbm4b:s3+s4], $0x80, s13, s4, $0xb8;
	[tilespmem:$0x15200] =	vst v63  }
0x2c6: {  	_ =	swait.ge [sflag:s9], $0x8000  }
0x2c7: {  	s11 =	sand.u32 $0xFF, s14;
	[sflag:s9] =	ssyncset.done $0x0  }
0x2c8: {  	s11 =	sor.u32 $0x2800, s11;
	[sflag:s9] =	ssyncadd.s32 $0xFFFF8000  }
0x2c9: {  	v0 =	vld.msk [tilespmem:s11+$0x0], $0x1;
	_ =	sdelay $0x4  }
0x2ca: {  	(v2sf) =	vpush v0, $0x0;
	_ =	sdelay $0xe  }
0x2cb: {  	s14 =	spop (v2sf)  }
0x2cc: {  	s11 =	sshll.u32 s14, $0x2  }
0x2cd: {  	s11 =	sshra.s32 s11, $0x2  }
0x2ce: {  	s13 =	sadd.s32 $0xB200, s11  }
0x2cf: {  	v0 =	vld [tilespmem:s13+$0x0];
	_ =	sdelay $0x3  }
0x2d0: {  	s11 =	simm.s32 $0x13210  }
0x2d1: {  	[tilespmem:s11+$0xFFFFFFF0] =	vst v0  }
0x2d2: {  	v0 =	vld [tilespmem:s13+$0x10];
	_ =	sdelay $0x2  }
0x2d3: {  	s14 =	simm.s32 $0x1  }
0x2d4: {  	s12 =	simm.s32 $0xB200;
	s14 =	sand.u32 $0xFF, s14;
	s13 =	simm.s32 $0x2  }
.LBB2_32:
0x2d5: {  	p0 =	sne.s32 s13, $0xFF;
	s14 =	sor.u32 $0x2800, s14;
	[tilespmem:s11+$0x0] =	vst v0  }
0x2d6: {  	v0 =	vld.msk [tilespmem:s14+$0x0], $0x1;
	_ =	sdelay $0x4  }
0x2d7: {  	(v2sf) =	vpush v0, $0x0;
	_ =	sdelay $0xe  }
0x2d8: {  	s14 =	spop (v2sf)  }
0x2d9: {  	s14 =	sshll.u32 s14, $0x2  }
0x2da: {  	s12 =	sadd.s32 $0x80, s12;
	s14 =	sshra.s32 s14, $0x2  }
0x2db: {  	s14 =	sadd.s32 s14, s12  }
0x2dc: {  	v0 =	vld [tilespmem:s14+$0x0];
	_ =	sdelay $0x3  }
0x2dd: {  	s11 =	sadd.s32 $0x20, s11  }
0x2de: {  	[tilespmem:s11+$0xFFFFFFF0] =	vst v0  }
.Ltmp15:
0x2df: {  	v0 =	vld [tilespmem:s14+$0x10];
	(pc) =	sbr.rel @p0 .LBB2_32-.Ltmp15, $2  }
0x2e0: {  	_ =	sdelay $0x2  }
0x2e1: {  	s14 =	sand.u32 $0xFF, s13;
	s13 =	sadd.s32 $0x1, s13  }
0x2e2: {  	s13 =	sor.u32 $0x2800, s14;
	[tilespmem:s11+$0x0] =	vst v0  }
0x2e3: {  	v0 =	vld.msk [tilespmem:s13+$0x0], $0x1;
	_ =	sdelay $0x4  }
0x2e4: {  	(v2sf) =	vpush v0, $0x0;
	_ =	sdelay $0xe  }
0x2e5: {  	s14 =	spop (v2sf)  }
0x2e6: {  	s13 =	sshll.u32 s14, $0x2  }
0x2e7: {  	s12 =	sadd.s32 $0x80, s12;
	s13 =	sshra.s32 s13, $0x2  }
0x2e8: {  	s12 =	sadd.s32 s13, s12  }
0x2e9: {  	v0 =	vld [tilespmem:s12+$0x0];
	_ =	sdelay $0x3  }
0x2ea: {  	s13 =	sadd.s32 $0x20, s11  }
0x2eb: {  	[tilespmem:s13+$0xFFFFFFF0] =	vst v0  }
0x2ec: {  	v0 =	vld [tilespmem:s12+$0x10];
	_ =	sdelay $0x4  }
0x2ed: {  	s14 =	simm.s32 $0x0;
	[tilespmem:s13+$0x0] =	vst v0  }
0x2ee: {  	[hbm4b:s21+s14] =	stream.linear.scatter [tilespmem:s7], [sflag:$0x3], $0x2000, $0x38;
	[tilespmem:$0x15200] =	vst v63  }
0x2ef: {  	_ =	swait.ge [sflag:s1], $0x2000  }
0x2f0: {  	[sflag:s1] =	ssyncset.done $0x0  }
0x2f1: {  	s13 =	simm.s32 $0x1100;
	[sflag:s1] =	ssyncadd.s32 $0xFFFFE000  }
0x2f2: {  	[tilespmem:s5], [sflag:$0x2] =	stream.indirect.gather [hbm4b:s3+s4], $0x80, s13, s4, $0xb8;
	[tilespmem:$0x15200] =	vst v63  }
0x2f3: {  	_ =	swait.ge [sflag:s6], $0x8000  }
0x2f4: {  	s11 =	sand.u32 $0xFF, s14;
	[sflag:s6] =	ssyncset.done $0x0  }
0x2f5: {  	s11 =	sor.u32 $0x2900, s11;
	[sflag:s6] =	ssyncadd.s32 $0xFFFF8000  }
0x2f6: {  	v0 =	vld.msk [tilespmem:s11+$0x0], $0x1;
	_ =	sdelay $0x4  }
0x2f7: {  	(v2sf) =	vpush v0, $0x0;
	_ =	sdelay $0xe  }
0x2f8: {  	s14 =	spop (v2sf)  }
0x2f9: {  	s11 =	sshll.u32 s14, $0x2  }
0x2fa: {  	s11 =	sshra.s32 s11, $0x2  }
0x2fb: {  	s13 =	sadd.s32 $0x3200, s11  }
0x2fc: {  	v0 =	vld [tilespmem:s13+$0x0];
	_ =	sdelay $0x3  }
0x2fd: {  	s11 =	simm.s32 $0x13210  }
0x2fe: {  	[tilespmem:s11+$0xFFFFFFF0] =	vst v0  }
0x2ff: {  	v0 =	vld [tilespmem:s13+$0x10];
	_ =	sdelay $0x2  }
0x300: {  	s14 =	simm.s32 $0x1  }
0x301: {  	s12 =	simm.s32 $0x3200;
	s14 =	sand.u32 $0xFF, s14;
	s13 =	simm.s32 $0x2  }
.LBB2_34:
0x302: {  	p0 =	sne.s32 s13, $0xFF;
	s14 =	sor.u32 $0x2900, s14;
	[tilespmem:s11+$0x0] =	vst v0  }
0x303: {  	v0 =	vld.msk [tilespmem:s14+$0x0], $0x1;
	_ =	sdelay $0x4  }
0x304: {  	(v2sf) =	vpush v0, $0x0;
	_ =	sdelay $0xe  }
0x305: {  	s14 =	spop (v2sf)  }
0x306: {  	s14 =	sshll.u32 s14, $0x2  }
0x307: {  	s12 =	sadd.s32 $0x80, s12;
	s14 =	sshra.s32 s14, $0x2  }
0x308: {  	s14 =	sadd.s32 s14, s12  }
0x309: {  	v0 =	vld [tilespmem:s14+$0x0];
	_ =	sdelay $0x3  }
0x30a: {  	s11 =	sadd.s32 $0x20, s11  }
0x30b: {  	[tilespmem:s11+$0xFFFFFFF0] =	vst v0  }
.Ltmp16:
0x30c: {  	v0 =	vld [tilespmem:s14+$0x10];
	(pc) =	sbr.rel @p0 .LBB2_34-.Ltmp16, $2  }
0x30d: {  	_ =	sdelay $0x2  }
0x30e: {  	s14 =	sand.u32 $0xFF, s13;
	s13 =	sadd.s32 $0x1, s13  }
0x30f: {  	s13 =	sor.u32 $0x2900, s14;
	[tilespmem:s11+$0x0] =	vst v0  }
0x310: {  	v0 =	vld.msk [tilespmem:s13+$0x0], $0x1;
	_ =	sdelay $0x4  }
0x311: {  	(v2sf) =	vpush v0, $0x0;
	_ =	sdelay $0xe  }
0x312: {  	s14 =	spop (v2sf)  }
0x313: {  	s13 =	sshll.u32 s14, $0x2  }
0x314: {  	s12 =	sadd.s32 $0x80, s12;
	s13 =	sshra.s32 s13, $0x2  }
0x315: {  	s12 =	sadd.s32 s13, s12  }
0x316: {  	v0 =	vld [tilespmem:s12+$0x0];
	_ =	sdelay $0x3  }
0x317: {  	s13 =	sadd.s32 $0x20, s11  }
0x318: {  	[tilespmem:s13+$0xFFFFFFF0] =	vst v0  }
0x319: {  	v0 =	vld [tilespmem:s12+$0x10];
	_ =	sdelay $0x4  }
0x31a: {  	s14 =	simm.s32 $0x0;
	[tilespmem:s13+$0x0] =	vst v0  }
0x31b: {  	[hbm4b:s22+s14] =	stream.linear.scatter [tilespmem:s7], [sflag:$0x3], $0x2000, $0x38;
	[tilespmem:$0x15200] =	vst v63  }
0x31c: {  	_ =	swait.ge [sflag:s1], $0x2000  }
0x31d: {  	[sflag:s1] =	ssyncset.done $0x0  }
0x31e: {  	s13 =	simm.s32 $0x1200;
	[sflag:s1] =	ssyncadd.s32 $0xFFFFE000  }
0x31f: {  	[tilespmem:s8], [sflag:$0x1] =	stream.indirect.gather [hbm4b:s3+s4], $0x80, s13, s4, $0xb8;
	[tilespmem:$0x15200] =	vst v63  }
0x320: {  	_ =	swait.ge [sflag:s9], $0x8000  }
0x321: {  	s11 =	sand.u32 $0xFF, s14;
	[sflag:s9] =	ssyncset.done $0x0  }
0x322: {  	s11 =	sor.u32 $0x2A00, s11;
	[sflag:s9] =	ssyncadd.s32 $0xFFFF8000  }
0x323: {  	v0 =	vld.msk [tilespmem:s11+$0x0], $0x1;
	_ =	sdelay $0x4  }
0x324: {  	(v2sf) =	vpush v0, $0x0;
	_ =	sdelay $0xe  }
0x325: {  	s14 =	spop (v2sf)  }
0x326: {  	s11 =	sshll.u32 s14, $0x2  }
0x327: {  	s11 =	sshra.s32 s11, $0x2  }
0x328: {  	s13 =	sadd.s32 $0xB200, s11  }
0x329: {  	v0 =	vld [tilespmem:s13+$0x0];
	_ =	sdelay $0x3  }
0x32a: {  	s11 =	simm.s32 $0x13210  }
0x32b: {  	[tilespmem:s11+$0xFFFFFFF0] =	vst v0  }
0x32c: {  	v0 =	vld [tilespmem:s13+$0x10];
	_ =	sdelay $0x2  }
0x32d: {  	s14 =	simm.s32 $0x1  }
0x32e: {  	s12 =	simm.s32 $0xB200;
	s14 =	sand.u32 $0xFF, s14;
	s13 =	simm.s32 $0x2  }
.LBB2_36:
0x32f: {  	p0 =	sne.s32 s13, $0xFF;
	s14 =	sor.u32 $0x2A00, s14;
	[tilespmem:s11+$0x0] =	vst v0  }
0x330: {  	v0 =	vld.msk [tilespmem:s14+$0x0], $0x1;
	_ =	sdelay $0x4  }
0x331: {  	(v2sf) =	vpush v0, $0x0;
	_ =	sdelay $0xe  }
0x332: {  	s14 =	spop (v2sf)  }
0x333: {  	s14 =	sshll.u32 s14, $0x2  }
0x334: {  	s12 =	sadd.s32 $0x80, s12;
	s14 =	sshra.s32 s14, $0x2  }
0x335: {  	s14 =	sadd.s32 s14, s12  }
0x336: {  	v0 =	vld [tilespmem:s14+$0x0];
	_ =	sdelay $0x3  }
0x337: {  	s11 =	sadd.s32 $0x20, s11  }
0x338: {  	[tilespmem:s11+$0xFFFFFFF0] =	vst v0  }
.Ltmp17:
0x339: {  	v0 =	vld [tilespmem:s14+$0x10];
	(pc) =	sbr.rel @p0 .LBB2_36-.Ltmp17, $2  }
0x33a: {  	_ =	sdelay $0x2  }
0x33b: {  	s14 =	sand.u32 $0xFF, s13;
	s13 =	sadd.s32 $0x1, s13  }
0x33c: {  	s13 =	sor.u32 $0x2A00, s14;
	[tilespmem:s11+$0x0] =	vst v0  }
0x33d: {  	v0 =	vld.msk [tilespmem:s13+$0x0], $0x1;
	_ =	sdelay $0x4  }
0x33e: {  	(v2sf) =	vpush v0, $0x0;
	_ =	sdelay $0xe  }
0x33f: {  	s14 =	spop (v2sf)  }
0x340: {  	s13 =	sshll.u32 s14, $0x2  }
0x341: {  	s12 =	sadd.s32 $0x80, s12;
	s13 =	sshra.s32 s13, $0x2  }
0x342: {  	s12 =	sadd.s32 s13, s12  }
0x343: {  	v0 =	vld [tilespmem:s12+$0x0];
	_ =	sdelay $0x3  }
0x344: {  	s13 =	sadd.s32 $0x20, s11  }
0x345: {  	[tilespmem:s13+$0xFFFFFFF0] =	vst v0  }
0x346: {  	v0 =	vld [tilespmem:s12+$0x10];
	_ =	sdelay $0x4  }
0x347: {  	s14 =	simm.s32 $0x0;
	[tilespmem:s13+$0x0] =	vst v0  }
0x348: {  	[hbm4b:s23+s14] =	stream.linear.scatter [tilespmem:s7], [sflag:$0x3], $0x2000, $0x38;
	[tilespmem:$0x15200] =	vst v63  }
0x349: {  	_ =	swait.ge [sflag:s1], $0x2000  }
0x34a: {  	[sflag:s1] =	ssyncset.done $0x0  }
0x34b: {  	s13 =	simm.s32 $0x1300;
	[sflag:s1] =	ssyncadd.s32 $0xFFFFE000  }
0x34c: {  	[tilespmem:s5], [sflag:$0x2] =	stream.indirect.gather [hbm4b:s3+s4], $0x80, s13, s4, $0xb8;
	[tilespmem:$0x15200] =	vst v63  }
0x34d: {  	_ =	swait.ge [sflag:s6], $0x8000  }
0x34e: {  	s11 =	sand.u32 $0xFF, s14;
	[sflag:s6] =	ssyncset.done $0x0  }
0x34f: {  	s11 =	sor.u32 $0x2B00, s11;
	[sflag:s6] =	ssyncadd.s32 $0xFFFF8000  }
0x350: {  	v0 =	vld.msk [tilespmem:s11+$0x0], $0x1;
	_ =	sdelay $0x4  }
0x351: {  	(v2sf) =	vpush v0, $0x0;
	_ =	sdelay $0xe  }
0x352: {  	s14 =	spop (v2sf)  }
0x353: {  	s11 =	sshll.u32 s14, $0x2  }
0x354: {  	s11 =	sshra.s32 s11, $0x2  }
0x355: {  	s13 =	sadd.s32 $0x3200, s11  }
0x356: {  	v0 =	vld [tilespmem:s13+$0x0];
	_ =	sdelay $0x3  }
0x357: {  	s11 =	simm.s32 $0x13210  }
0x358: {  	[tilespmem:s11+$0xFFFFFFF0] =	vst v0  }
0x359: {  	v0 =	vld [tilespmem:s13+$0x10];
	_ =	sdelay $0x2  }
0x35a: {  	s14 =	simm.s32 $0x1  }
0x35b: {  	s12 =	simm.s32 $0x3200;
	s14 =	sand.u32 $0xFF, s14;
	s13 =	simm.s32 $0x2  }
.LBB2_38:
0x35c: {  	p0 =	sne.s32 s13, $0xFF;
	s14 =	sor.u32 $0x2B00, s14;
	[tilespmem:s11+$0x0] =	vst v0  }
0x35d: {  	v0 =	vld.msk [tilespmem:s14+$0x0], $0x1;
	_ =	sdelay $0x4  }
0x35e: {  	(v2sf) =	vpush v0, $0x0;
	_ =	sdelay $0xe  }
0x35f: {  	s14 =	spop (v2sf)  }
0x360: {  	s14 =	sshll.u32 s14, $0x2  }
0x361: {  	s12 =	sadd.s32 $0x80, s12;
	s14 =	sshra.s32 s14, $0x2  }
0x362: {  	s14 =	sadd.s32 s14, s12  }
0x363: {  	v0 =	vld [tilespmem:s14+$0x0];
	_ =	sdelay $0x3  }
0x364: {  	s11 =	sadd.s32 $0x20, s11  }
0x365: {  	[tilespmem:s11+$0xFFFFFFF0] =	vst v0  }
.Ltmp18:
0x366: {  	v0 =	vld [tilespmem:s14+$0x10];
	(pc) =	sbr.rel @p0 .LBB2_38-.Ltmp18, $2  }
0x367: {  	_ =	sdelay $0x2  }
0x368: {  	s14 =	sand.u32 $0xFF, s13;
	s13 =	sadd.s32 $0x1, s13  }
0x369: {  	s13 =	sor.u32 $0x2B00, s14;
	[tilespmem:s11+$0x0] =	vst v0  }
0x36a: {  	v0 =	vld.msk [tilespmem:s13+$0x0], $0x1;
	_ =	sdelay $0x4  }
0x36b: {  	(v2sf) =	vpush v0, $0x0;
	_ =	sdelay $0xe  }
0x36c: {  	s14 =	spop (v2sf)  }
0x36d: {  	s13 =	sshll.u32 s14, $0x2  }
0x36e: {  	s12 =	sadd.s32 $0x80, s12;
	s13 =	sshra.s32 s13, $0x2  }
0x36f: {  	s12 =	sadd.s32 s13, s12  }
0x370: {  	v0 =	vld [tilespmem:s12+$0x0];
	_ =	sdelay $0x3  }
0x371: {  	s13 =	sadd.s32 $0x20, s11  }
0x372: {  	[tilespmem:s13+$0xFFFFFFF0] =	vst v0  }
0x373: {  	v0 =	vld [tilespmem:s12+$0x10];
	_ =	sdelay $0x4  }
0x374: {  	s14 =	simm.s32 $0x0;
	[tilespmem:s13+$0x0] =	vst v0  }
0x375: {  	[hbm4b:s24+s14] =	stream.linear.scatter [tilespmem:s7], [sflag:$0x3], $0x2000, $0x38;
	[tilespmem:$0x15200] =	vst v63  }
0x376: {  	_ =	swait.ge [sflag:s1], $0x2000  }
0x377: {  	[sflag:s1] =	ssyncset.done $0x0  }
0x378: {  	s13 =	simm.s32 $0x1400;
	[sflag:s1] =	ssyncadd.s32 $0xFFFFE000  }
0x379: {  	[tilespmem:s8], [sflag:$0x1] =	stream.indirect.gather [hbm4b:s3+s4], $0x80, s13, s4, $0xb8;
	[tilespmem:$0x15200] =	vst v63  }
0x37a: {  	_ =	swait.ge [sflag:s9], $0x8000  }
0x37b: {  	s11 =	sand.u32 $0xFF, s14;
	[sflag:s9] =	ssyncset.done $0x0  }
0x37c: {  	s11 =	sor.u32 $0x2C00, s11;
	[sflag:s9] =	ssyncadd.s32 $0xFFFF8000  }
0x37d: {  	v0 =	vld.msk [tilespmem:s11+$0x0], $0x1;
	_ =	sdelay $0x4  }
0x37e: {  	(v2sf) =	vpush v0, $0x0;
	_ =	sdelay $0xe  }
0x37f: {  	s14 =	spop (v2sf)  }
0x380: {  	s11 =	sshll.u32 s14, $0x2  }
0x381: {  	s11 =	sshra.s32 s11, $0x2  }
0x382: {  	s13 =	sadd.s32 $0xB200, s11  }
0x383: {  	v0 =	vld [tilespmem:s13+$0x0];
	_ =	sdelay $0x3  }
0x384: {  	s11 =	simm.s32 $0x13210  }
0x385: {  	[tilespmem:s11+$0xFFFFFFF0] =	vst v0  }
0x386: {  	v0 =	vld [tilespmem:s13+$0x10];
	_ =	sdelay $0x2  }
0x387: {  	s14 =	simm.s32 $0x1  }
0x388: {  	s12 =	simm.s32 $0xB200;
	s14 =	sand.u32 $0xFF, s14;
	s13 =	simm.s32 $0x2  }
.LBB2_40:
0x389: {  	p0 =	sne.s32 s13, $0xFF;
	s14 =	sor.u32 $0x2C00, s14;
	[tilespmem:s11+$0x0] =	vst v0  }
0x38a: {  	v0 =	vld.msk [tilespmem:s14+$0x0], $0x1;
	_ =	sdelay $0x4  }
0x38b: {  	(v2sf) =	vpush v0, $0x0;
	_ =	sdelay $0xe  }
0x38c: {  	s14 =	spop (v2sf)  }
0x38d: {  	s14 =	sshll.u32 s14, $0x2  }
0x38e: {  	s12 =	sadd.s32 $0x80, s12;
	s14 =	sshra.s32 s14, $0x2  }
0x38f: {  	s14 =	sadd.s32 s14, s12  }
0x390: {  	v0 =	vld [tilespmem:s14+$0x0];
	_ =	sdelay $0x3  }
0x391: {  	s11 =	sadd.s32 $0x20, s11  }
0x392: {  	[tilespmem:s11+$0xFFFFFFF0] =	vst v0  }
.Ltmp19:
0x393: {  	v0 =	vld [tilespmem:s14+$0x10];
	(pc) =	sbr.rel @p0 .LBB2_40-.Ltmp19, $2  }
0x394: {  	_ =	sdelay $0x2  }
0x395: {  	s14 =	sand.u32 $0xFF, s13;
	s13 =	sadd.s32 $0x1, s13  }
0x396: {  	s13 =	sor.u32 $0x2C00, s14;
	[tilespmem:s11+$0x0] =	vst v0  }
0x397: {  	v0 =	vld.msk [tilespmem:s13+$0x0], $0x1;
	_ =	sdelay $0x4  }
0x398: {  	(v2sf) =	vpush v0, $0x0;
	_ =	sdelay $0xe  }
0x399: {  	s14 =	spop (v2sf)  }
0x39a: {  	s13 =	sshll.u32 s14, $0x2  }
0x39b: {  	s12 =	sadd.s32 $0x80, s12;
	s13 =	sshra.s32 s13, $0x2  }
0x39c: {  	s12 =	sadd.s32 s13, s12  }
0x39d: {  	v0 =	vld [tilespmem:s12+$0x0];
	_ =	sdelay $0x3  }
0x39e: {  	s13 =	sadd.s32 $0x20, s11  }
0x39f: {  	[tilespmem:s13+$0xFFFFFFF0] =	vst v0  }
0x3a0: {  	v0 =	vld [tilespmem:s12+$0x10];
	_ =	sdelay $0x4  }
0x3a1: {  	s14 =	simm.s32 $0x0;
	[tilespmem:s13+$0x0] =	vst v0  }
0x3a2: {  	[hbm4b:s25+s14] =	stream.linear.scatter [tilespmem:s7], [sflag:$0x3], $0x2000, $0x38;
	[tilespmem:$0x15200] =	vst v63  }
0x3a3: {  	_ =	swait.ge [sflag:s1], $0x2000  }
0x3a4: {  	[sflag:s1] =	ssyncset.done $0x0  }
0x3a5: {  	s13 =	simm.s32 $0x1500;
	[sflag:s1] =	ssyncadd.s32 $0xFFFFE000  }
0x3a6: {  	[tilespmem:s5], [sflag:$0x2] =	stream.indirect.gather [hbm4b:s3+s4], $0x80, s13, s4, $0xb8;
	[tilespmem:$0x15200] =	vst v63  }
0x3a7: {  	_ =	swait.ge [sflag:s6], $0x8000  }
0x3a8: {  	s11 =	sand.u32 $0xFF, s14;
	[sflag:s6] =	ssyncset.done $0x0  }
0x3a9: {  	s11 =	sor.u32 $0x2D00, s11;
	[sflag:s6] =	ssyncadd.s32 $0xFFFF8000  }
0x3aa: {  	v0 =	vld.msk [tilespmem:s11+$0x0], $0x1;
	_ =	sdelay $0x4  }
0x3ab: {  	(v2sf) =	vpush v0, $0x0;
	_ =	sdelay $0xe  }
0x3ac: {  	s14 =	spop (v2sf)  }
0x3ad: {  	s11 =	sshll.u32 s14, $0x2  }
0x3ae: {  	s11 =	sshra.s32 s11, $0x2  }
0x3af: {  	s13 =	sadd.s32 $0x3200, s11  }
0x3b0: {  	v0 =	vld [tilespmem:s13+$0x0];
	_ =	sdelay $0x3  }
0x3b1: {  	s11 =	simm.s32 $0x13210  }
0x3b2: {  	[tilespmem:s11+$0xFFFFFFF0] =	vst v0  }
0x3b3: {  	v0 =	vld [tilespmem:s13+$0x10];
	_ =	sdelay $0x2  }
0x3b4: {  	s14 =	simm.s32 $0x1  }
0x3b5: {  	s12 =	simm.s32 $0x3200;
	s14 =	sand.u32 $0xFF, s14;
	s13 =	simm.s32 $0x2  }
.LBB2_42:
0x3b6: {  	p0 =	sne.s32 s13, $0xFF;
	s14 =	sor.u32 $0x2D00, s14;
	[tilespmem:s11+$0x0] =	vst v0  }
0x3b7: {  	v0 =	vld.msk [tilespmem:s14+$0x0], $0x1;
	_ =	sdelay $0x4  }
0x3b8: {  	(v2sf) =	vpush v0, $0x0;
	_ =	sdelay $0xe  }
0x3b9: {  	s14 =	spop (v2sf)  }
0x3ba: {  	s14 =	sshll.u32 s14, $0x2  }
0x3bb: {  	s12 =	sadd.s32 $0x80, s12;
	s14 =	sshra.s32 s14, $0x2  }
0x3bc: {  	s14 =	sadd.s32 s14, s12  }
0x3bd: {  	v0 =	vld [tilespmem:s14+$0x0];
	_ =	sdelay $0x3  }
0x3be: {  	s11 =	sadd.s32 $0x20, s11  }
0x3bf: {  	[tilespmem:s11+$0xFFFFFFF0] =	vst v0  }
.Ltmp20:
0x3c0: {  	v0 =	vld [tilespmem:s14+$0x10];
	(pc) =	sbr.rel @p0 .LBB2_42-.Ltmp20, $2  }
0x3c1: {  	_ =	sdelay $0x2  }
0x3c2: {  	s14 =	sand.u32 $0xFF, s13;
	s13 =	sadd.s32 $0x1, s13  }
0x3c3: {  	s13 =	sor.u32 $0x2D00, s14;
	[tilespmem:s11+$0x0] =	vst v0  }
0x3c4: {  	v0 =	vld.msk [tilespmem:s13+$0x0], $0x1;
	_ =	sdelay $0x4  }
0x3c5: {  	(v2sf) =	vpush v0, $0x0;
	_ =	sdelay $0xe  }
0x3c6: {  	s14 =	spop (v2sf)  }
0x3c7: {  	s13 =	sshll.u32 s14, $0x2  }
0x3c8: {  	s12 =	sadd.s32 $0x80, s12;
	s13 =	sshra.s32 s13, $0x2  }
0x3c9: {  	s12 =	sadd.s32 s13, s12  }
0x3ca: {  	v0 =	vld [tilespmem:s12+$0x0];
	_ =	sdelay $0x3  }
0x3cb: {  	s13 =	sadd.s32 $0x20, s11  }
0x3cc: {  	[tilespmem:s13+$0xFFFFFFF0] =	vst v0  }
0x3cd: {  	v0 =	vld [tilespmem:s12+$0x10];
	_ =	sdelay $0x4  }
0x3ce: {  	s14 =	simm.s32 $0x0;
	[tilespmem:s13+$0x0] =	vst v0  }
0x3cf: {  	[hbm4b:s26+s14] =	stream.linear.scatter [tilespmem:s7], [sflag:$0x3], $0x2000, $0x38;
	[tilespmem:$0x15200] =	vst v63  }
0x3d0: {  	_ =	swait.ge [sflag:s1], $0x2000  }
0x3d1: {  	[sflag:s1] =	ssyncset.done $0x0  }
0x3d2: {  	s13 =	simm.s32 $0x1600;
	[sflag:s1] =	ssyncadd.s32 $0xFFFFE000  }
0x3d3: {  	[tilespmem:s8], [sflag:$0x1] =	stream.indirect.gather [hbm4b:s3+s4], $0x80, s13, s4, $0xb8;
	[tilespmem:$0x15200] =	vst v63  }
0x3d4: {  	_ =	swait.ge [sflag:s9], $0x8000  }
0x3d5: {  	s11 =	sand.u32 $0xFF, s14;
	[sflag:s9] =	ssyncset.done $0x0  }
0x3d6: {  	s11 =	sor.u32 $0x2E00, s11;
	[sflag:s9] =	ssyncadd.s32 $0xFFFF8000  }
0x3d7: {  	v0 =	vld.msk [tilespmem:s11+$0x0], $0x1;
	_ =	sdelay $0x4  }
0x3d8: {  	(v2sf) =	vpush v0, $0x0;
	_ =	sdelay $0xe  }
0x3d9: {  	s14 =	spop (v2sf)  }
0x3da: {  	s11 =	sshll.u32 s14, $0x2  }
0x3db: {  	s11 =	sshra.s32 s11, $0x2  }
0x3dc: {  	s13 =	sadd.s32 $0xB200, s11  }
0x3dd: {  	v0 =	vld [tilespmem:s13+$0x0];
	_ =	sdelay $0x3  }
0x3de: {  	s11 =	simm.s32 $0x13210  }
0x3df: {  	[tilespmem:s11+$0xFFFFFFF0] =	vst v0  }
0x3e0: {  	v0 =	vld [tilespmem:s13+$0x10];
	_ =	sdelay $0x2  }
0x3e1: {  	s14 =	simm.s32 $0x1  }
0x3e2: {  	s12 =	simm.s32 $0xB200;
	s14 =	sand.u32 $0xFF, s14;
	s13 =	simm.s32 $0x2  }
.LBB2_44:
0x3e3: {  	p0 =	sne.s32 s13, $0xFF;
	s14 =	sor.u32 $0x2E00, s14;
	[tilespmem:s11+$0x0] =	vst v0  }
0x3e4: {  	v0 =	vld.msk [tilespmem:s14+$0x0], $0x1;
	_ =	sdelay $0x4  }
0x3e5: {  	(v2sf) =	vpush v0, $0x0;
	_ =	sdelay $0xe  }
0x3e6: {  	s14 =	spop (v2sf)  }
0x3e7: {  	s14 =	sshll.u32 s14, $0x2  }
0x3e8: {  	s12 =	sadd.s32 $0x80, s12;
	s14 =	sshra.s32 s14, $0x2  }
0x3e9: {  	s14 =	sadd.s32 s14, s12  }
0x3ea: {  	v0 =	vld [tilespmem:s14+$0x0];
	_ =	sdelay $0x3  }
0x3eb: {  	s11 =	sadd.s32 $0x20, s11  }
0x3ec: {  	[tilespmem:s11+$0xFFFFFFF0] =	vst v0  }
.Ltmp21:
0x3ed: {  	v0 =	vld [tilespmem:s14+$0x10];
	(pc) =	sbr.rel @p0 .LBB2_44-.Ltmp21, $2  }
0x3ee: {  	_ =	sdelay $0x2  }
0x3ef: {  	s14 =	sand.u32 $0xFF, s13;
	s13 =	sadd.s32 $0x1, s13  }
0x3f0: {  	s13 =	sor.u32 $0x2E00, s14;
	[tilespmem:s11+$0x0] =	vst v0  }
0x3f1: {  	v0 =	vld.msk [tilespmem:s13+$0x0], $0x1;
	_ =	sdelay $0x4  }
0x3f2: {  	(v2sf) =	vpush v0, $0x0;
	_ =	sdelay $0xe  }
0x3f3: {  	s14 =	spop (v2sf)  }
0x3f4: {  	s13 =	sshll.u32 s14, $0x2  }
0x3f5: {  	s12 =	sadd.s32 $0x80, s12;
	s13 =	sshra.s32 s13, $0x2  }
0x3f6: {  	s12 =	sadd.s32 s13, s12  }
0x3f7: {  	v0 =	vld [tilespmem:s12+$0x0];
	_ =	sdelay $0x3  }
0x3f8: {  	s13 =	sadd.s32 $0x20, s11  }
0x3f9: {  	[tilespmem:s13+$0xFFFFFFF0] =	vst v0  }
0x3fa: {  	v0 =	vld [tilespmem:s12+$0x10];
	_ =	sdelay $0x4  }
0x3fb: {  	s14 =	simm.s32 $0x0;
	[tilespmem:s13+$0x0] =	vst v0  }
0x3fc: {  	[hbm4b:s28+s14] =	stream.linear.scatter [tilespmem:s7], [sflag:$0x3], $0x2000, $0x38;
	[tilespmem:$0x15200] =	vst v63  }
0x3fd: {  	_ =	swait.ge [sflag:s1], $0x2000  }
0x3fe: {  	[sflag:s1] =	ssyncset.done $0x0  }
0x3ff: {  	s13 =	simm.s32 $0x1700;
	[sflag:s1] =	ssyncadd.s32 $0xFFFFE000  }
0x400: {  	[tilespmem:s5], [sflag:$0x2] =	stream.indirect.gather [hbm4b:s3+s4], $0x80, s13, s4, $0xb8;
	[tilespmem:$0x15200] =	vst v63  }
0x401: {  	_ =	swait.ge [sflag:s6], $0x8000  }
0x402: {  	s11 =	sand.u32 $0xFF, s14;
	[sflag:s6] =	ssyncset.done $0x0  }
0x403: {  	s11 =	sor.u32 $0x2F00, s11;
	[sflag:s6] =	ssyncadd.s32 $0xFFFF8000  }
0x404: {  	v0 =	vld.msk [tilespmem:s11+$0x0], $0x1;
	_ =	sdelay $0x4  }
0x405: {  	(v2sf) =	vpush v0, $0x0;
	_ =	sdelay $0xe  }
0x406: {  	s14 =	spop (v2sf)  }
0x407: {  	s11 =	sshll.u32 s14, $0x2  }
0x408: {  	s11 =	sshra.s32 s11, $0x2  }
0x409: {  	s13 =	sadd.s32 $0x3200, s11  }
0x40a: {  	v0 =	vld [tilespmem:s13+$0x0];
	_ =	sdelay $0x3  }
0x40b: {  	s11 =	simm.s32 $0x13210  }
0x40c: {  	[tilespmem:s11+$0xFFFFFFF0] =	vst v0  }
0x40d: {  	v0 =	vld [tilespmem:s13+$0x10];
	_ =	sdelay $0x2  }
0x40e: {  	s14 =	simm.s32 $0x1  }
0x40f: {  	s12 =	simm.s32 $0x3200;
	s14 =	sand.u32 $0xFF, s14;
	s13 =	simm.s32 $0x2  }
.LBB2_46:
0x410: {  	p0 =	sne.s32 s13, $0xFF;
	s14 =	sor.u32 $0x2F00, s14;
	[tilespmem:s11+$0x0] =	vst v0  }
0x411: {  	v0 =	vld.msk [tilespmem:s14+$0x0], $0x1;
	_ =	sdelay $0x4  }
0x412: {  	(v2sf) =	vpush v0, $0x0;
	_ =	sdelay $0xe  }
0x413: {  	s14 =	spop (v2sf)  }
0x414: {  	s14 =	sshll.u32 s14, $0x2  }
0x415: {  	s12 =	sadd.s32 $0x80, s12;
	s14 =	sshra.s32 s14, $0x2  }
0x416: {  	s14 =	sadd.s32 s14, s12  }
0x417: {  	v0 =	vld [tilespmem:s14+$0x0];
	_ =	sdelay $0x3  }
0x418: {  	s11 =	sadd.s32 $0x20, s11  }
0x419: {  	[tilespmem:s11+$0xFFFFFFF0] =	vst v0  }
.Ltmp22:
0x41a: {  	v0 =	vld [tilespmem:s14+$0x10];
	(pc) =	sbr.rel @p0 .LBB2_46-.Ltmp22, $2  }
0x41b: {  	_ =	sdelay $0x2  }
0x41c: {  	s14 =	sand.u32 $0xFF, s13;
	s13 =	sadd.s32 $0x1, s13  }
0x41d: {  	s13 =	sor.u32 $0x2F00, s14;
	[tilespmem:s11+$0x0] =	vst v0  }
0x41e: {  	v0 =	vld.msk [tilespmem:s13+$0x0], $0x1;
	_ =	sdelay $0x4  }
0x41f: {  	(v2sf) =	vpush v0, $0x0;
	_ =	sdelay $0xe  }
0x420: {  	s14 =	spop (v2sf)  }
0x421: {  	s13 =	sshll.u32 s14, $0x2  }
0x422: {  	s12 =	sadd.s32 $0x80, s12;
	s13 =	sshra.s32 s13, $0x2  }
0x423: {  	s12 =	sadd.s32 s13, s12  }
0x424: {  	v0 =	vld [tilespmem:s12+$0x0];
	_ =	sdelay $0x3  }
0x425: {  	s13 =	sadd.s32 $0x20, s11  }
0x426: {  	[tilespmem:s13+$0xFFFFFFF0] =	vst v0  }
0x427: {  	v0 =	vld [tilespmem:s12+$0x10];
	_ =	sdelay $0x4  }
0x428: {  	s14 =	simm.s32 $0x0;
	[tilespmem:s13+$0x0] =	vst v0  }
0x429: {  	[hbm4b:s29+s14] =	stream.linear.scatter [tilespmem:s7], [sflag:$0x3], $0x2000, $0x38;
	[tilespmem:$0x15200] =	vst v63  }
0x42a: {  	_ =	swait.ge [sflag:s1], $0x2000  }
0x42b: {  	[sflag:s1] =	ssyncset.done $0x0  }
0x42c: {  	s13 =	simm.s32 $0x1800;
	[sflag:s1] =	ssyncadd.s32 $0xFFFFE000  }
0x42d: {  	[tilespmem:s8], [sflag:$0x1] =	stream.indirect.gather [hbm4b:s3+s4], $0x80, s13, s4, $0xb8;
	[tilespmem:$0x15200] =	vst v63  }
0x42e: {  	_ =	swait.ge [sflag:s9], $0x8000  }
0x42f: {  	s11 =	sand.u32 $0xFF, s14;
	[sflag:s9] =	ssyncset.done $0x0  }
0x430: {  	s11 =	sor.u32 $0x3000, s11;
	[sflag:s9] =	ssyncadd.s32 $0xFFFF8000  }
0x431: {  	v0 =	vld.msk [tilespmem:s11+$0x0], $0x1;
	_ =	sdelay $0x4  }
0x432: {  	(v2sf) =	vpush v0, $0x0;
	_ =	sdelay $0xe  }
0x433: {  	s14 =	spop (v2sf)  }
0x434: {  	s11 =	sshll.u32 s14, $0x2  }
0x435: {  	s11 =	sshra.s32 s11, $0x2  }
0x436: {  	s13 =	sadd.s32 $0xB200, s11  }
0x437: {  	v0 =	vld [tilespmem:s13+$0x0];
	_ =	sdelay $0x3  }
0x438: {  	s11 =	simm.s32 $0x13210  }
0x439: {  	[tilespmem:s11+$0xFFFFFFF0] =	vst v0  }
0x43a: {  	v0 =	vld [tilespmem:s13+$0x10];
	_ =	sdelay $0x2  }
0x43b: {  	s14 =	simm.s32 $0x1  }
0x43c: {  	s12 =	simm.s32 $0xB200;
	s14 =	sand.u32 $0xFF, s14;
	s13 =	simm.s32 $0x2  }
.LBB2_48:
0x43d: {  	p0 =	sne.s32 s13, $0xFF;
	s14 =	sor.u32 $0x3000, s14;
	[tilespmem:s11+$0x0] =	vst v0  }
0x43e: {  	v0 =	vld.msk [tilespmem:s14+$0x0], $0x1;
	_ =	sdelay $0x4  }
0x43f: {  	(v2sf) =	vpush v0, $0x0;
	_ =	sdelay $0xe  }
0x440: {  	s14 =	spop (v2sf)  }
0x441: {  	s14 =	sshll.u32 s14, $0x2  }
0x442: {  	s12 =	sadd.s32 $0x80, s12;
	s14 =	sshra.s32 s14, $0x2  }
0x443: {  	s14 =	sadd.s32 s14, s12  }
0x444: {  	v0 =	vld [tilespmem:s14+$0x0];
	_ =	sdelay $0x3  }
0x445: {  	s11 =	sadd.s32 $0x20, s11  }
0x446: {  	[tilespmem:s11+$0xFFFFFFF0] =	vst v0  }
.Ltmp23:
0x447: {  	v0 =	vld [tilespmem:s14+$0x10];
	(pc) =	sbr.rel @p0 .LBB2_48-.Ltmp23, $2  }
0x448: {  	_ =	sdelay $0x2  }
0x449: {  	s14 =	sand.u32 $0xFF, s13;
	s13 =	sadd.s32 $0x1, s13  }
0x44a: {  	s13 =	sor.u32 $0x3000, s14;
	[tilespmem:s11+$0x0] =	vst v0  }
0x44b: {  	v0 =	vld.msk [tilespmem:s13+$0x0], $0x1;
	_ =	sdelay $0x4  }
0x44c: {  	(v2sf) =	vpush v0, $0x0;
	_ =	sdelay $0xe  }
0x44d: {  	s14 =	spop (v2sf)  }
0x44e: {  	s13 =	sshll.u32 s14, $0x2  }
0x44f: {  	s12 =	sadd.s32 $0x80, s12;
	s13 =	sshra.s32 s13, $0x2  }
0x450: {  	s12 =	sadd.s32 s13, s12  }
0x451: {  	v0 =	vld [tilespmem:s12+$0x0];
	_ =	sdelay $0x3  }
0x452: {  	s14 =	sadd.s32 $0x20, s11  }
0x453: {  	[tilespmem:s14+$0xFFFFFFF0] =	vst v0  }
0x454: {  	v0 =	vld [tilespmem:s12+$0x10];
	_ =	sdelay $0x4  }
0x455: {  	s13 =	simm.s32 $0x0;
	[tilespmem:s14+$0x0] =	vst v0  }
0x456: {  	[hbm4b:s30+s13] =	stream.linear.scatter [tilespmem:s7], [sflag:$0x3], $0x2000, $0x38;
	[tilespmem:$0x15200] =	vst v63  }
0x457: {  	_ =	swait.ge [sflag:s1], $0x2000  }
0x458: {  	[sflag:s1] =	ssyncset.done $0x0  }
0x459: {  	[sflag:s1] =	ssyncadd.s32 $0xFFFFE000  }
0x45a: {  	_ =	swait.ge [sflag:s6], $0x8000  }
0x45b: {  	s11 =	sand.u32 $0xFF, s13;
	[sflag:s6] =	ssyncset.done $0x0  }
0x45c: {  	s11 =	sor.u32 $0x3100, s11;
	[sflag:s6] =	ssyncadd.s32 $0xFFFF8000  }
0x45d: {  	v0 =	vld.msk [tilespmem:s11+$0x0], $0x1;
	_ =	sdelay $0x4  }
0x45e: {  	(v2sf) =	vpush v0, $0x0;
	_ =	sdelay $0xe  }
0x45f: {  	s14 =	spop (v2sf)  }
0x460: {  	s11 =	sshll.u32 s14, $0x2  }
0x461: {  	s11 =	sshra.s32 s11, $0x2  }
0x462: {  	s13 =	sadd.s32 $0x3200, s11  }
0x463: {  	v0 =	vld [tilespmem:s13+$0x0];
	_ =	sdelay $0x3  }
0x464: {  	s11 =	simm.s32 $0x13210  }
0x465: {  	[tilespmem:s11+$0xFFFFFFF0] =	vst v0  }
0x466: {  	v0 =	vld [tilespmem:s13+$0x10];
	_ =	sdelay $0x2  }
0x467: {  	s14 =	simm.s32 $0x1  }
0x468: {  	s12 =	simm.s32 $0x3200;
	s14 =	sand.u32 $0xFF, s14;
	s13 =	simm.s32 $0x2  }
.LBB2_50:
0x469: {  	p0 =	sne.s32 s13, $0xFF;
	s14 =	sor.u32 $0x3100, s14;
	[tilespmem:s11+$0x0] =	vst v0  }
0x46a: {  	v0 =	vld.msk [tilespmem:s14+$0x0], $0x1;
	_ =	sdelay $0x4  }
0x46b: {  	(v2sf) =	vpush v0, $0x0;
	_ =	sdelay $0xe  }
0x46c: {  	s14 =	spop (v2sf)  }
0x46d: {  	s14 =	sshll.u32 s14, $0x2  }
0x46e: {  	s12 =	sadd.s32 $0x80, s12;
	s14 =	sshra.s32 s14, $0x2  }
0x46f: {  	s14 =	sadd.s32 s14, s12  }
0x470: {  	v0 =	vld [tilespmem:s14+$0x0];
	_ =	sdelay $0x3  }
0x471: {  	s11 =	sadd.s32 $0x20, s11  }
0x472: {  	[tilespmem:s11+$0xFFFFFFF0] =	vst v0  }
.Ltmp24:
0x473: {  	v0 =	vld [tilespmem:s14+$0x10];
	(pc) =	sbr.rel @p0 .LBB2_50-.Ltmp24, $2  }
0x474: {  	_ =	sdelay $0x2  }
0x475: {  	s14 =	sand.u32 $0xFF, s13;
	s13 =	sadd.s32 $0x1, s13  }
0x476: {  	s13 =	sor.u32 $0x3100, s14;
	[tilespmem:s11+$0x0] =	vst v0  }
0x477: {  	v0 =	vld.msk [tilespmem:s13+$0x0], $0x1;
	_ =	sdelay $0x4  }
0x478: {  	(v2sf) =	vpush v0, $0x0;
	_ =	sdelay $0xe  }
0x479: {  	s14 =	spop (v2sf)  }
0x47a: {  	s13 =	sshll.u32 s14, $0x2  }
0x47b: {  	s12 =	sadd.s32 $0x80, s12;
	s13 =	sshra.s32 s13, $0x2  }
0x47c: {  	s12 =	sadd.s32 s13, s12  }
0x47d: {  	v63 =	vld [tilespmem:s12+$0x0];
	_ =	sdelay $0x3  }
0x47e: {  	s14 =	sadd.s32 $0x20, s11  }
0x47f: {  	[tilespmem:s14+$0xFFFFFFF0] =	vst v63  }
0x480: {  	v0 =	vld [tilespmem:s12+$0x10];
	_ =	sdelay $0x2  }
0x481: {  	s10 =	sadd.s32 $0x1, s10  }
0x482: {  	p0 =	sne.s32 s10, s0  }
.Ltmp25:
0x483: {  	[tilespmem:s14+$0x0] =	vst v0;
	(pc) =	sbr.rel @p0 .LBB2_1-.Ltmp25, $4  }
0x484: {  	[hbm4b:s31+s2] =	stream.linear.scatter [tilespmem:s7], [sflag:$0x3], $0x2000, $0x38;
	[tilespmem:$0x15200] =	vst v63  }
0x485: {  	_ =	swait.ge [sflag:s1], $0x2000  }
0x486: {  	[sflag:s1] =	ssyncset.done $0x0  }
0x487: {  	[sflag:s1] =	ssyncadd.s32 $0xFFFFE000  }
0x488: {  	_ =	sfence.sel $0x180000  }
0x489: {  	[bflag:$0x0] =	sbarrier.arrive $0xFFFF  }
0x48a: {  	_ =	strace $0x90000047  }
0x48b: {  	s0 =	stileid.u32;
	[bflag:$0x2] =	sbarrier.arrive $0xFFFF  }
0x48c: {  	p0 =	sne.s32 s0, $0x0;
	s0 =	rddreg [dreg:$0x2]  }
0x48d: {  	s0 =	sadd.s32 @!p0 $0x100000, s0  }
0x48e: {  	[sflag:s0] =	ssyncadd.tile.s32 @!p0 $0x1;
	_ =	shalt  }
.Lfunc_end2:
_tile_overlayer_lowered:
.L_overlay_start_2:
0x48f: {  	(tag) =	ssettag $0x2  }
0x490: {  	s0 =	rddreg [dreg:$0x0];
	s2 =	stileid.u32  }
0x491: {  	s1 =	rddreg [dreg:$0x1];
	p0 =	sne.s32 s2, $0x0  }
0x492: {  	s3 =	rddreg [dreg:$0x2];
	[bflag:$0x3] =	sbarrier.arrive $0xFFFF;
	s2 =	simm.s32 @!p0 $0x1C03  }
0x493: {  	[timem:s3], [sflag:s2] =	dma.local @!p0 [hbm:s0], s1  }
0x494: {  	s0 =	simm.s32 @!p0 $0x3  }
0x495: {  	_ =	swait.ge @!p0 [sflag:s0], s1  }
0x496: {  	s1 =	ssub.s32 @!p0 $0x0, s1;
	[sflag:s0] =	ssyncset.done @!p0 $0x0  }
0x497: {  	[sflag:s0] =	ssyncadd.s32 @!p0 s1  }
0x498: {  	[bflag:$0x3] =	sbarrier.arrive $0xFFFF  }
0x499: {  	_ =	shalt  }

</sc_bundles>
